<compile_context>
chip_gen: v7x
topology: tpu7x:2x2x1
jax: 0.10.2.dev20260603
libtpu: 0.0.44.dev20260713+nightly
codegen_flags: <defaults>
</compile_context>

<pallas_src>
import jax
import jax.numpy as jnp
from jax import lax
from jax.experimental import pallas as pl
from jax.experimental.pallas import tpu as pltpu
from jax.experimental.pallas import tpu_sc as plsc

S = 50
V = 39
D = 32
B = 16384
NW = 32
BW = B // NW
SV = S * V
DT = D // 8
BT = BW // 128
STAGE = DT * BT * 8 * 128


def _table_body(pe_ref, ew_ref, out_ref):
    pe_t = pe_ref[...].T
    ew_t = ew_ref[...].T
    out_ref[...] = pe_t[:, :, None] + ew_t[:, None, :]


def _fused_table_t(pe, ew):
    t = pl.pallas_call(
        _table_body,
        out_shape=jax.ShapeDtypeStruct((D, S, V), jnp.float32),
    )(pe, ew)
    return t.reshape(D * S * V)


def _sc_body(x_hbm, tt_hbm, out_hbm, xv, ttv, stage, osem0, osem1):
    wid = lax.axis_index("s") * 2 + lax.axis_index("c")
    b0 = wid * BW
    pltpu.sync_copy(tt_hbm, ttv)
    pltpu.sync_copy(x_hbm.at[pl.ds(b0 * S, BW * S)], xv)
    i50 = lax.iota(jnp.int32, 16) * S

    def fill(s, slot):
        @plsc.parallel_loop(0, BW // 16, unroll=2)
        def _(jj):
            tb_off = (jj // 8) * 1024 + (jj % 8) * 16
            xg = plsc.load_gather(xv, [i50 + (jj * (16 * S) + s)])
            idx = xg + s * V
            for d in range(D):
                tv = plsc.load_gather(ttv, [idx])
                off = tb_off + (d // 8) * (BT * 1024) + (d % 8) * 128
                stage[slot, pl.ds(off, 16)] = tv
                idx = idx + SV

    def flush(s, slot, sem):
        for dt in range(DT):
            pltpu.async_copy(
                stage.at[slot, pl.ds(dt * (BT * 1024), BT * 1024)],
                out_hbm.at[pl.ds(((s * DT + dt) * 128 + wid * BT) * 1024,
                                 BT * 1024)],
                sem,
            )

    def drain(slot, sem):
        pltpu.make_async_copy(
            out_hbm.at[pl.ds(0, STAGE)], stage.at[slot], sem
        ).wait()

    def do_pair(p, carry):
        @pl.when(p > 0)
        def _():
            drain(0, osem0)

        fill(2 * p, 0)
        flush(2 * p, 0, osem0)

        @pl.when(p > 0)
        def _():
            drain(1, osem1)

        fill(2 * p + 1, 1)
        flush(2 * p + 1, 1, osem1)
        return carry

    lax.fori_loop(0, S // 2, do_pair, 0)
    drain(0, osem0)
    drain(1, osem1)


def _sc_lookup(x_flat, ttf):
    mesh = plsc.VectorSubcoreMesh(core_axis_name="c", subcore_axis_name="s")
    fn = pl.kernel(
        _sc_body,
        mesh=mesh,
        out_type=jax.ShapeDtypeStruct((B * S * D,), jnp.float32),
        scratch_types=[
            pltpu.VMEM((BW * S,), jnp.int32),
            pltpu.VMEM((D * S * V,), jnp.float32),
            pltpu.VMEM((2, STAGE), jnp.float32),
            pltpu.SemaphoreType.DMA,
            pltpu.SemaphoreType.DMA,
        ],
        compiler_params=pltpu.CompilerParams(
            use_tc_tiling_on_sc=False, needs_layout_passes=False
        ),
    )
    return fn(x_flat, ttf)


def kernel(x, embed_weight, pe):
    ttf = _fused_table_t(pe.astype(jnp.float32), embed_weight.astype(jnp.float32))
    x_flat = x.reshape(-1).astype(jnp.int32)
    flat = _sc_lookup(x_flat, ttf)
    o5 = flat.reshape(S, DT, B // 128, 8, 128)
    return o5.transpose(2, 4, 0, 1, 3).reshape(B, S, D)

# --- scband reference (transcript-rebuilt; emitter-appended) ---
"""Pipeline reference for scband-position-embedding-69423851373114 (READ-ONLY COPY).

The authoritative reference and input builder live on the scoring server;
editing this copy changes nothing except your own understanding.
"""

import jax, jax.numpy as jnp
import numpy as np
import math


def _make_pe():
    pe = np.empty((50, 32), dtype=np.float32)
    for i in range(50):
        for j in range(32):
            fenmu = 10000.0 ** (j / 32)
            v = i / fenmu
            pe[i, j] = math.sin(v) if j % 2 == 0 else math.cos(v)
    return jnp.asarray(pe)


def setup_inputs(seed: int = 0) -> dict:
    key = jax.random.key(seed)
    k1, k2 = jax.random.split(key)
    x = jax.random.randint(k1, (16384, 50), 0, 39)
    embed_weight = jax.random.normal(k2, (39, 32), dtype=jnp.float32) * 0.1
    pe = _make_pe()
    return {"x": x, "embed_weight": embed_weight, "pe": pe}


def reference(x, embed_weight, pe):
    # nn.Embedding lookup -> gather rows of the table, then add positional encoding
    embed = jnp.take(embed_weight, x, axis=0)  # [B, 50, 32]
    return embed + pe  # broadcast [50, 32] over batch

if __name__ == "__main__":
    import jax
    _d = setup_inputs()
    print(jax.jit(kernel)(*tuple(_d.values())))

</pallas_src>

<mosaic_0001>
#map = affine_map<(d0, d1) -> (0)>
module attributes {stable_mosaic.version = 14 : i64} {
  func.func @_sc_body(%arg0: i32, %arg1: i32, %arg2: memref<819200xi32, #tpu.memory_space<hbm>>, %arg3: memref<62400xf32, #tpu.memory_space<hbm>>, %arg4: memref<26214400xf32, #tpu.memory_space<hbm>>, %arg5: memref<25600xi32, #tpu.memory_space<vmem>>, %arg6: memref<62400xf32, #tpu.memory_space<vmem>>, %arg7: memref<2x16384xf32, #tpu.memory_space<vmem>>, %arg8: memref<!tpu.dma_semaphore, #tpu.memory_space<semaphore_mem>>, %arg9: memref<!tpu.dma_semaphore, #tpu.memory_space<semaphore_mem>>) attributes {dimension_semantics = [#tpu.dimension_semantics<core_parallel>, #tpu.dimension_semantics<subcore_parallel>], iteration_bounds = array<i64: 2, 16>, scalar_prefetch = 0 : i64, scratch_operands = 5 : i64, tpu.core_type = #tpu.core_type<sc_vector_subcore>, window_params = [{transform_indices = #map}, {transform_indices = #map}, {transform_indices = #map}]} {
    %mul3A = arith.constant 2 : i32
    %mul3A_0 = arith.muli %arg1, %mul3A : i32
    %add3A = arith.addi %mul3A_0, %arg0 : i32
    %mul3A_1 = arith.constant 512 : i32
    %mul3A_2 = arith.muli %add3A, %mul3A_1 : i32
    "tpu.region"() ({
      %run_scoped3A = tpu.sem_alloc : memref<!tpu.dma_semaphore, #tpu.memory_space<semaphore_mem>>
      tpu.enqueue_dma source(%arg3 : memref<62400xf32, #tpu.memory_space<hbm>>) target(%arg6 : memref<62400xf32, #tpu.memory_space<vmem>>) target_semaphore(%run_scoped3A : memref<!tpu.dma_semaphore, #tpu.memory_space<semaphore_mem>>)
      tpu.wait_dma2 semaphore(%run_scoped3A : memref<!tpu.dma_semaphore, #tpu.memory_space<semaphore_mem>>) src(%arg3 : memref<62400xf32, #tpu.memory_space<hbm>>) dst(%arg6 : memref<62400xf32, #tpu.memory_space<vmem>>)
      tpu.yield
    }) : () -> ()
    %mul3A_3 = arith.constant 50 : i32
    %mul3A_4 = arith.muli %mul3A_2, %mul3A_3 : i32
    "tpu.region"() ({
      %run_scoped3A = tpu.sem_alloc : memref<!tpu.dma_semaphore, #tpu.memory_space<semaphore_mem>>
      %dma_start3A = tpu.memref_slice %arg2[%mul3A_4] : memref<819200xi32, #tpu.memory_space<hbm>> -> memref<25600xi32, #tpu.memory_space<hbm>>
      %dma_start3A_34 = tpu.memref_slice %arg2[%mul3A_4] : memref<819200xi32, #tpu.memory_space<hbm>> -> memref<25600xi32, #tpu.memory_space<hbm>>
      tpu.enqueue_dma source(%dma_start3A_34 : memref<25600xi32, #tpu.memory_space<hbm>>) target(%arg5 : memref<25600xi32, #tpu.memory_space<vmem>>) target_semaphore(%run_scoped3A : memref<!tpu.dma_semaphore, #tpu.memory_space<semaphore_mem>>)
      %dma_wait3A_35 = tpu.memref_slice %arg2[%mul3A_4] : memref<819200xi32, #tpu.memory_space<hbm>> -> memref<25600xi32, #tpu.memory_space<hbm>>
      %dma_wait3A_36 = tpu.memref_slice %arg2[%mul3A_4] : memref<819200xi32, #tpu.memory_space<hbm>> -> memref<25600xi32, #tpu.memory_space<hbm>>
      tpu.wait_dma2 semaphore(%run_scoped3A : memref<!tpu.dma_semaphore, #tpu.memory_space<semaphore_mem>>) src(%dma_wait3A_36 : memref<25600xi32, #tpu.memory_space<hbm>>) dst(%arg5 : memref<25600xi32, #tpu.memory_space<vmem>>)
      tpu.yield
    }) : () -> ()
    %iota3A = tpu.iota {dimensions = array<i32: 0>} : vector<16xi32>
    %mul3A_5 = arith.constant 50 : i32
    %mul3A_6 = vector.broadcast %mul3A_5 : i32 to vector<16xi32>
    %mul3A_7 = arith.muli %iota3A, %mul3A_6 : vector<16xi32>
    %scan3A = arith.constant 0 : i32
    %scan3A_8 = arith.constant 0 : i32
    %scan3A_9 = arith.constant 25 : i32
    %scan3A_10 = arith.addi %scan3A_8, %scan3A_9 : i32
    %scan3A_11 = arith.constant 1 : i32
    scf.for %scan3A_34 = %scan3A_8 to %scan3A_10 step %scan3A_11  : i32 {
      %gt3A = arith.constant 0 : i32
      %gt3A_35 = arith.cmpi sgt, %scan3A_34, %gt3A : i32
      %convert_element_type3A = arith.extui %gt3A_35 : i1 to i32
      %cond3A = arith.constant 0 : i32
      %cond3A_36 = arith.cmpi ne, %convert_element_type3A, %cond3A : i32
      scf.if %cond3A_36 {
        %dma_wait3A_218 = arith.constant 0 : i32
        %dma_wait3A_219 = arith.constant 0 : i32
        %dma_wait3A_220 = tpu.memref_slice %arg7[%dma_wait3A_218, %dma_wait3A_219] : memref<2x16384xf32, #tpu.memory_space<vmem>> -> memref<1x16384xf32, #tpu.memory_space<vmem>>
        %dma_wait3A_221 = tpu.memref_squeeze %dma_wait3A_220 : memref<1x16384xf32, #tpu.memory_space<vmem>> -> memref<16384xf32, #tpu.memory_space<vmem>>
        %dma_wait3A_222 = arith.constant 0 : i32
        %dma_wait3A_223 = tpu.memref_slice %arg4[%dma_wait3A_222] : memref<26214400xf32, #tpu.memory_space<hbm>> -> memref<16384xf32, #tpu.memory_space<hbm>>
        %dma_wait3A_224 = arith.constant 0 : i32
        %dma_wait3A_225 = tpu.memref_slice %arg7[%dma_wait3A_218, %dma_wait3A_224] : memref<2x16384xf32, #tpu.memory_space<vmem>> -> memref<1x16384xf32, #tpu.memory_space<vmem>>
        %dma_wait3A_226 = tpu.memref_squeeze %dma_wait3A_225 : memref<1x16384xf32, #tpu.memory_space<vmem>> -> memref<16384xf32, #tpu.memory_space<vmem>>
        %dma_wait3A_227 = arith.constant 0 : i32
        %dma_wait3A_228 = tpu.memref_slice %arg4[%dma_wait3A_227] : memref<26214400xf32, #tpu.memory_space<hbm>> -> memref<16384xf32, #tpu.memory_space<hbm>>
        tpu.wait_dma2 semaphore(%arg8 : memref<!tpu.dma_semaphore, #tpu.memory_space<semaphore_mem>>) src(%dma_wait3A_228 : memref<16384xf32, #tpu.memory_space<hbm>>) dst(%dma_wait3A_226 : memref<16384xf32, #tpu.memory_space<vmem>>)
      } else {
      }
      %mul3A_37 = arith.constant 2 : i32
      %mul3A_38 = arith.muli %mul3A_37, %scan3A_34 : i32
      %parallel_loop3A = arith.constant 0 : i32
      %parallel_loop3A_39 = arith.constant 32 : i32
      %parallel_loop3A_40 = arith.constant 1 : i32
      scf.for %parallel_loop3A_218 = %parallel_loop3A to %parallel_loop3A_39 step %parallel_loop3A_40  : i32 {
        %parallel_loop3A_219 = arith.constant 8 : i32
        %parallel_loop3A_220 = arith.divsi %parallel_loop3A_218, %parallel_loop3A_219 : i32
        %parallel_loop3A_221 = arith.constant 0 : i32
        %parallel_loop3A_222 = arith.cmpi sgt, %parallel_loop3A_218, %parallel_loop3A_221 : i32
        %parallel_loop3A_223 = arith.extui %parallel_loop3A_222 : i1 to i32
        %parallel_loop3A_224 = arith.constant 0 : i32
        %parallel_loop3A_225 = arith.cmpi slt, %parallel_loop3A_218, %parallel_loop3A_224 : i32
        %parallel_loop3A_226 = arith.extui %parallel_loop3A_225 : i1 to i32
        %parallel_loop3A_227 = arith.subi %parallel_loop3A_223, %parallel_loop3A_226 : i32
        %parallel_loop3A_228 = arith.constant 0 : i32
        %parallel_loop3A_229 = arith.cmpi sgt, %parallel_loop3A_219, %parallel_loop3A_228 : i32
        %parallel_loop3A_230 = arith.extui %parallel_loop3A_229 : i1 to i32
        %parallel_loop3A_231 = arith.constant 0 : i32
        %parallel_loop3A_232 = arith.cmpi slt, %parallel_loop3A_219, %parallel_loop3A_231 : i32
        %parallel_loop3A_233 = arith.extui %parallel_loop3A_232 : i1 to i32
        %parallel_loop3A_234 = arith.subi %parallel_loop3A_230, %parallel_loop3A_233 : i32
        %parallel_loop3A_235 = arith.cmpi ne, %parallel_loop3A_227, %parallel_loop3A_234 : i32
        %parallel_loop3A_236 = arith.remsi %parallel_loop3A_218, %parallel_loop3A_219 : i32
        %parallel_loop3A_237 = arith.constant 0 : i32
        %parallel_loop3A_238 = arith.cmpi ne, %parallel_loop3A_236, %parallel_loop3A_237 : i32
        %parallel_loop3A_239 = arith.andi %parallel_loop3A_235, %parallel_loop3A_238 : i1
        %parallel_loop3A_240 = arith.constant 1 : i32
        %parallel_loop3A_241 = arith.subi %parallel_loop3A_220, %parallel_loop3A_240 : i32
        %parallel_loop3A_242 = arith.select %parallel_loop3A_239, %parallel_loop3A_241, %parallel_loop3A_220 : i32
        %parallel_loop3A_243 = arith.constant 1024 : i32
        %parallel_loop3A_244 = arith.muli %parallel_loop3A_242, %parallel_loop3A_243 : i32
        %parallel_loop3A_245 = arith.constant 8 : i32
        %parallel_loop3A_246 = arith.constant 0 : i32
        %parallel_loop3A_247 = arith.cmpi eq, %parallel_loop3A_245, %parallel_loop3A_246 : i32
        %parallel_loop3A_248 = arith.constant 1 : i32
        %parallel_loop3A_249 = arith.select %parallel_loop3A_247, %parallel_loop3A_248, %parallel_loop3A_245 : i32
        %parallel_loop3A_250 = arith.remsi %parallel_loop3A_218, %parallel_loop3A_249 : i32
        %parallel_loop3A_251 = arith.constant 0 : i32
        %parallel_loop3A_252 = arith.cmpi ne, %parallel_loop3A_250, %parallel_loop3A_251 : i32
        %parallel_loop3A_253 = arith.constant 0 : i32
        %parallel_loop3A_254 = arith.cmpi slt, %parallel_loop3A_250, %parallel_loop3A_253 : i32
        %parallel_loop3A_255 = arith.constant 0 : i32
        %parallel_loop3A_256 = arith.cmpi slt, %parallel_loop3A_249, %parallel_loop3A_255 : i32
        %parallel_loop3A_257 = arith.xori %parallel_loop3A_254, %parallel_loop3A_256 : i1
        %parallel_loop3A_258 = arith.andi %parallel_loop3A_257, %parallel_loop3A_252 : i1
        %parallel_loop3A_259 = arith.addi %parallel_loop3A_250, %parallel_loop3A_249 : i32
        %parallel_loop3A_260 = arith.select %parallel_loop3A_258, %parallel_loop3A_259, %parallel_loop3A_250 : i32
        %parallel_loop3A_261 = arith.constant 16 : i32
        %parallel_loop3A_262 = arith.muli %parallel_loop3A_260, %parallel_loop3A_261 : i32
        %parallel_loop3A_263 = arith.addi %parallel_loop3A_244, %parallel_loop3A_262 : i32
        %parallel_loop3A_264 = arith.constant 800 : i32
        %parallel_loop3A_265 = arith.muli %parallel_loop3A_218, %parallel_loop3A_264 : i32
        %parallel_loop3A_266 = arith.addi %parallel_loop3A_265, %mul3A_38 : i32
        %parallel_loop3A_267 = vector.broadcast %parallel_loop3A_266 : i32 to vector<16xi32>
        %parallel_loop3A_268 = arith.addi %mul3A_7, %parallel_loop3A_267 : vector<16xi32>
        %parallel_loop3A_269 = tpu.vector_load_idx %arg5[%parallel_loop3A_268] : memref<25600xi32, #tpu.memory_space<vmem>>[vector<16xi32>], vector<16xi32>,
        %parallel_loop3A_270 = arith.constant 39 : i32
        %parallel_loop3A_271 = arith.muli %mul3A_38, %parallel_loop3A_270 : i32
        %parallel_loop3A_272 = vector.broadcast %parallel_loop3A_271 : i32 to vector<16xi32>
        %parallel_loop3A_273 = arith.addi %parallel_loop3A_269, %parallel_loop3A_272 : vector<16xi32>
        %parallel_loop3A_274 = tpu.vector_load_idx %arg6[%parallel_loop3A_273] : memref<62400xf32, #tpu.memory_space<vmem>>[vector<16xi32>], vector<16xf32>,
        %parallel_loop3A_275 = arith.constant 0 : i32
        %parallel_loop3A_276 = arith.addi %parallel_loop3A_263, %parallel_loop3A_275 : i32
        %parallel_loop3A_277 = arith.constant 0 : i32
        %parallel_loop3A_278 = arith.addi %parallel_loop3A_276, %parallel_loop3A_277 : i32
        %parallel_loop3A_279 = arith.constant 0 : i32
        %parallel_loop3A_280 = arith.index_cast %parallel_loop3A_279 : i32 to index
        %parallel_loop3A_281 = arith.index_cast %parallel_loop3A_278 : i32 to index
        %parallel_loop3A_282 = tpu.vector_load %arg7[%parallel_loop3A_280, %parallel_loop3A_281] {strides = array<i32>} : memref<2x16384xf32, #tpu.memory_space<vmem>>, vector<16xf32>,
        tpu.vector_store %arg7[%parallel_loop3A_280, %parallel_loop3A_281], %parallel_loop3A_274 {strides = array<i32>} : memref<2x16384xf32, #tpu.memory_space<vmem>>, vector<16xf32>,
        %parallel_loop3A_283 = arith.constant 1950 : i32
        %parallel_loop3A_284 = vector.broadcast %parallel_loop3A_283 : i32 to vector<16xi32>
        %parallel_loop3A_285 = arith.addi %parallel_loop3A_273, %parallel_loop3A_284 : vector<16xi32>
        %parallel_loop3A_286 = tpu.vector_load_idx %arg6[%parallel_loop3A_285] : memref<62400xf32, #tpu.memory_space<vmem>>[vector<16xi32>], vector<16xf32>,
        %parallel_loop3A_287 = arith.constant 0 : i32
        %parallel_loop3A_288 = arith.addi %parallel_loop3A_263, %parallel_loop3A_287 : i32
        %parallel_loop3A_289 = arith.constant 128 : i32
        %parallel_loop3A_290 = arith.addi %parallel_loop3A_288, %parallel_loop3A_289 : i32
        %parallel_loop3A_291 = arith.constant 0 : i32
        %parallel_loop3A_292 = arith.index_cast %parallel_loop3A_291 : i32 to index
        %parallel_loop3A_293 = arith.index_cast %parallel_loop3A_290 : i32 to index
        %parallel_loop3A_294 = tpu.vector_load %arg7[%parallel_loop3A_292, %parallel_loop3A_293] {strides = array<i32>} : memref<2x16384xf32, #tpu.memory_space<vmem>>, vector<16xf32>,
        tpu.vector_store %arg7[%parallel_loop3A_292, %parallel_loop3A_293], %parallel_loop3A_286 {strides = array<i32>} : memref<2x16384xf32, #tpu.memory_space<vmem>>, vector<16xf32>,
        %parallel_loop3A_295 = arith.constant 1950 : i32
        %parallel_loop3A_296 = vector.broadcast %parallel_loop3A_295 : i32 to vector<16xi32>
        %parallel_loop3A_297 = arith.addi %parallel_loop3A_285, %parallel_loop3A_296 : vector<16xi32>
        %parallel_loop3A_298 = tpu.vector_load_idx %arg6[%parallel_loop3A_297] : memref<62400xf32, #tpu.memory_space<vmem>>[vector<16xi32>], vector<16xf32>,
        %parallel_loop3A_299 = arith.constant 0 : i32
        %parallel_loop3A_300 = arith.addi %parallel_loop3A_263, %parallel_loop3A_299 : i32
        %parallel_loop3A_301 = arith.constant 256 : i32
        %parallel_loop3A_302 = arith.addi %parallel_loop3A_300, %parallel_loop3A_301 : i32
        %parallel_loop3A_303 = arith.constant 0 : i32
        %parallel_loop3A_304 = arith.index_cast %parallel_loop3A_303 : i32 to index
        %parallel_loop3A_305 = arith.index_cast %parallel_loop3A_302 : i32 to index
        %parallel_loop3A_306 = tpu.vector_load %arg7[%parallel_loop3A_304, %parallel_loop3A_305] {strides = array<i32>} : memref<2x16384xf32, #tpu.memory_space<vmem>>, vector<16xf32>,
        tpu.vector_store %arg7[%parallel_loop3A_304, %parallel_loop3A_305], %parallel_loop3A_298 {strides = array<i32>} : memref<2x16384xf32, #tpu.memory_space<vmem>>, vector<16xf32>,
        %parallel_loop3A_307 = arith.constant 1950 : i32
        %parallel_loop3A_308 = vector.broadcast %parallel_loop3A_307 : i32 to vector<16xi32>
        %parallel_loop3A_309 = arith.addi %parallel_loop3A_297, %parallel_loop3A_308 : vector<16xi32>
        %parallel_loop3A_310 = tpu.vector_load_idx %arg6[%parallel_loop3A_309] : memref<62400xf32, #tpu.memory_space<vmem>>[vector<16xi32>], vector<16xf32>,
        %parallel_loop3A_311 = arith.constant 0 : i32
        %parallel_loop3A_312 = arith.addi %parallel_loop3A_263, %parallel_loop3A_311 : i32
        %parallel_loop3A_313 = arith.constant 384 : i32
        %parallel_loop3A_314 = arith.addi %parallel_loop3A_312, %parallel_loop3A_313 : i32
        %parallel_loop3A_315 = arith.constant 0 : i32
        %parallel_loop3A_316 = arith.index_cast %parallel_loop3A_315 : i32 to index
        %parallel_loop3A_317 = arith.index_cast %parallel_loop3A_314 : i32 to index
        %parallel_loop3A_318 = tpu.vector_load %arg7[%parallel_loop3A_316, %parallel_loop3A_317] {strides = array<i32>} : memref<2x16384xf32, #tpu.memory_space<vmem>>, vector<16xf32>,
        tpu.vector_store %arg7[%parallel_loop3A_316, %parallel_loop3A_317], %parallel_loop3A_310 {strides = array<i32>} : memref<2x16384xf32, #tpu.memory_space<vmem>>, vector<16xf32>,
        %parallel_loop3A_319 = arith.constant 1950 : i32
        %parallel_loop3A_320 = vector.broadcast %parallel_loop3A_319 : i32 to vector<16xi32>
        %parallel_loop3A_321 = arith.addi %parallel_loop3A_309, %parallel_loop3A_320 : vector<16xi32>
        %parallel_loop3A_322 = tpu.vector_load_idx %arg6[%parallel_loop3A_321] : memref<62400xf32, #tpu.memory_space<vmem>>[vector<16xi32>], vector<16xf32>,
        %parallel_loop3A_323 = arith.constant 0 : i32
        %parallel_loop3A_324 = arith.addi %parallel_loop3A_263, %parallel_loop3A_323 : i32
        %parallel_loop3A_325 = arith.constant 512 : i32
        %parallel_loop3A_326 = arith.addi %parallel_loop3A_324, %parallel_loop3A_325 : i32
        %parallel_loop3A_327 = arith.constant 0 : i32
        %parallel_loop3A_328 = arith.index_cast %parallel_loop3A_327 : i32 to index
        %parallel_loop3A_329 = arith.index_cast %parallel_loop3A_326 : i32 to index
        %parallel_loop3A_330 = tpu.vector_load %arg7[%parallel_loop3A_328, %parallel_loop3A_329] {strides = array<i32>} : memref<2x16384xf32, #tpu.memory_space<vmem>>, vector<16xf32>,
        tpu.vector_store %arg7[%parallel_loop3A_328, %parallel_loop3A_329], %parallel_loop3A_322 {strides = array<i32>} : memref<2x16384xf32, #tpu.memory_space<vmem>>, vector<16xf32>,
        %parallel_loop3A_331 = arith.constant 1950 : i32
        %parallel_loop3A_332 = vector.broadcast %parallel_loop3A_331 : i32 to vector<16xi32>
        %parallel_loop3A_333 = arith.addi %parallel_loop3A_321, %parallel_loop3A_332 : vector<16xi32>
        %parallel_loop3A_334 = tpu.vector_load_idx %arg6[%parallel_loop3A_333] : memref<62400xf32, #tpu.memory_space<vmem>>[vector<16xi32>], vector<16xf32>,
        %parallel_loop3A_335 = arith.constant 0 : i32
        %parallel_loop3A_336 = arith.addi %parallel_loop3A_263, %parallel_loop3A_335 : i32
        %parallel_loop3A_337 = arith.constant 640 : i32
        %parallel_loop3A_338 = arith.addi %parallel_loop3A_336, %parallel_loop3A_337 : i32
        %parallel_loop3A_339 = arith.constant 0 : i32
        %parallel_loop3A_340 = arith.index_cast %parallel_loop3A_339 : i32 to index
        %parallel_loop3A_341 = arith.index_cast %parallel_loop3A_338 : i32 to index
        %parallel_loop3A_342 = tpu.vector_load %arg7[%parallel_loop3A_340, %parallel_loop3A_341] {strides = array<i32>} : memref<2x16384xf32, #tpu.memory_space<vmem>>, vector<16xf32>,
        tpu.vector_store %arg7[%parallel_loop3A_340, %parallel_loop3A_341], %parallel_loop3A_334 {strides = array<i32>} : memref<2x16384xf32, #tpu.memory_space<vmem>>, vector<16xf32>,
        %parallel_loop3A_343 = arith.constant 1950 : i32
        %parallel_loop3A_344 = vector.broadcast %parallel_loop3A_343 : i32 to vector<16xi32>
        %parallel_loop3A_345 = arith.addi %parallel_loop3A_333, %parallel_loop3A_344 : vector<16xi32>
        %parallel_loop3A_346 = tpu.vector_load_idx %arg6[%parallel_loop3A_345] : memref<62400xf32, #tpu.memory_space<vmem>>[vector<16xi32>], vector<16xf32>,
        %parallel_loop3A_347 = arith.constant 0 : i32
        %parallel_loop3A_348 = arith.addi %parallel_loop3A_263, %parallel_loop3A_347 : i32
        %parallel_loop3A_349 = arith.constant 768 : i32
        %parallel_loop3A_350 = arith.addi %parallel_loop3A_348, %parallel_loop3A_349 : i32
        %parallel_loop3A_351 = arith.constant 0 : i32
        %parallel_loop3A_352 = arith.index_cast %parallel_loop3A_351 : i32 to index
        %parallel_loop3A_353 = arith.index_cast %parallel_loop3A_350 : i32 to index
        %parallel_loop3A_354 = tpu.vector_load %arg7[%parallel_loop3A_352, %parallel_loop3A_353] {strides = array<i32>} : memref<2x16384xf32, #tpu.memory_space<vmem>>, vector<16xf32>,
        tpu.vector_store %arg7[%parallel_loop3A_352, %parallel_loop3A_353], %parallel_loop3A_346 {strides = array<i32>} : memref<2x16384xf32, #tpu.memory_space<vmem>>, vector<16xf32>,
        %parallel_loop3A_355 = arith.constant 1950 : i32
        %parallel_loop3A_356 = vector.broadcast %parallel_loop3A_355 : i32 to vector<16xi32>
        %parallel_loop3A_357 = arith.addi %parallel_loop3A_345, %parallel_loop3A_356 : vector<16xi32>
        %parallel_loop3A_358 = tpu.vector_load_idx %arg6[%parallel_loop3A_357] : memref<62400xf32, #tpu.memory_space<vmem>>[vector<16xi32>], vector<16xf32>,
        %parallel_loop3A_359 = arith.constant 0 : i32
        %parallel_loop3A_360 = arith.addi %parallel_loop3A_263, %parallel_loop3A_359 : i32
        %parallel_loop3A_361 = arith.constant 896 : i32
        %parallel_loop3A_362 = arith.addi %parallel_loop3A_360, %parallel_loop3A_361 : i32
        %parallel_loop3A_363 = arith.constant 0 : i32
        %parallel_loop3A_364 = arith.index_cast %parallel_loop3A_363 : i32 to index
        %parallel_loop3A_365 = arith.index_cast %parallel_loop3A_362 : i32 to index
        %parallel_loop3A_366 = tpu.vector_load %arg7[%parallel_loop3A_364, %parallel_loop3A_365] {strides = array<i32>} : memref<2x16384xf32, #tpu.memory_space<vmem>>, vector<16xf32>,
        tpu.vector_store %arg7[%parallel_loop3A_364, %parallel_loop3A_365], %parallel_loop3A_358 {strides = array<i32>} : memref<2x16384xf32, #tpu.memory_space<vmem>>, vector<16xf32>,
        %parallel_loop3A_367 = arith.constant 1950 : i32
        %parallel_loop3A_368 = vector.broadcast %parallel_loop3A_367 : i32 to vector<16xi32>
        %parallel_loop3A_369 = arith.addi %parallel_loop3A_357, %parallel_loop3A_368 : vector<16xi32>
        %parallel_loop3A_370 = tpu.vector_load_idx %arg6[%parallel_loop3A_369] : memref<62400xf32, #tpu.memory_space<vmem>>[vector<16xi32>], vector<16xf32>,
        %parallel_loop3A_371 = arith.constant 4096 : i32
        %parallel_loop3A_372 = arith.addi %parallel_loop3A_263, %parallel_loop3A_371 : i32
        %parallel_loop3A_373 = arith.constant 0 : i32
        %parallel_loop3A_374 = arith.addi %parallel_loop3A_372, %parallel_loop3A_373 : i32
        %parallel_loop3A_375 = arith.constant 0 : i32
        %parallel_loop3A_376 = arith.index_cast %parallel_loop3A_375 : i32 to index
        %parallel_loop3A_377 = arith.index_cast %parallel_loop3A_374 : i32 to index
        %parallel_loop3A_378 = tpu.vector_load %arg7[%parallel_loop3A_376, %parallel_loop3A_377] {strides = array<i32>} : memref<2x16384xf32, #tpu.memory_space<vmem>>, vector<16xf32>,
        tpu.vector_store %arg7[%parallel_loop3A_376, %parallel_loop3A_377], %parallel_loop3A_370 {strides = array<i32>} : memref<2x16384xf32, #tpu.memory_space<vmem>>, vector<16xf32>,
        %parallel_loop3A_379 = arith.constant 1950 : i32
        %parallel_loop3A_380 = vector.broadcast %parallel_loop3A_379 : i32 to vector<16xi32>
        %parallel_loop3A_381 = arith.addi %parallel_loop3A_369, %parallel_loop3A_380 : vector<16xi32>
        %parallel_loop3A_382 = tpu.vector_load_idx %arg6[%parallel_loop3A_381] : memref<62400xf32, #tpu.memory_space<vmem>>[vector<16xi32>], vector<16xf32>,
        %parallel_loop3A_383 = arith.constant 4096 : i32
        %parallel_loop3A_384 = arith.addi %parallel_loop3A_263, %parallel_loop3A_383 : i32
        %parallel_loop3A_385 = arith.constant 128 : i32
        %parallel_loop3A_386 = arith.addi %parallel_loop3A_384, %parallel_loop3A_385 : i32
        %parallel_loop3A_387 = arith.constant 0 : i32
        %parallel_loop3A_388 = arith.index_cast %parallel_loop3A_387 : i32 to index
        %parallel_loop3A_389 = arith.index_cast %parallel_loop3A_386 : i32 to index
        %parallel_loop3A_390 = tpu.vector_load %arg7[%parallel_loop3A_388, %parallel_loop3A_389] {strides = array<i32>} : memref<2x16384xf32, #tpu.memory_space<vmem>>, vector<16xf32>,
        tpu.vector_store %arg7[%parallel_loop3A_388, %parallel_loop3A_389], %parallel_loop3A_382 {strides = array<i32>} : memref<2x16384xf32, #tpu.memory_space<vmem>>, vector<16xf32>,
        %parallel_loop3A_391 = arith.constant 1950 : i32
        %parallel_loop3A_392 = vector.broadcast %parallel_loop3A_391 : i32 to vector<16xi32>
        %parallel_loop3A_393 = arith.addi %parallel_loop3A_381, %parallel_loop3A_392 : vector<16xi32>
        %parallel_loop3A_394 = tpu.vector_load_idx %arg6[%parallel_loop3A_393] : memref<62400xf32, #tpu.memory_space<vmem>>[vector<16xi32>], vector<16xf32>,
        %parallel_loop3A_395 = arith.constant 4096 : i32
        %parallel_loop3A_396 = arith.addi %parallel_loop3A_263, %parallel_loop3A_395 : i32
        %parallel_loop3A_397 = arith.constant 256 : i32
        %parallel_loop3A_398 = arith.addi %parallel_loop3A_396, %parallel_loop3A_397 : i32
        %parallel_loop3A_399 = arith.constant 0 : i32
        %parallel_loop3A_400 = arith.index_cast %parallel_loop3A_399 : i32 to index
        %parallel_loop3A_401 = arith.index_cast %parallel_loop3A_398 : i32 to index
        %parallel_loop3A_402 = tpu.vector_load %arg7[%parallel_loop3A_400, %parallel_loop3A_401] {strides = array<i32>} : memref<2x16384xf32, #tpu.memory_space<vmem>>, vector<16xf32>,
        tpu.vector_store %arg7[%parallel_loop3A_400, %parallel_loop3A_401], %parallel_loop3A_394 {strides = array<i32>} : memref<2x16384xf32, #tpu.memory_space<vmem>>, vector<16xf32>,
        %parallel_loop3A_403 = arith.constant 1950 : i32
        %parallel_loop3A_404 = vector.broadcast %parallel_loop3A_403 : i32 to vector<16xi32>
        %parallel_loop3A_405 = arith.addi %parallel_loop3A_393, %parallel_loop3A_404 : vector<16xi32>
        %parallel_loop3A_406 = tpu.vector_load_idx %arg6[%parallel_loop3A_405] : memref<62400xf32, #tpu.memory_space<vmem>>[vector<16xi32>], vector<16xf32>,
        %parallel_loop3A_407 = arith.constant 4096 : i32
        %parallel_loop3A_408 = arith.addi %parallel_loop3A_263, %parallel_loop3A_407 : i32
        %parallel_loop3A_409 = arith.constant 384 : i32
        %parallel_loop3A_410 = arith.addi %parallel_loop3A_408, %parallel_loop3A_409 : i32
        %parallel_loop3A_411 = arith.constant 0 : i32
        %parallel_loop3A_412 = arith.index_cast %parallel_loop3A_411 : i32 to index
        %parallel_loop3A_413 = arith.index_cast %parallel_loop3A_410 : i32 to index
        %parallel_loop3A_414 = tpu.vector_load %arg7[%parallel_loop3A_412, %parallel_loop3A_413] {strides = array<i32>} : memref<2x16384xf32, #tpu.memory_space<vmem>>, vector<16xf32>,
        tpu.vector_store %arg7[%parallel_loop3A_412, %parallel_loop3A_413], %parallel_loop3A_406 {strides = array<i32>} : memref<2x16384xf32, #tpu.memory_space<vmem>>, vector<16xf32>,
        %parallel_loop3A_415 = arith.constant 1950 : i32
        %parallel_loop3A_416 = vector.broadcast %parallel_loop3A_415 : i32 to vector<16xi32>
        %parallel_loop3A_417 = arith.addi %parallel_loop3A_405, %parallel_loop3A_416 : vector<16xi32>
        %parallel_loop3A_418 = tpu.vector_load_idx %arg6[%parallel_loop3A_417] : memref<62400xf32, #tpu.memory_space<vmem>>[vector<16xi32>], vector<16xf32>,
        %parallel_loop3A_419 = arith.constant 4096 : i32
        %parallel_loop3A_420 = arith.addi %parallel_loop3A_263, %parallel_loop3A_419 : i32
        %parallel_loop3A_421 = arith.constant 512 : i32
        %parallel_loop3A_422 = arith.addi %parallel_loop3A_420, %parallel_loop3A_421 : i32
        %parallel_loop3A_423 = arith.constant 0 : i32
        %parallel_loop3A_424 = arith.index_cast %parallel_loop3A_423 : i32 to index
        %parallel_loop3A_425 = arith.index_cast %parallel_loop3A_422 : i32 to index
        %parallel_loop3A_426 = tpu.vector_load %arg7[%parallel_loop3A_424, %parallel_loop3A_425] {strides = array<i32>} : memref<2x16384xf32, #tpu.memory_space<vmem>>, vector<16xf32>,
        tpu.vector_store %arg7[%parallel_loop3A_424, %parallel_loop3A_425], %parallel_loop3A_418 {strides = array<i32>} : memref<2x16384xf32, #tpu.memory_space<vmem>>, vector<16xf32>,
        %parallel_loop3A_427 = arith.constant 1950 : i32
        %parallel_loop3A_428 = vector.broadcast %parallel_loop3A_427 : i32 to vector<16xi32>
        %parallel_loop3A_429 = arith.addi %parallel_loop3A_417, %parallel_loop3A_428 : vector<16xi32>
        %parallel_loop3A_430 = tpu.vector_load_idx %arg6[%parallel_loop3A_429] : memref<62400xf32, #tpu.memory_space<vmem>>[vector<16xi32>], vector<16xf32>,
        %parallel_loop3A_431 = arith.constant 4096 : i32
        %parallel_loop3A_432 = arith.addi %parallel_loop3A_263, %parallel_loop3A_431 : i32
        %parallel_loop3A_433 = arith.constant 640 : i32
        %parallel_loop3A_434 = arith.addi %parallel_loop3A_432, %parallel_loop3A_433 : i32
        %parallel_loop3A_435 = arith.constant 0 : i32
        %parallel_loop3A_436 = arith.index_cast %parallel_loop3A_435 : i32 to index
        %parallel_loop3A_437 = arith.index_cast %parallel_loop3A_434 : i32 to index
        %parallel_loop3A_438 = tpu.vector_load %arg7[%parallel_loop3A_436, %parallel_loop3A_437] {strides = array<i32>} : memref<2x16384xf32, #tpu.memory_space<vmem>>, vector<16xf32>,
        tpu.vector_store %arg7[%parallel_loop3A_436, %parallel_loop3A_437], %parallel_loop3A_430 {strides = array<i32>} : memref<2x16384xf32, #tpu.memory_space<vmem>>, vector<16xf32>,
        %parallel_loop3A_439 = arith.constant 1950 : i32
        %parallel_loop3A_440 = vector.broadcast %parallel_loop3A_439 : i32 to vector<16xi32>
        %parallel_loop3A_441 = arith.addi %parallel_loop3A_429, %parallel_loop3A_440 : vector<16xi32>
        %parallel_loop3A_442 = tpu.vector_load_idx %arg6[%parallel_loop3A_441] : memref<62400xf32, #tpu.memory_space<vmem>>[vector<16xi32>], vector<16xf32>,
        %parallel_loop3A_443 = arith.constant 4096 : i32
        %parallel_loop3A_444 = arith.addi %parallel_loop3A_263, %parallel_loop3A_443 : i32
        %parallel_loop3A_445 = arith.constant 768 : i32
        %parallel_loop3A_446 = arith.addi %parallel_loop3A_444, %parallel_loop3A_445 : i32
        %parallel_loop3A_447 = arith.constant 0 : i32
        %parallel_loop3A_448 = arith.index_cast %parallel_loop3A_447 : i32 to index
        %parallel_loop3A_449 = arith.index_cast %parallel_loop3A_446 : i32 to index
        %parallel_loop3A_450 = tpu.vector_load %arg7[%parallel_loop3A_448, %parallel_loop3A_449] {strides = array<i32>} : memref<2x16384xf32, #tpu.memory_space<vmem>>, vector<16xf32>,
        tpu.vector_store %arg7[%parallel_loop3A_448, %parallel_loop3A_449], %parallel_loop3A_442 {strides = array<i32>} : memref<2x16384xf32, #tpu.memory_space<vmem>>, vector<16xf32>,
        %parallel_loop3A_451 = arith.constant 1950 : i32
        %parallel_loop3A_452 = vector.broadcast %parallel_loop3A_451 : i32 to vector<16xi32>
        %parallel_loop3A_453 = arith.addi %parallel_loop3A_441, %parallel_loop3A_452 : vector<16xi32>
        %parallel_loop3A_454 = tpu.vector_load_idx %arg6[%parallel_loop3A_453] : memref<62400xf32, #tpu.memory_space<vmem>>[vector<16xi32>], vector<16xf32>,
        %parallel_loop3A_455 = arith.constant 4096 : i32
        %parallel_loop3A_456 = arith.addi %parallel_loop3A_263, %parallel_loop3A_455 : i32
        %parallel_loop3A_457 = arith.constant 896 : i32
        %parallel_loop3A_458 = arith.addi %parallel_loop3A_456, %parallel_loop3A_457 : i32
        %parallel_loop3A_459 = arith.constant 0 : i32
        %parallel_loop3A_460 = arith.index_cast %parallel_loop3A_459 : i32 to index
        %parallel_loop3A_461 = arith.index_cast %parallel_loop3A_458 : i32 to index
        %parallel_loop3A_462 = tpu.vector_load %arg7[%parallel_loop3A_460, %parallel_loop3A_461] {strides = array<i32>} : memref<2x16384xf32, #tpu.memory_space<vmem>>, vector<16xf32>,
        tpu.vector_store %arg7[%parallel_loop3A_460, %parallel_loop3A_461], %parallel_loop3A_454 {strides = array<i32>} : memref<2x16384xf32, #tpu.memory_space<vmem>>, vector<16xf32>,
        %parallel_loop3A_463 = arith.constant 1950 : i32
        %parallel_loop3A_464 = vector.broadcast %parallel_loop3A_463 : i32 to vector<16xi32>
        %parallel_loop3A_465 = arith.addi %parallel_loop3A_453, %parallel_loop3A_464 : vector<16xi32>
        %parallel_loop3A_466 = tpu.vector_load_idx %arg6[%parallel_loop3A_465] : memref<62400xf32, #tpu.memory_space<vmem>>[vector<16xi32>], vector<16xf32>,
        %parallel_loop3A_467 = arith.constant 8192 : i32
        %parallel_loop3A_468 = arith.addi %parallel_loop3A_263, %parallel_loop3A_467 : i32
        %parallel_loop3A_469 = arith.constant 0 : i32
        %parallel_loop3A_470 = arith.addi %parallel_loop3A_468, %parallel_loop3A_469 : i32
        %parallel_loop3A_471 = arith.constant 0 : i32
        %parallel_loop3A_472 = arith.index_cast %parallel_loop3A_471 : i32 to index
        %parallel_loop3A_473 = arith.index_cast %parallel_loop3A_470 : i32 to index
        %parallel_loop3A_474 = tpu.vector_load %arg7[%parallel_loop3A_472, %parallel_loop3A_473] {strides = array<i32>} : memref<2x16384xf32, #tpu.memory_space<vmem>>, vector<16xf32>,
        tpu.vector_store %arg7[%parallel_loop3A_472, %parallel_loop3A_473], %parallel_loop3A_466 {strides = array<i32>} : memref<2x16384xf32, #tpu.memory_space<vmem>>, vector<16xf32>,
        %parallel_loop3A_475 = arith.constant 1950 : i32
        %parallel_loop3A_476 = vector.broadcast %parallel_loop3A_475 : i32 to vector<16xi32>
        %parallel_loop3A_477 = arith.addi %parallel_loop3A_465, %parallel_loop3A_476 : vector<16xi32>
        %parallel_loop3A_478 = tpu.vector_load_idx %arg6[%parallel_loop3A_477] : memref<62400xf32, #tpu.memory_space<vmem>>[vector<16xi32>], vector<16xf32>,
        %parallel_loop3A_479 = arith.constant 8192 : i32
        %parallel_loop3A_480 = arith.addi %parallel_loop3A_263, %parallel_loop3A_479 : i32
        %parallel_loop3A_481 = arith.constant 128 : i32
        %parallel_loop3A_482 = arith.addi %parallel_loop3A_480, %parallel_loop3A_481 : i32
        %parallel_loop3A_483 = arith.constant 0 : i32
        %parallel_loop3A_484 = arith.index_cast %parallel_loop3A_483 : i32 to index
        %parallel_loop3A_485 = arith.index_cast %parallel_loop3A_482 : i32 to index
        %parallel_loop3A_486 = tpu.vector_load %arg7[%parallel_loop3A_484, %parallel_loop3A_485] {strides = array<i32>} : memref<2x16384xf32, #tpu.memory_space<vmem>>, vector<16xf32>,
        tpu.vector_store %arg7[%parallel_loop3A_484, %parallel_loop3A_485], %parallel_loop3A_478 {strides = array<i32>} : memref<2x16384xf32, #tpu.memory_space<vmem>>, vector<16xf32>,
        %parallel_loop3A_487 = arith.constant 1950 : i32
        %parallel_loop3A_488 = vector.broadcast %parallel_loop3A_487 : i32 to vector<16xi32>
        %parallel_loop3A_489 = arith.addi %parallel_loop3A_477, %parallel_loop3A_488 : vector<16xi32>
        %parallel_loop3A_490 = tpu.vector_load_idx %arg6[%parallel_loop3A_489] : memref<62400xf32, #tpu.memory_space<vmem>>[vector<16xi32>], vector<16xf32>,
        %parallel_loop3A_491 = arith.constant 8192 : i32
        %parallel_loop3A_492 = arith.addi %parallel_loop3A_263, %parallel_loop3A_491 : i32
        %parallel_loop3A_493 = arith.constant 256 : i32
        %parallel_loop3A_494 = arith.addi %parallel_loop3A_492, %parallel_loop3A_493 : i32
        %parallel_loop3A_495 = arith.constant 0 : i32
        %parallel_loop3A_496 = arith.index_cast %parallel_loop3A_495 : i32 to index
        %parallel_loop3A_497 = arith.index_cast %parallel_loop3A_494 : i32 to index
        %parallel_loop3A_498 = tpu.vector_load %arg7[%parallel_loop3A_496, %parallel_loop3A_497] {strides = array<i32>} : memref<2x16384xf32, #tpu.memory_space<vmem>>, vector<16xf32>,
        tpu.vector_store %arg7[%parallel_loop3A_496, %parallel_loop3A_497], %parallel_loop3A_490 {strides = array<i32>} : memref<2x16384xf32, #tpu.memory_space<vmem>>, vector<16xf32>,
        %parallel_loop3A_499 = arith.constant 1950 : i32
        %parallel_loop3A_500 = vector.broadcast %parallel_loop3A_499 : i32 to vector<16xi32>
        %parallel_loop3A_501 = arith.addi %parallel_loop3A_489, %parallel_loop3A_500 : vector<16xi32>
        %parallel_loop3A_502 = tpu.vector_load_idx %arg6[%parallel_loop3A_501] : memref<62400xf32, #tpu.memory_space<vmem>>[vector<16xi32>], vector<16xf32>,
        %parallel_loop3A_503 = arith.constant 8192 : i32
        %parallel_loop3A_504 = arith.addi %parallel_loop3A_263, %parallel_loop3A_503 : i32
        %parallel_loop3A_505 = arith.constant 384 : i32
        %parallel_loop3A_506 = arith.addi %parallel_loop3A_504, %parallel_loop3A_505 : i32
        %parallel_loop3A_507 = arith.constant 0 : i32
        %parallel_loop3A_508 = arith.index_cast %parallel_loop3A_507 : i32 to index
        %parallel_loop3A_509 = arith.index_cast %parallel_loop3A_506 : i32 to index
        %parallel_loop3A_510 = tpu.vector_load %arg7[%parallel_loop3A_508, %parallel_loop3A_509] {strides = array<i32>} : memref<2x16384xf32, #tpu.memory_space<vmem>>, vector<16xf32>,
        tpu.vector_store %arg7[%parallel_loop3A_508, %parallel_loop3A_509], %parallel_loop3A_502 {strides = array<i32>} : memref<2x16384xf32, #tpu.memory_space<vmem>>, vector<16xf32>,
        %parallel_loop3A_511 = arith.constant 1950 : i32
        %parallel_loop3A_512 = vector.broadcast %parallel_loop3A_511 : i32 to vector<16xi32>
        %parallel_loop3A_513 = arith.addi %parallel_loop3A_501, %parallel_loop3A_512 : vector<16xi32>
        %parallel_loop3A_514 = tpu.vector_load_idx %arg6[%parallel_loop3A_513] : memref<62400xf32, #tpu.memory_space<vmem>>[vector<16xi32>], vector<16xf32>,
        %parallel_loop3A_515 = arith.constant 8192 : i32
        %parallel_loop3A_516 = arith.addi %parallel_loop3A_263, %parallel_loop3A_515 : i32
        %parallel_loop3A_517 = arith.constant 512 : i32
        %parallel_loop3A_518 = arith.addi %parallel_loop3A_516, %parallel_loop3A_517 : i32
        %parallel_loop3A_519 = arith.constant 0 : i32
        %parallel_loop3A_520 = arith.index_cast %parallel_loop3A_519 : i32 to index
        %parallel_loop3A_521 = arith.index_cast %parallel_loop3A_518 : i32 to index
        %parallel_loop3A_522 = tpu.vector_load %arg7[%parallel_loop3A_520, %parallel_loop3A_521] {strides = array<i32>} : memref<2x16384xf32, #tpu.memory_space<vmem>>, vector<16xf32>,
        tpu.vector_store %arg7[%parallel_loop3A_520, %parallel_loop3A_521], %parallel_loop3A_514 {strides = array<i32>} : memref<2x16384xf32, #tpu.memory_space<vmem>>, vector<16xf32>,
        %parallel_loop3A_523 = arith.constant 1950 : i32
        %parallel_loop3A_524 = vector.broadcast %parallel_loop3A_523 : i32 to vector<16xi32>
        %parallel_loop3A_525 = arith.addi %parallel_loop3A_513, %parallel_loop3A_524 : vector<16xi32>
        %parallel_loop3A_526 = tpu.vector_load_idx %arg6[%parallel_loop3A_525] : memref<62400xf32, #tpu.memory_space<vmem>>[vector<16xi32>], vector<16xf32>,
        %parallel_loop3A_527 = arith.constant 8192 : i32
        %parallel_loop3A_528 = arith.addi %parallel_loop3A_263, %parallel_loop3A_527 : i32
        %parallel_loop3A_529 = arith.constant 640 : i32
        %parallel_loop3A_530 = arith.addi %parallel_loop3A_528, %parallel_loop3A_529 : i32
        %parallel_loop3A_531 = arith.constant 0 : i32
        %parallel_loop3A_532 = arith.index_cast %parallel_loop3A_531 : i32 to index
        %parallel_loop3A_533 = arith.index_cast %parallel_loop3A_530 : i32 to index
        %parallel_loop3A_534 = tpu.vector_load %arg7[%parallel_loop3A_532, %parallel_loop3A_533] {strides = array<i32>} : memref<2x16384xf32, #tpu.memory_space<vmem>>, vector<16xf32>,
        tpu.vector_store %arg7[%parallel_loop3A_532, %parallel_loop3A_533], %parallel_loop3A_526 {strides = array<i32>} : memref<2x16384xf32, #tpu.memory_space<vmem>>, vector<16xf32>,
        %parallel_loop3A_535 = arith.constant 1950 : i32
        %parallel_loop3A_536 = vector.broadcast %parallel_loop3A_535 : i32 to vector<16xi32>
        %parallel_loop3A_537 = arith.addi %parallel_loop3A_525, %parallel_loop3A_536 : vector<16xi32>
        %parallel_loop3A_538 = tpu.vector_load_idx %arg6[%parallel_loop3A_537] : memref<62400xf32, #tpu.memory_space<vmem>>[vector<16xi32>], vector<16xf32>,
        %parallel_loop3A_539 = arith.constant 8192 : i32
        %parallel_loop3A_540 = arith.addi %parallel_loop3A_263, %parallel_loop3A_539 : i32
        %parallel_loop3A_541 = arith.constant 768 : i32
        %parallel_loop3A_542 = arith.addi %parallel_loop3A_540, %parallel_loop3A_541 : i32
        %parallel_loop3A_543 = arith.constant 0 : i32
        %parallel_loop3A_544 = arith.index_cast %parallel_loop3A_543 : i32 to index
        %parallel_loop3A_545 = arith.index_cast %parallel_loop3A_542 : i32 to index
        %parallel_loop3A_546 = tpu.vector_load %arg7[%parallel_loop3A_544, %parallel_loop3A_545] {strides = array<i32>} : memref<2x16384xf32, #tpu.memory_space<vmem>>, vector<16xf32>,
        tpu.vector_store %arg7[%parallel_loop3A_544, %parallel_loop3A_545], %parallel_loop3A_538 {strides = array<i32>} : memref<2x16384xf32, #tpu.memory_space<vmem>>, vector<16xf32>,
        %parallel_loop3A_547 = arith.constant 1950 : i32
        %parallel_loop3A_548 = vector.broadcast %parallel_loop3A_547 : i32 to vector<16xi32>
        %parallel_loop3A_549 = arith.addi %parallel_loop3A_537, %parallel_loop3A_548 : vector<16xi32>
        %parallel_loop3A_550 = tpu.vector_load_idx %arg6[%parallel_loop3A_549] : memref<62400xf32, #tpu.memory_space<vmem>>[vector<16xi32>], vector<16xf32>,
        %parallel_loop3A_551 = arith.constant 8192 : i32
        %parallel_loop3A_552 = arith.addi %parallel_loop3A_263, %parallel_loop3A_551 : i32
        %parallel_loop3A_553 = arith.constant 896 : i32
        %parallel_loop3A_554 = arith.addi %parallel_loop3A_552, %parallel_loop3A_553 : i32
        %parallel_loop3A_555 = arith.constant 0 : i32
        %parallel_loop3A_556 = arith.index_cast %parallel_loop3A_555 : i32 to index
        %parallel_loop3A_557 = arith.index_cast %parallel_loop3A_554 : i32 to index
        %parallel_loop3A_558 = tpu.vector_load %arg7[%parallel_loop3A_556, %parallel_loop3A_557] {strides = array<i32>} : memref<2x16384xf32, #tpu.memory_space<vmem>>, vector<16xf32>,
        tpu.vector_store %arg7[%parallel_loop3A_556, %parallel_loop3A_557], %parallel_loop3A_550 {strides = array<i32>} : memref<2x16384xf32, #tpu.memory_space<vmem>>, vector<16xf32>,
        %parallel_loop3A_559 = arith.constant 1950 : i32
        %parallel_loop3A_560 = vector.broadcast %parallel_loop3A_559 : i32 to vector<16xi32>
        %parallel_loop3A_561 = arith.addi %parallel_loop3A_549, %parallel_loop3A_560 : vector<16xi32>
        %parallel_loop3A_562 = tpu.vector_load_idx %arg6[%parallel_loop3A_561] : memref<62400xf32, #tpu.memory_space<vmem>>[vector<16xi32>], vector<16xf32>,
        %parallel_loop3A_563 = arith.constant 12288 : i32
        %parallel_loop3A_564 = arith.addi %parallel_loop3A_263, %parallel_loop3A_563 : i32
        %parallel_loop3A_565 = arith.constant 0 : i32
        %parallel_loop3A_566 = arith.addi %parallel_loop3A_564, %parallel_loop3A_565 : i32
        %parallel_loop3A_567 = arith.constant 0 : i32
        %parallel_loop3A_568 = arith.index_cast %parallel_loop3A_567 : i32 to index
        %parallel_loop3A_569 = arith.index_cast %parallel_loop3A_566 : i32 to index
        %parallel_loop3A_570 = tpu.vector_load %arg7[%parallel_loop3A_568, %parallel_loop3A_569] {strides = array<i32>} : memref<2x16384xf32, #tpu.memory_space<vmem>>, vector<16xf32>,
        tpu.vector_store %arg7[%parallel_loop3A_568, %parallel_loop3A_569], %parallel_loop3A_562 {strides = array<i32>} : memref<2x16384xf32, #tpu.memory_space<vmem>>, vector<16xf32>,
        %parallel_loop3A_571 = arith.constant 1950 : i32
        %parallel_loop3A_572 = vector.broadcast %parallel_loop3A_571 : i32 to vector<16xi32>
        %parallel_loop3A_573 = arith.addi %parallel_loop3A_561, %parallel_loop3A_572 : vector<16xi32>
        %parallel_loop3A_574 = tpu.vector_load_idx %arg6[%parallel_loop3A_573] : memref<62400xf32, #tpu.memory_space<vmem>>[vector<16xi32>], vector<16xf32>,
        %parallel_loop3A_575 = arith.constant 12288 : i32
        %parallel_loop3A_576 = arith.addi %parallel_loop3A_263, %parallel_loop3A_575 : i32
        %parallel_loop3A_577 = arith.constant 128 : i32
        %parallel_loop3A_578 = arith.addi %parallel_loop3A_576, %parallel_loop3A_577 : i32
        %parallel_loop3A_579 = arith.constant 0 : i32
        %parallel_loop3A_580 = arith.index_cast %parallel_loop3A_579 : i32 to index
        %parallel_loop3A_581 = arith.index_cast %parallel_loop3A_578 : i32 to index
        %parallel_loop3A_582 = tpu.vector_load %arg7[%parallel_loop3A_580, %parallel_loop3A_581] {strides = array<i32>} : memref<2x16384xf32, #tpu.memory_space<vmem>>, vector<16xf32>,
        tpu.vector_store %arg7[%parallel_loop3A_580, %parallel_loop3A_581], %parallel_loop3A_574 {strides = array<i32>} : memref<2x16384xf32, #tpu.memory_space<vmem>>, vector<16xf32>,
        %parallel_loop3A_583 = arith.constant 1950 : i32
        %parallel_loop3A_584 = vector.broadcast %parallel_loop3A_583 : i32 to vector<16xi32>
        %parallel_loop3A_585 = arith.addi %parallel_loop3A_573, %parallel_loop3A_584 : vector<16xi32>
        %parallel_loop3A_586 = tpu.vector_load_idx %arg6[%parallel_loop3A_585] : memref<62400xf32, #tpu.memory_space<vmem>>[vector<16xi32>], vector<16xf32>,
        %parallel_loop3A_587 = arith.constant 12288 : i32
        %parallel_loop3A_588 = arith.addi %parallel_loop3A_263, %parallel_loop3A_587 : i32
        %parallel_loop3A_589 = arith.constant 256 : i32
        %parallel_loop3A_590 = arith.addi %parallel_loop3A_588, %parallel_loop3A_589 : i32
        %parallel_loop3A_591 = arith.constant 0 : i32
        %parallel_loop3A_592 = arith.index_cast %parallel_loop3A_591 : i32 to index
        %parallel_loop3A_593 = arith.index_cast %parallel_loop3A_590 : i32 to index
        %parallel_loop3A_594 = tpu.vector_load %arg7[%parallel_loop3A_592, %parallel_loop3A_593] {strides = array<i32>} : memref<2x16384xf32, #tpu.memory_space<vmem>>, vector<16xf32>,
        tpu.vector_store %arg7[%parallel_loop3A_592, %parallel_loop3A_593], %parallel_loop3A_586 {strides = array<i32>} : memref<2x16384xf32, #tpu.memory_space<vmem>>, vector<16xf32>,
        %parallel_loop3A_595 = arith.constant 1950 : i32
        %parallel_loop3A_596 = vector.broadcast %parallel_loop3A_595 : i32 to vector<16xi32>
        %parallel_loop3A_597 = arith.addi %parallel_loop3A_585, %parallel_loop3A_596 : vector<16xi32>
        %parallel_loop3A_598 = tpu.vector_load_idx %arg6[%parallel_loop3A_597] : memref<62400xf32, #tpu.memory_space<vmem>>[vector<16xi32>], vector<16xf32>,
        %parallel_loop3A_599 = arith.constant 12288 : i32
        %parallel_loop3A_600 = arith.addi %parallel_loop3A_263, %parallel_loop3A_599 : i32
        %parallel_loop3A_601 = arith.constant 384 : i32
        %parallel_loop3A_602 = arith.addi %parallel_loop3A_600, %parallel_loop3A_601 : i32
        %parallel_loop3A_603 = arith.constant 0 : i32
        %parallel_loop3A_604 = arith.index_cast %parallel_loop3A_603 : i32 to index
        %parallel_loop3A_605 = arith.index_cast %parallel_loop3A_602 : i32 to index
        %parallel_loop3A_606 = tpu.vector_load %arg7[%parallel_loop3A_604, %parallel_loop3A_605] {strides = array<i32>} : memref<2x16384xf32, #tpu.memory_space<vmem>>, vector<16xf32>,
        tpu.vector_store %arg7[%parallel_loop3A_604, %parallel_loop3A_605], %parallel_loop3A_598 {strides = array<i32>} : memref<2x16384xf32, #tpu.memory_space<vmem>>, vector<16xf32>,
        %parallel_loop3A_607 = arith.constant 1950 : i32
        %parallel_loop3A_608 = vector.broadcast %parallel_loop3A_607 : i32 to vector<16xi32>
        %parallel_loop3A_609 = arith.addi %parallel_loop3A_597, %parallel_loop3A_608 : vector<16xi32>
        %parallel_loop3A_610 = tpu.vector_load_idx %arg6[%parallel_loop3A_609] : memref<62400xf32, #tpu.memory_space<vmem>>[vector<16xi32>], vector<16xf32>,
        %parallel_loop3A_611 = arith.constant 12288 : i32
        %parallel_loop3A_612 = arith.addi %parallel_loop3A_263, %parallel_loop3A_611 : i32
        %parallel_loop3A_613 = arith.constant 512 : i32
        %parallel_loop3A_614 = arith.addi %parallel_loop3A_612, %parallel_loop3A_613 : i32
        %parallel_loop3A_615 = arith.constant 0 : i32
        %parallel_loop3A_616 = arith.index_cast %parallel_loop3A_615 : i32 to index
        %parallel_loop3A_617 = arith.index_cast %parallel_loop3A_614 : i32 to index
        %parallel_loop3A_618 = tpu.vector_load %arg7[%parallel_loop3A_616, %parallel_loop3A_617] {strides = array<i32>} : memref<2x16384xf32, #tpu.memory_space<vmem>>, vector<16xf32>,
        tpu.vector_store %arg7[%parallel_loop3A_616, %parallel_loop3A_617], %parallel_loop3A_610 {strides = array<i32>} : memref<2x16384xf32, #tpu.memory_space<vmem>>, vector<16xf32>,
        %parallel_loop3A_619 = arith.constant 1950 : i32
        %parallel_loop3A_620 = vector.broadcast %parallel_loop3A_619 : i32 to vector<16xi32>
        %parallel_loop3A_621 = arith.addi %parallel_loop3A_609, %parallel_loop3A_620 : vector<16xi32>
        %parallel_loop3A_622 = tpu.vector_load_idx %arg6[%parallel_loop3A_621] : memref<62400xf32, #tpu.memory_space<vmem>>[vector<16xi32>], vector<16xf32>,
        %parallel_loop3A_623 = arith.constant 12288 : i32
        %parallel_loop3A_624 = arith.addi %parallel_loop3A_263, %parallel_loop3A_623 : i32
        %parallel_loop3A_625 = arith.constant 640 : i32
        %parallel_loop3A_626 = arith.addi %parallel_loop3A_624, %parallel_loop3A_625 : i32
        %parallel_loop3A_627 = arith.constant 0 : i32
        %parallel_loop3A_628 = arith.index_cast %parallel_loop3A_627 : i32 to index
        %parallel_loop3A_629 = arith.index_cast %parallel_loop3A_626 : i32 to index
        %parallel_loop3A_630 = tpu.vector_load %arg7[%parallel_loop3A_628, %parallel_loop3A_629] {strides = array<i32>} : memref<2x16384xf32, #tpu.memory_space<vmem>>, vector<16xf32>,
        tpu.vector_store %arg7[%parallel_loop3A_628, %parallel_loop3A_629], %parallel_loop3A_622 {strides = array<i32>} : memref<2x16384xf32, #tpu.memory_space<vmem>>, vector<16xf32>,
        %parallel_loop3A_631 = arith.constant 1950 : i32
        %parallel_loop3A_632 = vector.broadcast %parallel_loop3A_631 : i32 to vector<16xi32>
        %parallel_loop3A_633 = arith.addi %parallel_loop3A_621, %parallel_loop3A_632 : vector<16xi32>
        %parallel_loop3A_634 = tpu.vector_load_idx %arg6[%parallel_loop3A_633] : memref<62400xf32, #tpu.memory_space<vmem>>[vector<16xi32>], vector<16xf32>,
        %parallel_loop3A_635 = arith.constant 12288 : i32
        %parallel_loop3A_636 = arith.addi %parallel_loop3A_263, %parallel_loop3A_635 : i32
        %parallel_loop3A_637 = arith.constant 768 : i32
        %parallel_loop3A_638 = arith.addi %parallel_loop3A_636, %parallel_loop3A_637 : i32
        %parallel_loop3A_639 = arith.constant 0 : i32
        %parallel_loop3A_640 = arith.index_cast %parallel_loop3A_639 : i32 to index
        %parallel_loop3A_641 = arith.index_cast %parallel_loop3A_638 : i32 to index
        %parallel_loop3A_642 = tpu.vector_load %arg7[%parallel_loop3A_640, %parallel_loop3A_641] {strides = array<i32>} : memref<2x16384xf32, #tpu.memory_space<vmem>>, vector<16xf32>,
        tpu.vector_store %arg7[%parallel_loop3A_640, %parallel_loop3A_641], %parallel_loop3A_634 {strides = array<i32>} : memref<2x16384xf32, #tpu.memory_space<vmem>>, vector<16xf32>,
        %parallel_loop3A_643 = arith.constant 1950 : i32
        %parallel_loop3A_644 = vector.broadcast %parallel_loop3A_643 : i32 to vector<16xi32>
        %parallel_loop3A_645 = arith.addi %parallel_loop3A_633, %parallel_loop3A_644 : vector<16xi32>
        %parallel_loop3A_646 = tpu.vector_load_idx %arg6[%parallel_loop3A_645] : memref<62400xf32, #tpu.memory_space<vmem>>[vector<16xi32>], vector<16xf32>,
        %parallel_loop3A_647 = arith.constant 12288 : i32
        %parallel_loop3A_648 = arith.addi %parallel_loop3A_263, %parallel_loop3A_647 : i32
        %parallel_loop3A_649 = arith.constant 896 : i32
        %parallel_loop3A_650 = arith.addi %parallel_loop3A_648, %parallel_loop3A_649 : i32
        %parallel_loop3A_651 = arith.constant 0 : i32
        %parallel_loop3A_652 = arith.index_cast %parallel_loop3A_651 : i32 to index
        %parallel_loop3A_653 = arith.index_cast %parallel_loop3A_650 : i32 to index
        %parallel_loop3A_654 = tpu.vector_load %arg7[%parallel_loop3A_652, %parallel_loop3A_653] {strides = array<i32>} : memref<2x16384xf32, #tpu.memory_space<vmem>>, vector<16xf32>,
        tpu.vector_store %arg7[%parallel_loop3A_652, %parallel_loop3A_653], %parallel_loop3A_646 {strides = array<i32>} : memref<2x16384xf32, #tpu.memory_space<vmem>>, vector<16xf32>,
        %parallel_loop3A_655 = arith.constant 1950 : i32
        %parallel_loop3A_656 = vector.broadcast %parallel_loop3A_655 : i32 to vector<16xi32>
        %parallel_loop3A_657 = arith.addi %parallel_loop3A_645, %parallel_loop3A_656 : vector<16xi32>
      } {sc.loop_unroll_factor = 2 : i64, sc.parallel_access}
      %mul3A_41 = arith.constant 2 : i32
      %mul3A_42 = arith.muli %mul3A_41, %scan3A_34 : i32
      %mul3A_43 = arith.constant 4 : i32
      %mul3A_44 = arith.muli %mul3A_42, %mul3A_43 : i32
      %add3A_45 = arith.constant 0 : i32
      %add3A_46 = arith.addi %mul3A_44, %add3A_45 : i32
      %mul3A_47 = arith.constant 128 : i32
      %mul3A_48 = arith.muli %add3A_46, %mul3A_47 : i32
      %mul3A_49 = arith.constant 4 : i32
      %mul3A_50 = arith.muli %add3A, %mul3A_49 : i32
      %add3A_51 = arith.addi %mul3A_48, %mul3A_50 : i32
      %mul3A_52 = arith.constant 1024 : i32
      %mul3A_53 = arith.muli %add3A_51, %mul3A_52 : i32
      %dma_start3A = arith.constant 0 : i32
      %dma_start3A_54 = arith.constant 0 : i32
      %dma_start3A_55 = tpu.memref_slice %arg7[%dma_start3A, %dma_start3A_54] : memref<2x16384xf32, #tpu.memory_space<vmem>> -> memref<1x4096xf32, #tpu.memory_space<vmem>>
      %dma_start3A_56 = tpu.memref_squeeze %dma_start3A_55 : memref<1x4096xf32, #tpu.memory_space<vmem>> -> memref<4096xf32, #tpu.memory_space<vmem>>
      %dma_start3A_57 = tpu.memref_slice %arg4[%mul3A_53] : memref<26214400xf32, #tpu.memory_space<hbm>> -> memref<4096xf32, #tpu.memory_space<hbm>>
      %dma_start3A_58 = tpu.memref_slice %arg4[%mul3A_53] : memref<26214400xf32, #tpu.memory_space<hbm>> -> memref<4096xf32, #tpu.memory_space<hbm>>
      %dma_start3A_59 = arith.constant 0 : i32
      %dma_start3A_60 = tpu.memref_slice %arg7[%dma_start3A, %dma_start3A_59] : memref<2x16384xf32, #tpu.memory_space<vmem>> -> memref<1x4096xf32, #tpu.memory_space<vmem>>
      %dma_start3A_61 = tpu.memref_squeeze %dma_start3A_60 : memref<1x4096xf32, #tpu.memory_space<vmem>> -> memref<4096xf32, #tpu.memory_space<vmem>>
      tpu.enqueue_dma source(%dma_start3A_61 : memref<4096xf32, #tpu.memory_space<vmem>>) target(%dma_start3A_58 : memref<4096xf32, #tpu.memory_space<hbm>>) target_semaphore(%arg8 : memref<!tpu.dma_semaphore, #tpu.memory_space<semaphore_mem>>)
      %mul3A_62 = arith.constant 4 : i32
      %mul3A_63 = arith.muli %mul3A_42, %mul3A_62 : i32
      %add3A_64 = arith.constant 1 : i32
      %add3A_65 = arith.addi %mul3A_63, %add3A_64 : i32
      %mul3A_66 = arith.constant 128 : i32
      %mul3A_67 = arith.muli %add3A_65, %mul3A_66 : i32
      %mul3A_68 = arith.constant 4 : i32
      %mul3A_69 = arith.muli %add3A, %mul3A_68 : i32
      %add3A_70 = arith.addi %mul3A_67, %mul3A_69 : i32
      %mul3A_71 = arith.constant 1024 : i32
      %mul3A_72 = arith.muli %add3A_70, %mul3A_71 : i32
      %dma_start3A_73 = arith.constant 0 : i32
      %dma_start3A_74 = arith.constant 4096 : i32
      %dma_start3A_75 = tpu.memref_slice %arg7[%dma_start3A_73, %dma_start3A_74] : memref<2x16384xf32, #tpu.memory_space<vmem>> -> memref<1x4096xf32, #tpu.memory_space<vmem>>
      %dma_start3A_76 = tpu.memref_squeeze %dma_start3A_75 : memref<1x4096xf32, #tpu.memory_space<vmem>> -> memref<4096xf32, #tpu.memory_space<vmem>>
      %dma_start3A_77 = tpu.memref_slice %arg4[%mul3A_72] : memref<26214400xf32, #tpu.memory_space<hbm>> -> memref<4096xf32, #tpu.memory_space<hbm>>
      %dma_start3A_78 = tpu.memref_slice %arg4[%mul3A_72] : memref<26214400xf32, #tpu.memory_space<hbm>> -> memref<4096xf32, #tpu.memory_space<hbm>>
      %dma_start3A_79 = arith.constant 4096 : i32
      %dma_start3A_80 = tpu.memref_slice %arg7[%dma_start3A_73, %dma_start3A_79] : memref<2x16384xf32, #tpu.memory_space<vmem>> -> memref<1x4096xf32, #tpu.memory_space<vmem>>
      %dma_start3A_81 = tpu.memref_squeeze %dma_start3A_80 : memref<1x4096xf32, #tpu.memory_space<vmem>> -> memref<4096xf32, #tpu.memory_space<vmem>>
      tpu.enqueue_dma source(%dma_start3A_81 : memref<4096xf32, #tpu.memory_space<vmem>>) target(%dma_start3A_78 : memref<4096xf32, #tpu.memory_space<hbm>>) target_semaphore(%arg8 : memref<!tpu.dma_semaphore, #tpu.memory_space<semaphore_mem>>)
      %mul3A_82 = arith.constant 4 : i32
      %mul3A_83 = arith.muli %mul3A_42, %mul3A_82 : i32
      %add3A_84 = arith.constant 2 : i32
      %add3A_85 = arith.addi %mul3A_83, %add3A_84 : i32
      %mul3A_86 = arith.constant 128 : i32
      %mul3A_87 = arith.muli %add3A_85, %mul3A_86 : i32
      %mul3A_88 = arith.constant 4 : i32
      %mul3A_89 = arith.muli %add3A, %mul3A_88 : i32
      %add3A_90 = arith.addi %mul3A_87, %mul3A_89 : i32
      %mul3A_91 = arith.constant 1024 : i32
      %mul3A_92 = arith.muli %add3A_90, %mul3A_91 : i32
      %dma_start3A_93 = arith.constant 0 : i32
      %dma_start3A_94 = arith.constant 8192 : i32
      %dma_start3A_95 = tpu.memref_slice %arg7[%dma_start3A_93, %dma_start3A_94] : memref<2x16384xf32, #tpu.memory_space<vmem>> -> memref<1x4096xf32, #tpu.memory_space<vmem>>
      %dma_start3A_96 = tpu.memref_squeeze %dma_start3A_95 : memref<1x4096xf32, #tpu.memory_space<vmem>> -> memref<4096xf32, #tpu.memory_space<vmem>>
      %dma_start3A_97 = tpu.memref_slice %arg4[%mul3A_92] : memref<26214400xf32, #tpu.memory_space<hbm>> -> memref<4096xf32, #tpu.memory_space<hbm>>
      %dma_start3A_98 = tpu.memref_slice %arg4[%mul3A_92] : memref<26214400xf32, #tpu.memory_space<hbm>> -> memref<4096xf32, #tpu.memory_space<hbm>>
      %dma_start3A_99 = arith.constant 8192 : i32
      %dma_start3A_100 = tpu.memref_slice %arg7[%dma_start3A_93, %dma_start3A_99] : memref<2x16384xf32, #tpu.memory_space<vmem>> -> memref<1x4096xf32, #tpu.memory_space<vmem>>
      %dma_start3A_101 = tpu.memref_squeeze %dma_start3A_100 : memref<1x4096xf32, #tpu.memory_space<vmem>> -> memref<4096xf32, #tpu.memory_space<vmem>>
      tpu.enqueue_dma source(%dma_start3A_101 : memref<4096xf32, #tpu.memory_space<vmem>>) target(%dma_start3A_98 : memref<4096xf32, #tpu.memory_space<hbm>>) target_semaphore(%arg8 : memref<!tpu.dma_semaphore, #tpu.memory_space<semaphore_mem>>)
      %mul3A_102 = arith.constant 4 : i32
      %mul3A_103 = arith.muli %mul3A_42, %mul3A_102 : i32
      %add3A_104 = arith.constant 3 : i32
      %add3A_105 = arith.addi %mul3A_103, %add3A_104 : i32
      %mul3A_106 = arith.constant 128 : i32
      %mul3A_107 = arith.muli %add3A_105, %mul3A_106 : i32
      %mul3A_108 = arith.constant 4 : i32
      %mul3A_109 = arith.muli %add3A, %mul3A_108 : i32
      %add3A_110 = arith.addi %mul3A_107, %mul3A_109 : i32
      %mul3A_111 = arith.constant 1024 : i32
      %mul3A_112 = arith.muli %add3A_110, %mul3A_111 : i32
      %dma_start3A_113 = arith.constant 0 : i32
      %dma_start3A_114 = arith.constant 12288 : i32
      %dma_start3A_115 = tpu.memref_slice %arg7[%dma_start3A_113, %dma_start3A_114] : memref<2x16384xf32, #tpu.memory_space<vmem>> -> memref<1x4096xf32, #tpu.memory_space<vmem>>
      %dma_start3A_116 = tpu.memref_squeeze %dma_start3A_115 : memref<1x4096xf32, #tpu.memory_space<vmem>> -> memref<4096xf32, #tpu.memory_space<vmem>>
      %dma_start3A_117 = tpu.memref_slice %arg4[%mul3A_112] : memref<26214400xf32, #tpu.memory_space<hbm>> -> memref<4096xf32, #tpu.memory_space<hbm>>
      %dma_start3A_118 = tpu.memref_slice %arg4[%mul3A_112] : memref<26214400xf32, #tpu.memory_space<hbm>> -> memref<4096xf32, #tpu.memory_space<hbm>>
      %dma_start3A_119 = arith.constant 12288 : i32
      %dma_start3A_120 = tpu.memref_slice %arg7[%dma_start3A_113, %dma_start3A_119] : memref<2x16384xf32, #tpu.memory_space<vmem>> -> memref<1x4096xf32, #tpu.memory_space<vmem>>
      %dma_start3A_121 = tpu.memref_squeeze %dma_start3A_120 : memref<1x4096xf32, #tpu.memory_space<vmem>> -> memref<4096xf32, #tpu.memory_space<vmem>>
      tpu.enqueue_dma source(%dma_start3A_121 : memref<4096xf32, #tpu.memory_space<vmem>>) target(%dma_start3A_118 : memref<4096xf32, #tpu.memory_space<hbm>>) target_semaphore(%arg8 : memref<!tpu.dma_semaphore, #tpu.memory_space<semaphore_mem>>)
      %gt3A_122 = arith.constant 0 : i32
      %gt3A_123 = arith.cmpi sgt, %scan3A_34, %gt3A_122 : i32
      %convert_element_type3A_124 = arith.extui %gt3A_123 : i1 to i32
      %cond3A_125 = arith.constant 0 : i32
      %cond3A_126 = arith.cmpi ne, %convert_element_type3A_124, %cond3A_125 : i32
      scf.if %cond3A_126 {
        %dma_wait3A_218 = arith.constant 1 : i32
        %dma_wait3A_219 = arith.constant 0 : i32
        %dma_wait3A_220 = tpu.memref_slice %arg7[%dma_wait3A_218, %dma_wait3A_219] : memref<2x16384xf32, #tpu.memory_space<vmem>> -> memref<1x16384xf32, #tpu.memory_space<vmem>>
        %dma_wait3A_221 = tpu.memref_squeeze %dma_wait3A_220 : memref<1x16384xf32, #tpu.memory_space<vmem>> -> memref<16384xf32, #tpu.memory_space<vmem>>
        %dma_wait3A_222 = arith.constant 0 : i32
        %dma_wait3A_223 = tpu.memref_slice %arg4[%dma_wait3A_222] : memref<26214400xf32, #tpu.memory_space<hbm>> -> memref<16384xf32, #tpu.memory_space<hbm>>
        %dma_wait3A_224 = arith.constant 0 : i32
        %dma_wait3A_225 = tpu.memref_slice %arg7[%dma_wait3A_218, %dma_wait3A_224] : memref<2x16384xf32, #tpu.memory_space<vmem>> -> memref<1x16384xf32, #tpu.memory_space<vmem>>
        %dma_wait3A_226 = tpu.memref_squeeze %dma_wait3A_225 : memref<1x16384xf32, #tpu.memory_space<vmem>> -> memref<16384xf32, #tpu.memory_space<vmem>>
        %dma_wait3A_227 = arith.constant 0 : i32
        %dma_wait3A_228 = tpu.memref_slice %arg4[%dma_wait3A_227] : memref<26214400xf32, #tpu.memory_space<hbm>> -> memref<16384xf32, #tpu.memory_space<hbm>>
        tpu.wait_dma2 semaphore(%arg9 : memref<!tpu.dma_semaphore, #tpu.memory_space<semaphore_mem>>) src(%dma_wait3A_228 : memref<16384xf32, #tpu.memory_space<hbm>>) dst(%dma_wait3A_226 : memref<16384xf32, #tpu.memory_space<vmem>>)
      } else {
      }
      %mul3A_127 = arith.constant 2 : i32
      %mul3A_128 = arith.muli %mul3A_127, %scan3A_34 : i32
      %add3A_129 = arith.constant 1 : i32
      %add3A_130 = arith.addi %mul3A_128, %add3A_129 : i32
      %parallel_loop3A_131 = arith.constant 0 : i32
      %parallel_loop3A_132 = arith.constant 32 : i32
      %parallel_loop3A_133 = arith.constant 1 : i32
      scf.for %parallel_loop3A_218 = %parallel_loop3A_131 to %parallel_loop3A_132 step %parallel_loop3A_133  : i32 {
        %parallel_loop3A_219 = arith.constant 8 : i32
        %parallel_loop3A_220 = arith.divsi %parallel_loop3A_218, %parallel_loop3A_219 : i32
        %parallel_loop3A_221 = arith.constant 0 : i32
        %parallel_loop3A_222 = arith.cmpi sgt, %parallel_loop3A_218, %parallel_loop3A_221 : i32
        %parallel_loop3A_223 = arith.extui %parallel_loop3A_222 : i1 to i32
        %parallel_loop3A_224 = arith.constant 0 : i32
        %parallel_loop3A_225 = arith.cmpi slt, %parallel_loop3A_218, %parallel_loop3A_224 : i32
        %parallel_loop3A_226 = arith.extui %parallel_loop3A_225 : i1 to i32
        %parallel_loop3A_227 = arith.subi %parallel_loop3A_223, %parallel_loop3A_226 : i32
        %parallel_loop3A_228 = arith.constant 0 : i32
        %parallel_loop3A_229 = arith.cmpi sgt, %parallel_loop3A_219, %parallel_loop3A_228 : i32
        %parallel_loop3A_230 = arith.extui %parallel_loop3A_229 : i1 to i32
        %parallel_loop3A_231 = arith.constant 0 : i32
        %parallel_loop3A_232 = arith.cmpi slt, %parallel_loop3A_219, %parallel_loop3A_231 : i32
        %parallel_loop3A_233 = arith.extui %parallel_loop3A_232 : i1 to i32
        %parallel_loop3A_234 = arith.subi %parallel_loop3A_230, %parallel_loop3A_233 : i32
        %parallel_loop3A_235 = arith.cmpi ne, %parallel_loop3A_227, %parallel_loop3A_234 : i32
        %parallel_loop3A_236 = arith.remsi %parallel_loop3A_218, %parallel_loop3A_219 : i32
        %parallel_loop3A_237 = arith.constant 0 : i32
        %parallel_loop3A_238 = arith.cmpi ne, %parallel_loop3A_236, %parallel_loop3A_237 : i32
        %parallel_loop3A_239 = arith.andi %parallel_loop3A_235, %parallel_loop3A_238 : i1
        %parallel_loop3A_240 = arith.constant 1 : i32
        %parallel_loop3A_241 = arith.subi %parallel_loop3A_220, %parallel_loop3A_240 : i32
        %parallel_loop3A_242 = arith.select %parallel_loop3A_239, %parallel_loop3A_241, %parallel_loop3A_220 : i32
        %parallel_loop3A_243 = arith.constant 1024 : i32
        %parallel_loop3A_244 = arith.muli %parallel_loop3A_242, %parallel_loop3A_243 : i32
        %parallel_loop3A_245 = arith.constant 8 : i32
        %parallel_loop3A_246 = arith.constant 0 : i32
        %parallel_loop3A_247 = arith.cmpi eq, %parallel_loop3A_245, %parallel_loop3A_246 : i32
        %parallel_loop3A_248 = arith.constant 1 : i32
        %parallel_loop3A_249 = arith.select %parallel_loop3A_247, %parallel_loop3A_248, %parallel_loop3A_245 : i32
        %parallel_loop3A_250 = arith.remsi %parallel_loop3A_218, %parallel_loop3A_249 : i32
        %parallel_loop3A_251 = arith.constant 0 : i32
        %parallel_loop3A_252 = arith.cmpi ne, %parallel_loop3A_250, %parallel_loop3A_251 : i32
        %parallel_loop3A_253 = arith.constant 0 : i32
        %parallel_loop3A_254 = arith.cmpi slt, %parallel_loop3A_250, %parallel_loop3A_253 : i32
        %parallel_loop3A_255 = arith.constant 0 : i32
        %parallel_loop3A_256 = arith.cmpi slt, %parallel_loop3A_249, %parallel_loop3A_255 : i32
        %parallel_loop3A_257 = arith.xori %parallel_loop3A_254, %parallel_loop3A_256 : i1
        %parallel_loop3A_258 = arith.andi %parallel_loop3A_257, %parallel_loop3A_252 : i1
        %parallel_loop3A_259 = arith.addi %parallel_loop3A_250, %parallel_loop3A_249 : i32
        %parallel_loop3A_260 = arith.select %parallel_loop3A_258, %parallel_loop3A_259, %parallel_loop3A_250 : i32
        %parallel_loop3A_261 = arith.constant 16 : i32
        %parallel_loop3A_262 = arith.muli %parallel_loop3A_260, %parallel_loop3A_261 : i32
        %parallel_loop3A_263 = arith.addi %parallel_loop3A_244, %parallel_loop3A_262 : i32
        %parallel_loop3A_264 = arith.constant 800 : i32
        %parallel_loop3A_265 = arith.muli %parallel_loop3A_218, %parallel_loop3A_264 : i32
        %parallel_loop3A_266 = arith.addi %parallel_loop3A_265, %add3A_130 : i32
        %parallel_loop3A_267 = vector.broadcast %parallel_loop3A_266 : i32 to vector<16xi32>
        %parallel_loop3A_268 = arith.addi %mul3A_7, %parallel_loop3A_267 : vector<16xi32>
        %parallel_loop3A_269 = tpu.vector_load_idx %arg5[%parallel_loop3A_268] : memref<25600xi32, #tpu.memory_space<vmem>>[vector<16xi32>], vector<16xi32>,
        %parallel_loop3A_270 = arith.constant 39 : i32
        %parallel_loop3A_271 = arith.muli %add3A_130, %parallel_loop3A_270 : i32
        %parallel_loop3A_272 = vector.broadcast %parallel_loop3A_271 : i32 to vector<16xi32>
        %parallel_loop3A_273 = arith.addi %parallel_loop3A_269, %parallel_loop3A_272 : vector<16xi32>
        %parallel_loop3A_274 = tpu.vector_load_idx %arg6[%parallel_loop3A_273] : memref<62400xf32, #tpu.memory_space<vmem>>[vector<16xi32>], vector<16xf32>,
        %parallel_loop3A_275 = arith.constant 0 : i32
        %parallel_loop3A_276 = arith.addi %parallel_loop3A_263, %parallel_loop3A_275 : i32
        %parallel_loop3A_277 = arith.constant 0 : i32
        %parallel_loop3A_278 = arith.addi %parallel_loop3A_276, %parallel_loop3A_277 : i32
        %parallel_loop3A_279 = arith.constant 1 : i32
        %parallel_loop3A_280 = arith.index_cast %parallel_loop3A_279 : i32 to index
        %parallel_loop3A_281 = arith.index_cast %parallel_loop3A_278 : i32 to index
        %parallel_loop3A_282 = tpu.vector_load %arg7[%parallel_loop3A_280, %parallel_loop3A_281] {strides = array<i32>} : memref<2x16384xf32, #tpu.memory_space<vmem>>, vector<16xf32>,
        tpu.vector_store %arg7[%parallel_loop3A_280, %parallel_loop3A_281], %parallel_loop3A_274 {strides = array<i32>} : memref<2x16384xf32, #tpu.memory_space<vmem>>, vector<16xf32>,
        %parallel_loop3A_283 = arith.constant 1950 : i32
        %parallel_loop3A_284 = vector.broadcast %parallel_loop3A_283 : i32 to vector<16xi32>
        %parallel_loop3A_285 = arith.addi %parallel_loop3A_273, %parallel_loop3A_284 : vector<16xi32>
        %parallel_loop3A_286 = tpu.vector_load_idx %arg6[%parallel_loop3A_285] : memref<62400xf32, #tpu.memory_space<vmem>>[vector<16xi32>], vector<16xf32>,
        %parallel_loop3A_287 = arith.constant 0 : i32
        %parallel_loop3A_288 = arith.addi %parallel_loop3A_263, %parallel_loop3A_287 : i32
        %parallel_loop3A_289 = arith.constant 128 : i32
        %parallel_loop3A_290 = arith.addi %parallel_loop3A_288, %parallel_loop3A_289 : i32
        %parallel_loop3A_291 = arith.constant 1 : i32
        %parallel_loop3A_292 = arith.index_cast %parallel_loop3A_291 : i32 to index
        %parallel_loop3A_293 = arith.index_cast %parallel_loop3A_290 : i32 to index
        %parallel_loop3A_294 = tpu.vector_load %arg7[%parallel_loop3A_292, %parallel_loop3A_293] {strides = array<i32>} : memref<2x16384xf32, #tpu.memory_space<vmem>>, vector<16xf32>,
        tpu.vector_store %arg7[%parallel_loop3A_292, %parallel_loop3A_293], %parallel_loop3A_286 {strides = array<i32>} : memref<2x16384xf32, #tpu.memory_space<vmem>>, vector<16xf32>,
        %parallel_loop3A_295 = arith.constant 1950 : i32
        %parallel_loop3A_296 = vector.broadcast %parallel_loop3A_295 : i32 to vector<16xi32>
        %parallel_loop3A_297 = arith.addi %parallel_loop3A_285, %parallel_loop3A_296 : vector<16xi32>
        %parallel_loop3A_298 = tpu.vector_load_idx %arg6[%parallel_loop3A_297] : memref<62400xf32, #tpu.memory_space<vmem>>[vector<16xi32>], vector<16xf32>,
        %parallel_loop3A_299 = arith.constant 0 : i32
        %parallel_loop3A_300 = arith.addi %parallel_loop3A_263, %parallel_loop3A_299 : i32
        %parallel_loop3A_301 = arith.constant 256 : i32
        %parallel_loop3A_302 = arith.addi %parallel_loop3A_300, %parallel_loop3A_301 : i32
        %parallel_loop3A_303 = arith.constant 1 : i32
        %parallel_loop3A_304 = arith.index_cast %parallel_loop3A_303 : i32 to index
        %parallel_loop3A_305 = arith.index_cast %parallel_loop3A_302 : i32 to index
        %parallel_loop3A_306 = tpu.vector_load %arg7[%parallel_loop3A_304, %parallel_loop3A_305] {strides = array<i32>} : memref<2x16384xf32, #tpu.memory_space<vmem>>, vector<16xf32>,
        tpu.vector_store %arg7[%parallel_loop3A_304, %parallel_loop3A_305], %parallel_loop3A_298 {strides = array<i32>} : memref<2x16384xf32, #tpu.memory_space<vmem>>, vector<16xf32>,
        %parallel_loop3A_307 = arith.constant 1950 : i32
        %parallel_loop3A_308 = vector.broadcast %parallel_loop3A_307 : i32 to vector<16xi32>
        %parallel_loop3A_309 = arith.addi %parallel_loop3A_297, %parallel_loop3A_308 : vector<16xi32>
        %parallel_loop3A_310 = tpu.vector_load_idx %arg6[%parallel_loop3A_309] : memref<62400xf32, #tpu.memory_space<vmem>>[vector<16xi32>], vector<16xf32>,
        %parallel_loop3A_311 = arith.constant 0 : i32
        %parallel_loop3A_312 = arith.addi %parallel_loop3A_263, %parallel_loop3A_311 : i32
        %parallel_loop3A_313 = arith.constant 384 : i32
        %parallel_loop3A_314 = arith.addi %parallel_loop3A_312, %parallel_loop3A_313 : i32
        %parallel_loop3A_315 = arith.constant 1 : i32
        %parallel_loop3A_316 = arith.index_cast %parallel_loop3A_315 : i32 to index
        %parallel_loop3A_317 = arith.index_cast %parallel_loop3A_314 : i32 to index
        %parallel_loop3A_318 = tpu.vector_load %arg7[%parallel_loop3A_316, %parallel_loop3A_317] {strides = array<i32>} : memref<2x16384xf32, #tpu.memory_space<vmem>>, vector<16xf32>,
        tpu.vector_store %arg7[%parallel_loop3A_316, %parallel_loop3A_317], %parallel_loop3A_310 {strides = array<i32>} : memref<2x16384xf32, #tpu.memory_space<vmem>>, vector<16xf32>,
        %parallel_loop3A_319 = arith.constant 1950 : i32
        %parallel_loop3A_320 = vector.broadcast %parallel_loop3A_319 : i32 to vector<16xi32>
        %parallel_loop3A_321 = arith.addi %parallel_loop3A_309, %parallel_loop3A_320 : vector<16xi32>
        %parallel_loop3A_322 = tpu.vector_load_idx %arg6[%parallel_loop3A_321] : memref<62400xf32, #tpu.memory_space<vmem>>[vector<16xi32>], vector<16xf32>,
        %parallel_loop3A_323 = arith.constant 0 : i32
        %parallel_loop3A_324 = arith.addi %parallel_loop3A_263, %parallel_loop3A_323 : i32
        %parallel_loop3A_325 = arith.constant 512 : i32
        %parallel_loop3A_326 = arith.addi %parallel_loop3A_324, %parallel_loop3A_325 : i32
        %parallel_loop3A_327 = arith.constant 1 : i32
        %parallel_loop3A_328 = arith.index_cast %parallel_loop3A_327 : i32 to index
        %parallel_loop3A_329 = arith.index_cast %parallel_loop3A_326 : i32 to index
        %parallel_loop3A_330 = tpu.vector_load %arg7[%parallel_loop3A_328, %parallel_loop3A_329] {strides = array<i32>} : memref<2x16384xf32, #tpu.memory_space<vmem>>, vector<16xf32>,
        tpu.vector_store %arg7[%parallel_loop3A_328, %parallel_loop3A_329], %parallel_loop3A_322 {strides = array<i32>} : memref<2x16384xf32, #tpu.memory_space<vmem>>, vector<16xf32>,
        %parallel_loop3A_331 = arith.constant 1950 : i32
        %parallel_loop3A_332 = vector.broadcast %parallel_loop3A_331 : i32 to vector<16xi32>
        %parallel_loop3A_333 = arith.addi %parallel_loop3A_321, %parallel_loop3A_332 : vector<16xi32>
        %parallel_loop3A_334 = tpu.vector_load_idx %arg6[%parallel_loop3A_333] : memref<62400xf32, #tpu.memory_space<vmem>>[vector<16xi32>], vector<16xf32>,
        %parallel_loop3A_335 = arith.constant 0 : i32
        %parallel_loop3A_336 = arith.addi %parallel_loop3A_263, %parallel_loop3A_335 : i32
        %parallel_loop3A_337 = arith.constant 640 : i32
        %parallel_loop3A_338 = arith.addi %parallel_loop3A_336, %parallel_loop3A_337 : i32
        %parallel_loop3A_339 = arith.constant 1 : i32
        %parallel_loop3A_340 = arith.index_cast %parallel_loop3A_339 : i32 to index
        %parallel_loop3A_341 = arith.index_cast %parallel_loop3A_338 : i32 to index
        %parallel_loop3A_342 = tpu.vector_load %arg7[%parallel_loop3A_340, %parallel_loop3A_341] {strides = array<i32>} : memref<2x16384xf32, #tpu.memory_space<vmem>>, vector<16xf32>,
        tpu.vector_store %arg7[%parallel_loop3A_340, %parallel_loop3A_341], %parallel_loop3A_334 {strides = array<i32>} : memref<2x16384xf32, #tpu.memory_space<vmem>>, vector<16xf32>,
        %parallel_loop3A_343 = arith.constant 1950 : i32
        %parallel_loop3A_344 = vector.broadcast %parallel_loop3A_343 : i32 to vector<16xi32>
        %parallel_loop3A_345 = arith.addi %parallel_loop3A_333, %parallel_loop3A_344 : vector<16xi32>
        %parallel_loop3A_346 = tpu.vector_load_idx %arg6[%parallel_loop3A_345] : memref<62400xf32, #tpu.memory_space<vmem>>[vector<16xi32>], vector<16xf32>,
        %parallel_loop3A_347 = arith.constant 0 : i32
        %parallel_loop3A_348 = arith.addi %parallel_loop3A_263, %parallel_loop3A_347 : i32
        %parallel_loop3A_349 = arith.constant 768 : i32
        %parallel_loop3A_350 = arith.addi %parallel_loop3A_348, %parallel_loop3A_349 : i32
        %parallel_loop3A_351 = arith.constant 1 : i32
        %parallel_loop3A_352 = arith.index_cast %parallel_loop3A_351 : i32 to index
        %parallel_loop3A_353 = arith.index_cast %parallel_loop3A_350 : i32 to index
        %parallel_loop3A_354 = tpu.vector_load %arg7[%parallel_loop3A_352, %parallel_loop3A_353] {strides = array<i32>} : memref<2x16384xf32, #tpu.memory_space<vmem>>, vector<16xf32>,
        tpu.vector_store %arg7[%parallel_loop3A_352, %parallel_loop3A_353], %parallel_loop3A_346 {strides = array<i32>} : memref<2x16384xf32, #tpu.memory_space<vmem>>, vector<16xf32>,
        %parallel_loop3A_355 = arith.constant 1950 : i32
        %parallel_loop3A_356 = vector.broadcast %parallel_loop3A_355 : i32 to vector<16xi32>
        %parallel_loop3A_357 = arith.addi %parallel_loop3A_345, %parallel_loop3A_356 : vector<16xi32>
        %parallel_loop3A_358 = tpu.vector_load_idx %arg6[%parallel_loop3A_357] : memref<62400xf32, #tpu.memory_space<vmem>>[vector<16xi32>], vector<16xf32>,
        %parallel_loop3A_359 = arith.constant 0 : i32
        %parallel_loop3A_360 = arith.addi %parallel_loop3A_263, %parallel_loop3A_359 : i32
        %parallel_loop3A_361 = arith.constant 896 : i32
        %parallel_loop3A_362 = arith.addi %parallel_loop3A_360, %parallel_loop3A_361 : i32
        %parallel_loop3A_363 = arith.constant 1 : i32
        %parallel_loop3A_364 = arith.index_cast %parallel_loop3A_363 : i32 to index
        %parallel_loop3A_365 = arith.index_cast %parallel_loop3A_362 : i32 to index
        %parallel_loop3A_366 = tpu.vector_load %arg7[%parallel_loop3A_364, %parallel_loop3A_365] {strides = array<i32>} : memref<2x16384xf32, #tpu.memory_space<vmem>>, vector<16xf32>,
        tpu.vector_store %arg7[%parallel_loop3A_364, %parallel_loop3A_365], %parallel_loop3A_358 {strides = array<i32>} : memref<2x16384xf32, #tpu.memory_space<vmem>>, vector<16xf32>,
        %parallel_loop3A_367 = arith.constant 1950 : i32
        %parallel_loop3A_368 = vector.broadcast %parallel_loop3A_367 : i32 to vector<16xi32>
        %parallel_loop3A_369 = arith.addi %parallel_loop3A_357, %parallel_loop3A_368 : vector<16xi32>
        %parallel_loop3A_370 = tpu.vector_load_idx %arg6[%parallel_loop3A_369] : memref<62400xf32, #tpu.memory_space<vmem>>[vector<16xi32>], vector<16xf32>,
        %parallel_loop3A_371 = arith.constant 4096 : i32
        %parallel_loop3A_372 = arith.addi %parallel_loop3A_263, %parallel_loop3A_371 : i32
        %parallel_loop3A_373 = arith.constant 0 : i32
        %parallel_loop3A_374 = arith.addi %parallel_loop3A_372, %parallel_loop3A_373 : i32
        %parallel_loop3A_375 = arith.constant 1 : i32
        %parallel_loop3A_376 = arith.index_cast %parallel_loop3A_375 : i32 to index
        %parallel_loop3A_377 = arith.index_cast %parallel_loop3A_374 : i32 to index
        %parallel_loop3A_378 = tpu.vector_load %arg7[%parallel_loop3A_376, %parallel_loop3A_377] {strides = array<i32>} : memref<2x16384xf32, #tpu.memory_space<vmem>>, vector<16xf32>,
        tpu.vector_store %arg7[%parallel_loop3A_376, %parallel_loop3A_377], %parallel_loop3A_370 {strides = array<i32>} : memref<2x16384xf32, #tpu.memory_space<vmem>>, vector<16xf32>,
        %parallel_loop3A_379 = arith.constant 1950 : i32
        %parallel_loop3A_380 = vector.broadcast %parallel_loop3A_379 : i32 to vector<16xi32>
        %parallel_loop3A_381 = arith.addi %parallel_loop3A_369, %parallel_loop3A_380 : vector<16xi32>
        %parallel_loop3A_382 = tpu.vector_load_idx %arg6[%parallel_loop3A_381] : memref<62400xf32, #tpu.memory_space<vmem>>[vector<16xi32>], vector<16xf32>,
        %parallel_loop3A_383 = arith.constant 4096 : i32
        %parallel_loop3A_384 = arith.addi %parallel_loop3A_263, %parallel_loop3A_383 : i32
        %parallel_loop3A_385 = arith.constant 128 : i32
        %parallel_loop3A_386 = arith.addi %parallel_loop3A_384, %parallel_loop3A_385 : i32
        %parallel_loop3A_387 = arith.constant 1 : i32
        %parallel_loop3A_388 = arith.index_cast %parallel_loop3A_387 : i32 to index
        %parallel_loop3A_389 = arith.index_cast %parallel_loop3A_386 : i32 to index
        %parallel_loop3A_390 = tpu.vector_load %arg7[%parallel_loop3A_388, %parallel_loop3A_389] {strides = array<i32>} : memref<2x16384xf32, #tpu.memory_space<vmem>>, vector<16xf32>,
        tpu.vector_store %arg7[%parallel_loop3A_388, %parallel_loop3A_389], %parallel_loop3A_382 {strides = array<i32>} : memref<2x16384xf32, #tpu.memory_space<vmem>>, vector<16xf32>,
        %parallel_loop3A_391 = arith.constant 1950 : i32
        %parallel_loop3A_392 = vector.broadcast %parallel_loop3A_391 : i32 to vector<16xi32>
        %parallel_loop3A_393 = arith.addi %parallel_loop3A_381, %parallel_loop3A_392 : vector<16xi32>
        %parallel_loop3A_394 = tpu.vector_load_idx %arg6[%parallel_loop3A_393] : memref<62400xf32, #tpu.memory_space<vmem>>[vector<16xi32>], vector<16xf32>,
        %parallel_loop3A_395 = arith.constant 4096 : i32
        %parallel_loop3A_396 = arith.addi %parallel_loop3A_263, %parallel_loop3A_395 : i32
        %parallel_loop3A_397 = arith.constant 256 : i32
        %parallel_loop3A_398 = arith.addi %parallel_loop3A_396, %parallel_loop3A_397 : i32
        %parallel_loop3A_399 = arith.constant 1 : i32
        %parallel_loop3A_400 = arith.index_cast %parallel_loop3A_399 : i32 to index
        %parallel_loop3A_401 = arith.index_cast %parallel_loop3A_398 : i32 to index
        %parallel_loop3A_402 = tpu.vector_load %arg7[%parallel_loop3A_400, %parallel_loop3A_401] {strides = array<i32>} : memref<2x16384xf32, #tpu.memory_space<vmem>>, vector<16xf32>,
        tpu.vector_store %arg7[%parallel_loop3A_400, %parallel_loop3A_401], %parallel_loop3A_394 {strides = array<i32>} : memref<2x16384xf32, #tpu.memory_space<vmem>>, vector<16xf32>,
        %parallel_loop3A_403 = arith.constant 1950 : i32
        %parallel_loop3A_404 = vector.broadcast %parallel_loop3A_403 : i32 to vector<16xi32>
        %parallel_loop3A_405 = arith.addi %parallel_loop3A_393, %parallel_loop3A_404 : vector<16xi32>
        %parallel_loop3A_406 = tpu.vector_load_idx %arg6[%parallel_loop3A_405] : memref<62400xf32, #tpu.memory_space<vmem>>[vector<16xi32>], vector<16xf32>,
        %parallel_loop3A_407 = arith.constant 4096 : i32
        %parallel_loop3A_408 = arith.addi %parallel_loop3A_263, %parallel_loop3A_407 : i32
        %parallel_loop3A_409 = arith.constant 384 : i32
        %parallel_loop3A_410 = arith.addi %parallel_loop3A_408, %parallel_loop3A_409 : i32
        %parallel_loop3A_411 = arith.constant 1 : i32
        %parallel_loop3A_412 = arith.index_cast %parallel_loop3A_411 : i32 to index
        %parallel_loop3A_413 = arith.index_cast %parallel_loop3A_410 : i32 to index
        %parallel_loop3A_414 = tpu.vector_load %arg7[%parallel_loop3A_412, %parallel_loop3A_413] {strides = array<i32>} : memref<2x16384xf32, #tpu.memory_space<vmem>>, vector<16xf32>,
        tpu.vector_store %arg7[%parallel_loop3A_412, %parallel_loop3A_413], %parallel_loop3A_406 {strides = array<i32>} : memref<2x16384xf32, #tpu.memory_space<vmem>>, vector<16xf32>,
        %parallel_loop3A_415 = arith.constant 1950 : i32
        %parallel_loop3A_416 = vector.broadcast %parallel_loop3A_415 : i32 to vector<16xi32>
        %parallel_loop3A_417 = arith.addi %parallel_loop3A_405, %parallel_loop3A_416 : vector<16xi32>
        %parallel_loop3A_418 = tpu.vector_load_idx %arg6[%parallel_loop3A_417] : memref<62400xf32, #tpu.memory_space<vmem>>[vector<16xi32>], vector<16xf32>,
        %parallel_loop3A_419 = arith.constant 4096 : i32
        %parallel_loop3A_420 = arith.addi %parallel_loop3A_263, %parallel_loop3A_419 : i32
        %parallel_loop3A_421 = arith.constant 512 : i32
        %parallel_loop3A_422 = arith.addi %parallel_loop3A_420, %parallel_loop3A_421 : i32
        %parallel_loop3A_423 = arith.constant 1 : i32
        %parallel_loop3A_424 = arith.index_cast %parallel_loop3A_423 : i32 to index
        %parallel_loop3A_425 = arith.index_cast %parallel_loop3A_422 : i32 to index
        %parallel_loop3A_426 = tpu.vector_load %arg7[%parallel_loop3A_424, %parallel_loop3A_425] {strides = array<i32>} : memref<2x16384xf32, #tpu.memory_space<vmem>>, vector<16xf32>,
        tpu.vector_store %arg7[%parallel_loop3A_424, %parallel_loop3A_425], %parallel_loop3A_418 {strides = array<i32>} : memref<2x16384xf32, #tpu.memory_space<vmem>>, vector<16xf32>,
        %parallel_loop3A_427 = arith.constant 1950 : i32
        %parallel_loop3A_428 = vector.broadcast %parallel_loop3A_427 : i32 to vector<16xi32>
        %parallel_loop3A_429 = arith.addi %parallel_loop3A_417, %parallel_loop3A_428 : vector<16xi32>
        %parallel_loop3A_430 = tpu.vector_load_idx %arg6[%parallel_loop3A_429] : memref<62400xf32, #tpu.memory_space<vmem>>[vector<16xi32>], vector<16xf32>,
        %parallel_loop3A_431 = arith.constant 4096 : i32
        %parallel_loop3A_432 = arith.addi %parallel_loop3A_263, %parallel_loop3A_431 : i32
        %parallel_loop3A_433 = arith.constant 640 : i32
        %parallel_loop3A_434 = arith.addi %parallel_loop3A_432, %parallel_loop3A_433 : i32
        %parallel_loop3A_435 = arith.constant 1 : i32
        %parallel_loop3A_436 = arith.index_cast %parallel_loop3A_435 : i32 to index
        %parallel_loop3A_437 = arith.index_cast %parallel_loop3A_434 : i32 to index
        %parallel_loop3A_438 = tpu.vector_load %arg7[%parallel_loop3A_436, %parallel_loop3A_437] {strides = array<i32>} : memref<2x16384xf32, #tpu.memory_space<vmem>>, vector<16xf32>,
        tpu.vector_store %arg7[%parallel_loop3A_436, %parallel_loop3A_437], %parallel_loop3A_430 {strides = array<i32>} : memref<2x16384xf32, #tpu.memory_space<vmem>>, vector<16xf32>,
        %parallel_loop3A_439 = arith.constant 1950 : i32
        %parallel_loop3A_440 = vector.broadcast %parallel_loop3A_439 : i32 to vector<16xi32>
        %parallel_loop3A_441 = arith.addi %parallel_loop3A_429, %parallel_loop3A_440 : vector<16xi32>
        %parallel_loop3A_442 = tpu.vector_load_idx %arg6[%parallel_loop3A_441] : memref<62400xf32, #tpu.memory_space<vmem>>[vector<16xi32>], vector<16xf32>,
        %parallel_loop3A_443 = arith.constant 4096 : i32
        %parallel_loop3A_444 = arith.addi %parallel_loop3A_263, %parallel_loop3A_443 : i32
        %parallel_loop3A_445 = arith.constant 768 : i32
        %parallel_loop3A_446 = arith.addi %parallel_loop3A_444, %parallel_loop3A_445 : i32
        %parallel_loop3A_447 = arith.constant 1 : i32
        %parallel_loop3A_448 = arith.index_cast %parallel_loop3A_447 : i32 to index
        %parallel_loop3A_449 = arith.index_cast %parallel_loop3A_446 : i32 to index
        %parallel_loop3A_450 = tpu.vector_load %arg7[%parallel_loop3A_448, %parallel_loop3A_449] {strides = array<i32>} : memref<2x16384xf32, #tpu.memory_space<vmem>>, vector<16xf32>,
        tpu.vector_store %arg7[%parallel_loop3A_448, %parallel_loop3A_449], %parallel_loop3A_442 {strides = array<i32>} : memref<2x16384xf32, #tpu.memory_space<vmem>>, vector<16xf32>,
        %parallel_loop3A_451 = arith.constant 1950 : i32
        %parallel_loop3A_452 = vector.broadcast %parallel_loop3A_451 : i32 to vector<16xi32>
        %parallel_loop3A_453 = arith.addi %parallel_loop3A_441, %parallel_loop3A_452 : vector<16xi32>
        %parallel_loop3A_454 = tpu.vector_load_idx %arg6[%parallel_loop3A_453] : memref<62400xf32, #tpu.memory_space<vmem>>[vector<16xi32>], vector<16xf32>,
        %parallel_loop3A_455 = arith.constant 4096 : i32
        %parallel_loop3A_456 = arith.addi %parallel_loop3A_263, %parallel_loop3A_455 : i32
        %parallel_loop3A_457 = arith.constant 896 : i32
        %parallel_loop3A_458 = arith.addi %parallel_loop3A_456, %parallel_loop3A_457 : i32
        %parallel_loop3A_459 = arith.constant 1 : i32
        %parallel_loop3A_460 = arith.index_cast %parallel_loop3A_459 : i32 to index
        %parallel_loop3A_461 = arith.index_cast %parallel_loop3A_458 : i32 to index
        %parallel_loop3A_462 = tpu.vector_load %arg7[%parallel_loop3A_460, %parallel_loop3A_461] {strides = array<i32>} : memref<2x16384xf32, #tpu.memory_space<vmem>>, vector<16xf32>,
        tpu.vector_store %arg7[%parallel_loop3A_460, %parallel_loop3A_461], %parallel_loop3A_454 {strides = array<i32>} : memref<2x16384xf32, #tpu.memory_space<vmem>>, vector<16xf32>,
        %parallel_loop3A_463 = arith.constant 1950 : i32
        %parallel_loop3A_464 = vector.broadcast %parallel_loop3A_463 : i32 to vector<16xi32>
        %parallel_loop3A_465 = arith.addi %parallel_loop3A_453, %parallel_loop3A_464 : vector<16xi32>
        %parallel_loop3A_466 = tpu.vector_load_idx %arg6[%parallel_loop3A_465] : memref<62400xf32, #tpu.memory_space<vmem>>[vector<16xi32>], vector<16xf32>,
        %parallel_loop3A_467 = arith.constant 8192 : i32
        %parallel_loop3A_468 = arith.addi %parallel_loop3A_263, %parallel_loop3A_467 : i32
        %parallel_loop3A_469 = arith.constant 0 : i32
        %parallel_loop3A_470 = arith.addi %parallel_loop3A_468, %parallel_loop3A_469 : i32
        %parallel_loop3A_471 = arith.constant 1 : i32
        %parallel_loop3A_472 = arith.index_cast %parallel_loop3A_471 : i32 to index
        %parallel_loop3A_473 = arith.index_cast %parallel_loop3A_470 : i32 to index
        %parallel_loop3A_474 = tpu.vector_load %arg7[%parallel_loop3A_472, %parallel_loop3A_473] {strides = array<i32>} : memref<2x16384xf32, #tpu.memory_space<vmem>>, vector<16xf32>,
        tpu.vector_store %arg7[%parallel_loop3A_472, %parallel_loop3A_473], %parallel_loop3A_466 {strides = array<i32>} : memref<2x16384xf32, #tpu.memory_space<vmem>>, vector<16xf32>,
        %parallel_loop3A_475 = arith.constant 1950 : i32
        %parallel_loop3A_476 = vector.broadcast %parallel_loop3A_475 : i32 to vector<16xi32>
        %parallel_loop3A_477 = arith.addi %parallel_loop3A_465, %parallel_loop3A_476 : vector<16xi32>
        %parallel_loop3A_478 = tpu.vector_load_idx %arg6[%parallel_loop3A_477] : memref<62400xf32, #tpu.memory_space<vmem>>[vector<16xi32>], vector<16xf32>,
        %parallel_loop3A_479 = arith.constant 8192 : i32
        %parallel_loop3A_480 = arith.addi %parallel_loop3A_263, %parallel_loop3A_479 : i32
        %parallel_loop3A_481 = arith.constant 128 : i32
        %parallel_loop3A_482 = arith.addi %parallel_loop3A_480, %parallel_loop3A_481 : i32
        %parallel_loop3A_483 = arith.constant 1 : i32
        %parallel_loop3A_484 = arith.index_cast %parallel_loop3A_483 : i32 to index
        %parallel_loop3A_485 = arith.index_cast %parallel_loop3A_482 : i32 to index
        %parallel_loop3A_486 = tpu.vector_load %arg7[%parallel_loop3A_484, %parallel_loop3A_485] {strides = array<i32>} : memref<2x16384xf32, #tpu.memory_space<vmem>>, vector<16xf32>,
        tpu.vector_store %arg7[%parallel_loop3A_484, %parallel_loop3A_485], %parallel_loop3A_478 {strides = array<i32>} : memref<2x16384xf32, #tpu.memory_space<vmem>>, vector<16xf32>,
        %parallel_loop3A_487 = arith.constant 1950 : i32
        %parallel_loop3A_488 = vector.broadcast %parallel_loop3A_487 : i32 to vector<16xi32>
        %parallel_loop3A_489 = arith.addi %parallel_loop3A_477, %parallel_loop3A_488 : vector<16xi32>
        %parallel_loop3A_490 = tpu.vector_load_idx %arg6[%parallel_loop3A_489] : memref<62400xf32, #tpu.memory_space<vmem>>[vector<16xi32>], vector<16xf32>,
        %parallel_loop3A_491 = arith.constant 8192 : i32
        %parallel_loop3A_492 = arith.addi %parallel_loop3A_263, %parallel_loop3A_491 : i32
        %parallel_loop3A_493 = arith.constant 256 : i32
        %parallel_loop3A_494 = arith.addi %parallel_loop3A_492, %parallel_loop3A_493 : i32
        %parallel_loop3A_495 = arith.constant 1 : i32
        %parallel_loop3A_496 = arith.index_cast %parallel_loop3A_495 : i32 to index
        %parallel_loop3A_497 = arith.index_cast %parallel_loop3A_494 : i32 to index
        %parallel_loop3A_498 = tpu.vector_load %arg7[%parallel_loop3A_496, %parallel_loop3A_497] {strides = array<i32>} : memref<2x16384xf32, #tpu.memory_space<vmem>>, vector<16xf32>,
        tpu.vector_store %arg7[%parallel_loop3A_496, %parallel_loop3A_497], %parallel_loop3A_490 {strides = array<i32>} : memref<2x16384xf32, #tpu.memory_space<vmem>>, vector<16xf32>,
        %parallel_loop3A_499 = arith.constant 1950 : i32
        %parallel_loop3A_500 = vector.broadcast %parallel_loop3A_499 : i32 to vector<16xi32>
        %parallel_loop3A_501 = arith.addi %parallel_loop3A_489, %parallel_loop3A_500 : vector<16xi32>
        %parallel_loop3A_502 = tpu.vector_load_idx %arg6[%parallel_loop3A_501] : memref<62400xf32, #tpu.memory_space<vmem>>[vector<16xi32>], vector<16xf32>,
        %parallel_loop3A_503 = arith.constant 8192 : i32
        %parallel_loop3A_504 = arith.addi %parallel_loop3A_263, %parallel_loop3A_503 : i32
        %parallel_loop3A_505 = arith.constant 384 : i32
        %parallel_loop3A_506 = arith.addi %parallel_loop3A_504, %parallel_loop3A_505 : i32
        %parallel_loop3A_507 = arith.constant 1 : i32
        %parallel_loop3A_508 = arith.index_cast %parallel_loop3A_507 : i32 to index
        %parallel_loop3A_509 = arith.index_cast %parallel_loop3A_506 : i32 to index
        %parallel_loop3A_510 = tpu.vector_load %arg7[%parallel_loop3A_508, %parallel_loop3A_509] {strides = array<i32>} : memref<2x16384xf32, #tpu.memory_space<vmem>>, vector<16xf32>,
        tpu.vector_store %arg7[%parallel_loop3A_508, %parallel_loop3A_509], %parallel_loop3A_502 {strides = array<i32>} : memref<2x16384xf32, #tpu.memory_space<vmem>>, vector<16xf32>,
        %parallel_loop3A_511 = arith.constant 1950 : i32
        %parallel_loop3A_512 = vector.broadcast %parallel_loop3A_511 : i32 to vector<16xi32>
        %parallel_loop3A_513 = arith.addi %parallel_loop3A_501, %parallel_loop3A_512 : vector<16xi32>
        %parallel_loop3A_514 = tpu.vector_load_idx %arg6[%parallel_loop3A_513] : memref<62400xf32, #tpu.memory_space<vmem>>[vector<16xi32>], vector<16xf32>,
        %parallel_loop3A_515 = arith.constant 8192 : i32
        %parallel_loop3A_516 = arith.addi %parallel_loop3A_263, %parallel_loop3A_515 : i32
        %parallel_loop3A_517 = arith.constant 512 : i32
        %parallel_loop3A_518 = arith.addi %parallel_loop3A_516, %parallel_loop3A_517 : i32
        %parallel_loop3A_519 = arith.constant 1 : i32
        %parallel_loop3A_520 = arith.index_cast %parallel_loop3A_519 : i32 to index
        %parallel_loop3A_521 = arith.index_cast %parallel_loop3A_518 : i32 to index
        %parallel_loop3A_522 = tpu.vector_load %arg7[%parallel_loop3A_520, %parallel_loop3A_521] {strides = array<i32>} : memref<2x16384xf32, #tpu.memory_space<vmem>>, vector<16xf32>,
        tpu.vector_store %arg7[%parallel_loop3A_520, %parallel_loop3A_521], %parallel_loop3A_514 {strides = array<i32>} : memref<2x16384xf32, #tpu.memory_space<vmem>>, vector<16xf32>,
        %parallel_loop3A_523 = arith.constant 1950 : i32
        %parallel_loop3A_524 = vector.broadcast %parallel_loop3A_523 : i32 to vector<16xi32>
        %parallel_loop3A_525 = arith.addi %parallel_loop3A_513, %parallel_loop3A_524 : vector<16xi32>
        %parallel_loop3A_526 = tpu.vector_load_idx %arg6[%parallel_loop3A_525] : memref<62400xf32, #tpu.memory_space<vmem>>[vector<16xi32>], vector<16xf32>,
        %parallel_loop3A_527 = arith.constant 8192 : i32
        %parallel_loop3A_528 = arith.addi %parallel_loop3A_263, %parallel_loop3A_527 : i32
        %parallel_loop3A_529 = arith.constant 640 : i32
        %parallel_loop3A_530 = arith.addi %parallel_loop3A_528, %parallel_loop3A_529 : i32
        %parallel_loop3A_531 = arith.constant 1 : i32
        %parallel_loop3A_532 = arith.index_cast %parallel_loop3A_531 : i32 to index
        %parallel_loop3A_533 = arith.index_cast %parallel_loop3A_530 : i32 to index
        %parallel_loop3A_534 = tpu.vector_load %arg7[%parallel_loop3A_532, %parallel_loop3A_533] {strides = array<i32>} : memref<2x16384xf32, #tpu.memory_space<vmem>>, vector<16xf32>,
        tpu.vector_store %arg7[%parallel_loop3A_532, %parallel_loop3A_533], %parallel_loop3A_526 {strides = array<i32>} : memref<2x16384xf32, #tpu.memory_space<vmem>>, vector<16xf32>,
        %parallel_loop3A_535 = arith.constant 1950 : i32
        %parallel_loop3A_536 = vector.broadcast %parallel_loop3A_535 : i32 to vector<16xi32>
        %parallel_loop3A_537 = arith.addi %parallel_loop3A_525, %parallel_loop3A_536 : vector<16xi32>
        %parallel_loop3A_538 = tpu.vector_load_idx %arg6[%parallel_loop3A_537] : memref<62400xf32, #tpu.memory_space<vmem>>[vector<16xi32>], vector<16xf32>,
        %parallel_loop3A_539 = arith.constant 8192 : i32
        %parallel_loop3A_540 = arith.addi %parallel_loop3A_263, %parallel_loop3A_539 : i32
        %parallel_loop3A_541 = arith.constant 768 : i32
        %parallel_loop3A_542 = arith.addi %parallel_loop3A_540, %parallel_loop3A_541 : i32
        %parallel_loop3A_543 = arith.constant 1 : i32
        %parallel_loop3A_544 = arith.index_cast %parallel_loop3A_543 : i32 to index
        %parallel_loop3A_545 = arith.index_cast %parallel_loop3A_542 : i32 to index
        %parallel_loop3A_546 = tpu.vector_load %arg7[%parallel_loop3A_544, %parallel_loop3A_545] {strides = array<i32>} : memref<2x16384xf32, #tpu.memory_space<vmem>>, vector<16xf32>,
        tpu.vector_store %arg7[%parallel_loop3A_544, %parallel_loop3A_545], %parallel_loop3A_538 {strides = array<i32>} : memref<2x16384xf32, #tpu.memory_space<vmem>>, vector<16xf32>,
        %parallel_loop3A_547 = arith.constant 1950 : i32
        %parallel_loop3A_548 = vector.broadcast %parallel_loop3A_547 : i32 to vector<16xi32>
        %parallel_loop3A_549 = arith.addi %parallel_loop3A_537, %parallel_loop3A_548 : vector<16xi32>
        %parallel_loop3A_550 = tpu.vector_load_idx %arg6[%parallel_loop3A_549] : memref<62400xf32, #tpu.memory_space<vmem>>[vector<16xi32>], vector<16xf32>,
        %parallel_loop3A_551 = arith.constant 8192 : i32
        %parallel_loop3A_552 = arith.addi %parallel_loop3A_263, %parallel_loop3A_551 : i32
        %parallel_loop3A_553 = arith.constant 896 : i32
        %parallel_loop3A_554 = arith.addi %parallel_loop3A_552, %parallel_loop3A_553 : i32
        %parallel_loop3A_555 = arith.constant 1 : i32
        %parallel_loop3A_556 = arith.index_cast %parallel_loop3A_555 : i32 to index
        %parallel_loop3A_557 = arith.index_cast %parallel_loop3A_554 : i32 to index
        %parallel_loop3A_558 = tpu.vector_load %arg7[%parallel_loop3A_556, %parallel_loop3A_557] {strides = array<i32>} : memref<2x16384xf32, #tpu.memory_space<vmem>>, vector<16xf32>,
        tpu.vector_store %arg7[%parallel_loop3A_556, %parallel_loop3A_557], %parallel_loop3A_550 {strides = array<i32>} : memref<2x16384xf32, #tpu.memory_space<vmem>>, vector<16xf32>,
        %parallel_loop3A_559 = arith.constant 1950 : i32
        %parallel_loop3A_560 = vector.broadcast %parallel_loop3A_559 : i32 to vector<16xi32>
        %parallel_loop3A_561 = arith.addi %parallel_loop3A_549, %parallel_loop3A_560 : vector<16xi32>
        %parallel_loop3A_562 = tpu.vector_load_idx %arg6[%parallel_loop3A_561] : memref<62400xf32, #tpu.memory_space<vmem>>[vector<16xi32>], vector<16xf32>,
        %parallel_loop3A_563 = arith.constant 12288 : i32
        %parallel_loop3A_564 = arith.addi %parallel_loop3A_263, %parallel_loop3A_563 : i32
        %parallel_loop3A_565 = arith.constant 0 : i32
        %parallel_loop3A_566 = arith.addi %parallel_loop3A_564, %parallel_loop3A_565 : i32
        %parallel_loop3A_567 = arith.constant 1 : i32
        %parallel_loop3A_568 = arith.index_cast %parallel_loop3A_567 : i32 to index
        %parallel_loop3A_569 = arith.index_cast %parallel_loop3A_566 : i32 to index
        %parallel_loop3A_570 = tpu.vector_load %arg7[%parallel_loop3A_568, %parallel_loop3A_569] {strides = array<i32>} : memref<2x16384xf32, #tpu.memory_space<vmem>>, vector<16xf32>,
        tpu.vector_store %arg7[%parallel_loop3A_568, %parallel_loop3A_569], %parallel_loop3A_562 {strides = array<i32>} : memref<2x16384xf32, #tpu.memory_space<vmem>>, vector<16xf32>,
        %parallel_loop3A_571 = arith.constant 1950 : i32
        %parallel_loop3A_572 = vector.broadcast %parallel_loop3A_571 : i32 to vector<16xi32>
        %parallel_loop3A_573 = arith.addi %parallel_loop3A_561, %parallel_loop3A_572 : vector<16xi32>
        %parallel_loop3A_574 = tpu.vector_load_idx %arg6[%parallel_loop3A_573] : memref<62400xf32, #tpu.memory_space<vmem>>[vector<16xi32>], vector<16xf32>,
        %parallel_loop3A_575 = arith.constant 12288 : i32
        %parallel_loop3A_576 = arith.addi %parallel_loop3A_263, %parallel_loop3A_575 : i32
        %parallel_loop3A_577 = arith.constant 128 : i32
        %parallel_loop3A_578 = arith.addi %parallel_loop3A_576, %parallel_loop3A_577 : i32
        %parallel_loop3A_579 = arith.constant 1 : i32
        %parallel_loop3A_580 = arith.index_cast %parallel_loop3A_579 : i32 to index
        %parallel_loop3A_581 = arith.index_cast %parallel_loop3A_578 : i32 to index
        %parallel_loop3A_582 = tpu.vector_load %arg7[%parallel_loop3A_580, %parallel_loop3A_581] {strides = array<i32>} : memref<2x16384xf32, #tpu.memory_space<vmem>>, vector<16xf32>,
        tpu.vector_store %arg7[%parallel_loop3A_580, %parallel_loop3A_581], %parallel_loop3A_574 {strides = array<i32>} : memref<2x16384xf32, #tpu.memory_space<vmem>>, vector<16xf32>,
        %parallel_loop3A_583 = arith.constant 1950 : i32
        %parallel_loop3A_584 = vector.broadcast %parallel_loop3A_583 : i32 to vector<16xi32>
        %parallel_loop3A_585 = arith.addi %parallel_loop3A_573, %parallel_loop3A_584 : vector<16xi32>
        %parallel_loop3A_586 = tpu.vector_load_idx %arg6[%parallel_loop3A_585] : memref<62400xf32, #tpu.memory_space<vmem>>[vector<16xi32>], vector<16xf32>,
        %parallel_loop3A_587 = arith.constant 12288 : i32
        %parallel_loop3A_588 = arith.addi %parallel_loop3A_263, %parallel_loop3A_587 : i32
        %parallel_loop3A_589 = arith.constant 256 : i32
        %parallel_loop3A_590 = arith.addi %parallel_loop3A_588, %parallel_loop3A_589 : i32
        %parallel_loop3A_591 = arith.constant 1 : i32
        %parallel_loop3A_592 = arith.index_cast %parallel_loop3A_591 : i32 to index
        %parallel_loop3A_593 = arith.index_cast %parallel_loop3A_590 : i32 to index
        %parallel_loop3A_594 = tpu.vector_load %arg7[%parallel_loop3A_592, %parallel_loop3A_593] {strides = array<i32>} : memref<2x16384xf32, #tpu.memory_space<vmem>>, vector<16xf32>,
        tpu.vector_store %arg7[%parallel_loop3A_592, %parallel_loop3A_593], %parallel_loop3A_586 {strides = array<i32>} : memref<2x16384xf32, #tpu.memory_space<vmem>>, vector<16xf32>,
        %parallel_loop3A_595 = arith.constant 1950 : i32
        %parallel_loop3A_596 = vector.broadcast %parallel_loop3A_595 : i32 to vector<16xi32>
        %parallel_loop3A_597 = arith.addi %parallel_loop3A_585, %parallel_loop3A_596 : vector<16xi32>
        %parallel_loop3A_598 = tpu.vector_load_idx %arg6[%parallel_loop3A_597] : memref<62400xf32, #tpu.memory_space<vmem>>[vector<16xi32>], vector<16xf32>,
        %parallel_loop3A_599 = arith.constant 12288 : i32
        %parallel_loop3A_600 = arith.addi %parallel_loop3A_263, %parallel_loop3A_599 : i32
        %parallel_loop3A_601 = arith.constant 384 : i32
        %parallel_loop3A_602 = arith.addi %parallel_loop3A_600, %parallel_loop3A_601 : i32
        %parallel_loop3A_603 = arith.constant 1 : i32
        %parallel_loop3A_604 = arith.index_cast %parallel_loop3A_603 : i32 to index
        %parallel_loop3A_605 = arith.index_cast %parallel_loop3A_602 : i32 to index
        %parallel_loop3A_606 = tpu.vector_load %arg7[%parallel_loop3A_604, %parallel_loop3A_605] {strides = array<i32>} : memref<2x16384xf32, #tpu.memory_space<vmem>>, vector<16xf32>,
        tpu.vector_store %arg7[%parallel_loop3A_604, %parallel_loop3A_605], %parallel_loop3A_598 {strides = array<i32>} : memref<2x16384xf32, #tpu.memory_space<vmem>>, vector<16xf32>,
        %parallel_loop3A_607 = arith.constant 1950 : i32
        %parallel_loop3A_608 = vector.broadcast %parallel_loop3A_607 : i32 to vector<16xi32>
        %parallel_loop3A_609 = arith.addi %parallel_loop3A_597, %parallel_loop3A_608 : vector<16xi32>
        %parallel_loop3A_610 = tpu.vector_load_idx %arg6[%parallel_loop3A_609] : memref<62400xf32, #tpu.memory_space<vmem>>[vector<16xi32>], vector<16xf32>,
        %parallel_loop3A_611 = arith.constant 12288 : i32
        %parallel_loop3A_612 = arith.addi %parallel_loop3A_263, %parallel_loop3A_611 : i32
        %parallel_loop3A_613 = arith.constant 512 : i32
        %parallel_loop3A_614 = arith.addi %parallel_loop3A_612, %parallel_loop3A_613 : i32
        %parallel_loop3A_615 = arith.constant 1 : i32
        %parallel_loop3A_616 = arith.index_cast %parallel_loop3A_615 : i32 to index
        %parallel_loop3A_617 = arith.index_cast %parallel_loop3A_614 : i32 to index
        %parallel_loop3A_618 = tpu.vector_load %arg7[%parallel_loop3A_616, %parallel_loop3A_617] {strides = array<i32>} : memref<2x16384xf32, #tpu.memory_space<vmem>>, vector<16xf32>,
        tpu.vector_store %arg7[%parallel_loop3A_616, %parallel_loop3A_617], %parallel_loop3A_610 {strides = array<i32>} : memref<2x16384xf32, #tpu.memory_space<vmem>>, vector<16xf32>,
        %parallel_loop3A_619 = arith.constant 1950 : i32
        %parallel_loop3A_620 = vector.broadcast %parallel_loop3A_619 : i32 to vector<16xi32>
        %parallel_loop3A_621 = arith.addi %parallel_loop3A_609, %parallel_loop3A_620 : vector<16xi32>
        %parallel_loop3A_622 = tpu.vector_load_idx %arg6[%parallel_loop3A_621] : memref<62400xf32, #tpu.memory_space<vmem>>[vector<16xi32>], vector<16xf32>,
        %parallel_loop3A_623 = arith.constant 12288 : i32
        %parallel_loop3A_624 = arith.addi %parallel_loop3A_263, %parallel_loop3A_623 : i32
        %parallel_loop3A_625 = arith.constant 640 : i32
        %parallel_loop3A_626 = arith.addi %parallel_loop3A_624, %parallel_loop3A_625 : i32
        %parallel_loop3A_627 = arith.constant 1 : i32
        %parallel_loop3A_628 = arith.index_cast %parallel_loop3A_627 : i32 to index
        %parallel_loop3A_629 = arith.index_cast %parallel_loop3A_626 : i32 to index
        %parallel_loop3A_630 = tpu.vector_load %arg7[%parallel_loop3A_628, %parallel_loop3A_629] {strides = array<i32>} : memref<2x16384xf32, #tpu.memory_space<vmem>>, vector<16xf32>,
        tpu.vector_store %arg7[%parallel_loop3A_628, %parallel_loop3A_629], %parallel_loop3A_622 {strides = array<i32>} : memref<2x16384xf32, #tpu.memory_space<vmem>>, vector<16xf32>,
        %parallel_loop3A_631 = arith.constant 1950 : i32
        %parallel_loop3A_632 = vector.broadcast %parallel_loop3A_631 : i32 to vector<16xi32>
        %parallel_loop3A_633 = arith.addi %parallel_loop3A_621, %parallel_loop3A_632 : vector<16xi32>
        %parallel_loop3A_634 = tpu.vector_load_idx %arg6[%parallel_loop3A_633] : memref<62400xf32, #tpu.memory_space<vmem>>[vector<16xi32>], vector<16xf32>,
        %parallel_loop3A_635 = arith.constant 12288 : i32
        %parallel_loop3A_636 = arith.addi %parallel_loop3A_263, %parallel_loop3A_635 : i32
        %parallel_loop3A_637 = arith.constant 768 : i32
        %parallel_loop3A_638 = arith.addi %parallel_loop3A_636, %parallel_loop3A_637 : i32
        %parallel_loop3A_639 = arith.constant 1 : i32
        %parallel_loop3A_640 = arith.index_cast %parallel_loop3A_639 : i32 to index
        %parallel_loop3A_641 = arith.index_cast %parallel_loop3A_638 : i32 to index
        %parallel_loop3A_642 = tpu.vector_load %arg7[%parallel_loop3A_640, %parallel_loop3A_641] {strides = array<i32>} : memref<2x16384xf32, #tpu.memory_space<vmem>>, vector<16xf32>,
        tpu.vector_store %arg7[%parallel_loop3A_640, %parallel_loop3A_641], %parallel_loop3A_634 {strides = array<i32>} : memref<2x16384xf32, #tpu.memory_space<vmem>>, vector<16xf32>,
        %parallel_loop3A_643 = arith.constant 1950 : i32
        %parallel_loop3A_644 = vector.broadcast %parallel_loop3A_643 : i32 to vector<16xi32>
        %parallel_loop3A_645 = arith.addi %parallel_loop3A_633, %parallel_loop3A_644 : vector<16xi32>
        %parallel_loop3A_646 = tpu.vector_load_idx %arg6[%parallel_loop3A_645] : memref<62400xf32, #tpu.memory_space<vmem>>[vector<16xi32>], vector<16xf32>,
        %parallel_loop3A_647 = arith.constant 12288 : i32
        %parallel_loop3A_648 = arith.addi %parallel_loop3A_263, %parallel_loop3A_647 : i32
        %parallel_loop3A_649 = arith.constant 896 : i32
        %parallel_loop3A_650 = arith.addi %parallel_loop3A_648, %parallel_loop3A_649 : i32
        %parallel_loop3A_651 = arith.constant 1 : i32
        %parallel_loop3A_652 = arith.index_cast %parallel_loop3A_651 : i32 to index
        %parallel_loop3A_653 = arith.index_cast %parallel_loop3A_650 : i32 to index
        %parallel_loop3A_654 = tpu.vector_load %arg7[%parallel_loop3A_652, %parallel_loop3A_653] {strides = array<i32>} : memref<2x16384xf32, #tpu.memory_space<vmem>>, vector<16xf32>,
        tpu.vector_store %arg7[%parallel_loop3A_652, %parallel_loop3A_653], %parallel_loop3A_646 {strides = array<i32>} : memref<2x16384xf32, #tpu.memory_space<vmem>>, vector<16xf32>,
        %parallel_loop3A_655 = arith.constant 1950 : i32
        %parallel_loop3A_656 = vector.broadcast %parallel_loop3A_655 : i32 to vector<16xi32>
        %parallel_loop3A_657 = arith.addi %parallel_loop3A_645, %parallel_loop3A_656 : vector<16xi32>
      } {sc.loop_unroll_factor = 2 : i64, sc.parallel_access}
      %mul3A_134 = arith.constant 2 : i32
      %mul3A_135 = arith.muli %mul3A_134, %scan3A_34 : i32
      %add3A_136 = arith.constant 1 : i32
      %add3A_137 = arith.addi %mul3A_135, %add3A_136 : i32
      %mul3A_138 = arith.constant 4 : i32
      %mul3A_139 = arith.muli %add3A_137, %mul3A_138 : i32
      %add3A_140 = arith.constant 0 : i32
      %add3A_141 = arith.addi %mul3A_139, %add3A_140 : i32
      %mul3A_142 = arith.constant 128 : i32
      %mul3A_143 = arith.muli %add3A_141, %mul3A_142 : i32
      %mul3A_144 = arith.constant 4 : i32
      %mul3A_145 = arith.muli %add3A, %mul3A_144 : i32
      %add3A_146 = arith.addi %mul3A_143, %mul3A_145 : i32
      %mul3A_147 = arith.constant 1024 : i32
      %mul3A_148 = arith.muli %add3A_146, %mul3A_147 : i32
      %dma_start3A_149 = arith.constant 1 : i32
      %dma_start3A_150 = arith.constant 0 : i32
      %dma_start3A_151 = tpu.memref_slice %arg7[%dma_start3A_149, %dma_start3A_150] : memref<2x16384xf32, #tpu.memory_space<vmem>> -> memref<1x4096xf32, #tpu.memory_space<vmem>>
      %dma_start3A_152 = tpu.memref_squeeze %dma_start3A_151 : memref<1x4096xf32, #tpu.memory_space<vmem>> -> memref<4096xf32, #tpu.memory_space<vmem>>
      %dma_start3A_153 = tpu.memref_slice %arg4[%mul3A_148] : memref<26214400xf32, #tpu.memory_space<hbm>> -> memref<4096xf32, #tpu.memory_space<hbm>>
      %dma_start3A_154 = tpu.memref_slice %arg4[%mul3A_148] : memref<26214400xf32, #tpu.memory_space<hbm>> -> memref<4096xf32, #tpu.memory_space<hbm>>
      %dma_start3A_155 = arith.constant 0 : i32
      %dma_start3A_156 = tpu.memref_slice %arg7[%dma_start3A_149, %dma_start3A_155] : memref<2x16384xf32, #tpu.memory_space<vmem>> -> memref<1x4096xf32, #tpu.memory_space<vmem>>
      %dma_start3A_157 = tpu.memref_squeeze %dma_start3A_156 : memref<1x4096xf32, #tpu.memory_space<vmem>> -> memref<4096xf32, #tpu.memory_space<vmem>>
      tpu.enqueue_dma source(%dma_start3A_157 : memref<4096xf32, #tpu.memory_space<vmem>>) target(%dma_start3A_154 : memref<4096xf32, #tpu.memory_space<hbm>>) target_semaphore(%arg9 : memref<!tpu.dma_semaphore, #tpu.memory_space<semaphore_mem>>)
      %mul3A_158 = arith.constant 4 : i32
      %mul3A_159 = arith.muli %add3A_137, %mul3A_158 : i32
      %add3A_160 = arith.constant 1 : i32
      %add3A_161 = arith.addi %mul3A_159, %add3A_160 : i32
      %mul3A_162 = arith.constant 128 : i32
      %mul3A_163 = arith.muli %add3A_161, %mul3A_162 : i32
      %mul3A_164 = arith.constant 4 : i32
      %mul3A_165 = arith.muli %add3A, %mul3A_164 : i32
      %add3A_166 = arith.addi %mul3A_163, %mul3A_165 : i32
      %mul3A_167 = arith.constant 1024 : i32
      %mul3A_168 = arith.muli %add3A_166, %mul3A_167 : i32
      %dma_start3A_169 = arith.constant 1 : i32
      %dma_start3A_170 = arith.constant 4096 : i32
      %dma_start3A_171 = tpu.memref_slice %arg7[%dma_start3A_169, %dma_start3A_170] : memref<2x16384xf32, #tpu.memory_space<vmem>> -> memref<1x4096xf32, #tpu.memory_space<vmem>>
      %dma_start3A_172 = tpu.memref_squeeze %dma_start3A_171 : memref<1x4096xf32, #tpu.memory_space<vmem>> -> memref<4096xf32, #tpu.memory_space<vmem>>
      %dma_start3A_173 = tpu.memref_slice %arg4[%mul3A_168] : memref<26214400xf32, #tpu.memory_space<hbm>> -> memref<4096xf32, #tpu.memory_space<hbm>>
      %dma_start3A_174 = tpu.memref_slice %arg4[%mul3A_168] : memref<26214400xf32, #tpu.memory_space<hbm>> -> memref<4096xf32, #tpu.memory_space<hbm>>
      %dma_start3A_175 = arith.constant 4096 : i32
      %dma_start3A_176 = tpu.memref_slice %arg7[%dma_start3A_169, %dma_start3A_175] : memref<2x16384xf32, #tpu.memory_space<vmem>> -> memref<1x4096xf32, #tpu.memory_space<vmem>>
      %dma_start3A_177 = tpu.memref_squeeze %dma_start3A_176 : memref<1x4096xf32, #tpu.memory_space<vmem>> -> memref<4096xf32, #tpu.memory_space<vmem>>
      tpu.enqueue_dma source(%dma_start3A_177 : memref<4096xf32, #tpu.memory_space<vmem>>) target(%dma_start3A_174 : memref<4096xf32, #tpu.memory_space<hbm>>) target_semaphore(%arg9 : memref<!tpu.dma_semaphore, #tpu.memory_space<semaphore_mem>>)
      %mul3A_178 = arith.constant 4 : i32
      %mul3A_179 = arith.muli %add3A_137, %mul3A_178 : i32
      %add3A_180 = arith.constant 2 : i32
      %add3A_181 = arith.addi %mul3A_179, %add3A_180 : i32
      %mul3A_182 = arith.constant 128 : i32
      %mul3A_183 = arith.muli %add3A_181, %mul3A_182 : i32
      %mul3A_184 = arith.constant 4 : i32
      %mul3A_185 = arith.muli %add3A, %mul3A_184 : i32
      %add3A_186 = arith.addi %mul3A_183, %mul3A_185 : i32
      %mul3A_187 = arith.constant 1024 : i32
      %mul3A_188 = arith.muli %add3A_186, %mul3A_187 : i32
      %dma_start3A_189 = arith.constant 1 : i32
      %dma_start3A_190 = arith.constant 8192 : i32
      %dma_start3A_191 = tpu.memref_slice %arg7[%dma_start3A_189, %dma_start3A_190] : memref<2x16384xf32, #tpu.memory_space<vmem>> -> memref<1x4096xf32, #tpu.memory_space<vmem>>
      %dma_start3A_192 = tpu.memref_squeeze %dma_start3A_191 : memref<1x4096xf32, #tpu.memory_space<vmem>> -> memref<4096xf32, #tpu.memory_space<vmem>>
      %dma_start3A_193 = tpu.memref_slice %arg4[%mul3A_188] : memref<26214400xf32, #tpu.memory_space<hbm>> -> memref<4096xf32, #tpu.memory_space<hbm>>
      %dma_start3A_194 = tpu.memref_slice %arg4[%mul3A_188] : memref<26214400xf32, #tpu.memory_space<hbm>> -> memref<4096xf32, #tpu.memory_space<hbm>>
      %dma_start3A_195 = arith.constant 8192 : i32
      %dma_start3A_196 = tpu.memref_slice %arg7[%dma_start3A_189, %dma_start3A_195] : memref<2x16384xf32, #tpu.memory_space<vmem>> -> memref<1x4096xf32, #tpu.memory_space<vmem>>
      %dma_start3A_197 = tpu.memref_squeeze %dma_start3A_196 : memref<1x4096xf32, #tpu.memory_space<vmem>> -> memref<4096xf32, #tpu.memory_space<vmem>>
      tpu.enqueue_dma source(%dma_start3A_197 : memref<4096xf32, #tpu.memory_space<vmem>>) target(%dma_start3A_194 : memref<4096xf32, #tpu.memory_space<hbm>>) target_semaphore(%arg9 : memref<!tpu.dma_semaphore, #tpu.memory_space<semaphore_mem>>)
      %mul3A_198 = arith.constant 4 : i32
      %mul3A_199 = arith.muli %add3A_137, %mul3A_198 : i32
      %add3A_200 = arith.constant 3 : i32
      %add3A_201 = arith.addi %mul3A_199, %add3A_200 : i32
      %mul3A_202 = arith.constant 128 : i32
      %mul3A_203 = arith.muli %add3A_201, %mul3A_202 : i32
      %mul3A_204 = arith.constant 4 : i32
      %mul3A_205 = arith.muli %add3A, %mul3A_204 : i32
      %add3A_206 = arith.addi %mul3A_203, %mul3A_205 : i32
      %mul3A_207 = arith.constant 1024 : i32
      %mul3A_208 = arith.muli %add3A_206, %mul3A_207 : i32
      %dma_start3A_209 = arith.constant 1 : i32
      %dma_start3A_210 = arith.constant 12288 : i32
      %dma_start3A_211 = tpu.memref_slice %arg7[%dma_start3A_209, %dma_start3A_210] : memref<2x16384xf32, #tpu.memory_space<vmem>> -> memref<1x4096xf32, #tpu.memory_space<vmem>>
      %dma_start3A_212 = tpu.memref_squeeze %dma_start3A_211 : memref<1x4096xf32, #tpu.memory_space<vmem>> -> memref<4096xf32, #tpu.memory_space<vmem>>
      %dma_start3A_213 = tpu.memref_slice %arg4[%mul3A_208] : memref<26214400xf32, #tpu.memory_space<hbm>> -> memref<4096xf32, #tpu.memory_space<hbm>>
      %dma_start3A_214 = tpu.memref_slice %arg4[%mul3A_208] : memref<26214400xf32, #tpu.memory_space<hbm>> -> memref<4096xf32, #tpu.memory_space<hbm>>
      %dma_start3A_215 = arith.constant 12288 : i32
      %dma_start3A_216 = tpu.memref_slice %arg7[%dma_start3A_209, %dma_start3A_215] : memref<2x16384xf32, #tpu.memory_space<vmem>> -> memref<1x4096xf32, #tpu.memory_space<vmem>>
      %dma_start3A_217 = tpu.memref_squeeze %dma_start3A_216 : memref<1x4096xf32, #tpu.memory_space<vmem>> -> memref<4096xf32, #tpu.memory_space<vmem>>
      tpu.enqueue_dma source(%dma_start3A_217 : memref<4096xf32, #tpu.memory_space<vmem>>) target(%dma_start3A_214 : memref<4096xf32, #tpu.memory_space<hbm>>) target_semaphore(%arg9 : memref<!tpu.dma_semaphore, #tpu.memory_space<semaphore_mem>>)
    }
    %scan3A_12 = arith.constant 25 : i32
    %dma_wait3A = arith.constant 0 : i32
    %dma_wait3A_13 = arith.constant 0 : i32
    %dma_wait3A_14 = tpu.memref_slice %arg7[%dma_wait3A, %dma_wait3A_13] : memref<2x16384xf32, #tpu.memory_space<vmem>> -> memref<1x16384xf32, #tpu.memory_space<vmem>>
    %dma_wait3A_15 = tpu.memref_squeeze %dma_wait3A_14 : memref<1x16384xf32, #tpu.memory_space<vmem>> -> memref<16384xf32, #tpu.memory_space<vmem>>
    %dma_wait3A_16 = arith.constant 0 : i32
    %dma_wait3A_17 = tpu.memref_slice %arg4[%dma_wait3A_16] : memref<26214400xf32, #tpu.memory_space<hbm>> -> memref<16384xf32, #tpu.memory_space<hbm>>
    %dma_wait3A_18 = arith.constant 0 : i32
    %dma_wait3A_19 = tpu.memref_slice %arg7[%dma_wait3A, %dma_wait3A_18] : memref<2x16384xf32, #tpu.memory_space<vmem>> -> memref<1x16384xf32, #tpu.memory_space<vmem>>
    %dma_wait3A_20 = tpu.memref_squeeze %dma_wait3A_19 : memref<1x16384xf32, #tpu.memory_space<vmem>> -> memref<16384xf32, #tpu.memory_space<vmem>>
    %dma_wait3A_21 = arith.constant 0 : i32
    %dma_wait3A_22 = tpu.memref_slice %arg4[%dma_wait3A_21] : memref<26214400xf32, #tpu.memory_space<hbm>> -> memref<16384xf32, #tpu.memory_space<hbm>>
    tpu.wait_dma2 semaphore(%arg8 : memref<!tpu.dma_semaphore, #tpu.memory_space<semaphore_mem>>) src(%dma_wait3A_22 : memref<16384xf32, #tpu.memory_space<hbm>>) dst(%dma_wait3A_20 : memref<16384xf32, #tpu.memory_space<vmem>>)
    %dma_wait3A_23 = arith.constant 1 : i32
    %dma_wait3A_24 = arith.constant 0 : i32
    %dma_wait3A_25 = tpu.memref_slice %arg7[%dma_wait3A_23, %dma_wait3A_24] : memref<2x16384xf32, #tpu.memory_space<vmem>> -> memref<1x16384xf32, #tpu.memory_space<vmem>>
    %dma_wait3A_26 = tpu.memref_squeeze %dma_wait3A_25 : memref<1x16384xf32, #tpu.memory_space<vmem>> -> memref<16384xf32, #tpu.memory_space<vmem>>
    %dma_wait3A_27 = arith.constant 0 : i32
    %dma_wait3A_28 = tpu.memref_slice %arg4[%dma_wait3A_27] : memref<26214400xf32, #tpu.memory_space<hbm>> -> memref<16384xf32, #tpu.memory_space<hbm>>
    %dma_wait3A_29 = arith.constant 0 : i32
    %dma_wait3A_30 = tpu.memref_slice %arg7[%dma_wait3A_23, %dma_wait3A_29] : memref<2x16384xf32, #tpu.memory_space<vmem>> -> memref<1x16384xf32, #tpu.memory_space<vmem>>
    %dma_wait3A_31 = tpu.memref_squeeze %dma_wait3A_30 : memref<1x16384xf32, #tpu.memory_space<vmem>> -> memref<16384xf32, #tpu.memory_space<vmem>>
    %dma_wait3A_32 = arith.constant 0 : i32
    %dma_wait3A_33 = tpu.memref_slice %arg4[%dma_wait3A_32] : memref<26214400xf32, #tpu.memory_space<hbm>> -> memref<16384xf32, #tpu.memory_space<hbm>>
    tpu.wait_dma2 semaphore(%arg9 : memref<!tpu.dma_semaphore, #tpu.memory_space<semaphore_mem>>) src(%dma_wait3A_33 : memref<16384xf32, #tpu.memory_space<hbm>>) dst(%dma_wait3A_31 : memref<16384xf32, #tpu.memory_space<vmem>>)
    return
  }
}

module attributes {stable_mosaic.version = 14 : i64} {
  func.func @_table_body(%arg0: memref<50x32xf32, #tpu.memory_space<vmem>>, %arg1: memref<39x32xf32, #tpu.memory_space<vmem>>, %arg2: memref<32x50x39xf32, #tpu.memory_space<vmem>>) attributes {dimension_semantics = [], scalar_prefetch = 0 : i64, scratch_operands = 0 : i64, tpu.core_type = #tpu.core_type<tc>} {
    %get3A = arith.constant 0 : index
    %get3A_0 = arith.constant 0 : index
    %get3A_1 = vector.load %arg0[%get3A, %get3A_0] : memref<50x32xf32, #tpu.memory_space<vmem>>, vector<50x32xf32>
    %transpose3A = tpu.transpose %get3A_1, [1, 0] : vector<50x32xf32> -> vector<32x50xf32>
    %get3A_2 = arith.constant 0 : index
    %get3A_3 = arith.constant 0 : index
    %get3A_4 = vector.load %arg1[%get3A_2, %get3A_3] : memref<39x32xf32, #tpu.memory_space<vmem>>, vector<39x32xf32>
    %transpose3A_5 = tpu.transpose %get3A_4, [1, 0] : vector<39x32xf32> -> vector<32x39xf32>
    %broadcast_in_dim3A = vector.shape_cast %transpose3A : vector<32x50xf32> to vector<32x50x1xf32>
    %broadcast_in_dim3A_6 = vector.shape_cast %transpose3A_5 : vector<32x39xf32> to vector<32x1x39xf32>
    %add3A = vector.broadcast %broadcast_in_dim3A : vector<32x50x1xf32> to vector<32x50x39xf32>
    %add3A_7 = vector.broadcast %broadcast_in_dim3A_6 : vector<32x1x39xf32> to vector<32x50x39xf32>
    %add3A_8 = arith.addf %add3A, %add3A_7 : vector<32x50x39xf32>
    %swap3A = arith.constant 0 : index
    %swap3A_9 = arith.constant 0 : index
    %swap3A_10 = arith.constant 0 : index
    %swap3A_11 = vector.load %arg2[%swap3A, %swap3A_9, %swap3A_10] : memref<32x50x39xf32, #tpu.memory_space<vmem>>, vector<32x50x39xf32>
    tpu.vector_store %arg2[%swap3A, %swap3A_9, %swap3A_10], %add3A_8 {strides = array<i32>} : memref<32x50x39xf32, #tpu.memory_space<vmem>>, vector<32x50x39xf32>,
    return
  }
}

</mosaic_0001>

<sc_bundles>
// kernel: kernel.4.cloned.1.call-start
scs
__scs_entry_jumppad:
0x0: {  	(pc) =	sbr.rel $0x88, $3  }
0x1: {  	(tag) =	ssettag $0x0;
	lr =	simm.s32 $0x1  }
0x2: {  	[smem:$0x3F9E] =	sst lr;
	_ =	strace $0xD0000000  }
0x3: {  	_ = 	snop  }
0x4: {  	_ = 	snop  }
0x5: {  	_ = 	snop  }
0x6: {  	_ = 	snop  }
0x7: {  	_ = 	snop  }
__scs_overlays_trampoline_lowered:
0x8: {  	[smem:$0x3FAD] =	sst s0  }
0x9: {  	[smem:$0x3FAE] =	sst s1  }
0xa: {  	[smem:$0x3FAF] =	sst s2  }
0xb: {  	[smem:$0x3FB0] =	sst s3  }
0xc: {  	[smem:$0x3FB1] =	sst s4  }
0xd: {  	[smem:$0x3FB2] =	sst s5  }
0xe: {  	[smem:$0x3FB3] =	sst s6  }
0xf: {  	[smem:$0x3FB4] =	sst s7  }
0x10: {  	[smem:$0x3FB5] =	sst s8  }
0x11: {  	[smem:$0x3FB6] =	sst s9;
	s0 =	simm.s32 @!p0 $0x0  }
0x12: {  	s1 =	sld [smem:$0x3F9C];
	s0 =	simm.s32 @p0 $0x1  }
0x13: {  	[smem:$0x3FB7] =	sst s0;
	s0 =	simm.s32 @!p1 $0x0  }
0x14: {  	s2 =	sld [smem:$0x3F9B];
	s0 =	simm.s32 @p1 $0x1  }
0x15: {  	[smem:$0x3FB8] =	sst s0;
	s0 =	simm.s32 @!p2 $0x0  }
0x16: {  	s3 =	sld [smem:$0x3FDB];
	s0 =	simm.s32 @p2 $0x1  }
0x17: {  	s4 =	simm.s32 $0x1BF5;
	[smem:$0x3FBA] =	sst s0  }
0x18: {  	s0 =	sld [smem:$0x3F9D];
	_ =	swait.ge [sflag:s4], $0x0  }
0x19: {  	s7 =	sld [smem:$0x3F9E]  }
0x1a: {  	s8 =	sadd.s32 $0xFFFFE003, lr  }
0x1b: {  	s9 =	sadd.s32 $0xFFFFFEF7, lr;
	s5 =	simm.s32 $0xFFFFFFFF;
	p2 =	slt.u32 s8, $0xFFFFF086  }
0x1c: {  	p1 =	slt.u32 s9, $0xF7A;
	s5 =	simm.s32 @!p2 $0x0  }
0x1d: {  	s5 =	simm.s32 @p1 $0x1;
	p0 =	seq.s32 s7, s2  }
0x1e: {  	s7 =	smul.u32 @!p0 $0xF7A, s2;
	p2 =	seq.s32 @!p0 s5, $0x0  }
0x1f: {  	s9 =	smul.u32 $0xF7A, s1;
	s8 =	simm.s32 @!p0 $0x1BF5;
	p2 =	por !p2, p0  }
0x20: {  	[sflag:s8] =	ssyncset.s32 @!p0 $0xFFFFF086;
	s6 =	sadd.s32 @!p0 s3, s7;
	s7 =	simm.s32 @!p0 $0x108  }
0x21: {  	s3 =	sadd.s32 s3, s9;
	s6 =	sadd.s32 @!p0 $0x88, s6;
	s7 =	simm.s32 @p2 $0x1082  }
0x22: {  	[simem:s7], [sflag:s8] =	dma.local @!p0 [hbm:s6], $0xF7A  }
0x23: {  	s9 =	sor.u32 $0xD0000000, s2;
	s6 =	simm.s32 $0x108;
	_ =	swait.ge @!p0 [sflag:s8], $0x0  }
0x24: {  	s3 =	sadd.s32 $0x88, s3;
	s6 =	simm.s32 @!p1 $0x1082;
	[sflag:s4] =	ssyncset.s32 $0xFFFFF086  }
0x25: {  	[simem:s6], [sflag:s4] =	dma.local [hbm:s3], $0xF7A  }
0x26: {  	[smem:$0x3F9E] =	sst s1;
	(tag) =	ssettag s2;
	_ =	strace s9  }
0x27: {  	s1 =	sld [smem:$0x3FAE]  }
0x28: {  	s2 =	sld [smem:$0x3FAF]  }
0x29: {  	s4 =	sld [smem:$0x3FB1]  }
0x2a: {  	p0 =	seq.s32 s5, $0x0;
	s5 =	sld [smem:$0x3FB2]  }
0x2b: {  	s6 =	sld [smem:$0x3FB3]  }
0x2c: {  	s7 =	sld [smem:$0x3FB4]  }
0x2d: {  	s3 =	simm.s32 $0x108;
	s8 =	sld [smem:$0x3FB5]  }
0x2e: {  	s3 =	simm.s32 @!p0 $0x1082;
	s9 =	sld [smem:$0x3FB6]  }
0x2f: {  	lr =	sadd.s32 s0, s3;
	s0 =	sld [smem:$0x3FAD]  }
0x30: {  	s3 =	sld [smem:$0x3FB0]  }
0x31: {  	[smem:$0x3FB9] =	sst s10  }
0x32: {  	s10 =	sld [smem:$0x3FB7];
	_ =	sdelay $0x3  }
0x33: {  	p0 =	seq.s32 s10, $0x1;
	s10 =	sld [smem:$0x3FB9];
	_ =	sdelay $0x3  }
0x34: {  	[smem:$0x3FB9] =	sst s10  }
0x35: {  	s10 =	sld [smem:$0x3FB8];
	_ =	sdelay $0x3  }
0x36: {  	p1 =	seq.s32 s10, $0x1;
	s10 =	sld [smem:$0x3FB9];
	_ =	sdelay $0x3  }
0x37: {  	[smem:$0x3FB9] =	sst s10  }
0x38: {  	s10 =	sld [smem:$0x3FBA]  }
0x39: {  	_ = 	snop;
	(pc) =	sbr.ind lr, $3  }
0x3a: {  	_ = 	snop  }
0x3b: {  	_ = 	snop  }
0x3c: {  	p2 =	seq.s32 s10, $0x1;
	s10 =	sld [smem:$0x3FB9]  }
0x3d: {  	_ =	shalt  }
0x3e: {  	_ =	shalt  }
0x3f: {  	_ =	shalt  }
0x40: {  	_ =	shalt  }
0x41: {  	_ =	shalt  }
0x42: {  	_ =	shalt  }
0x43: {  	_ =	shalt  }
0x44: {  	_ =	shalt  }
0x45: {  	_ =	shalt  }
0x46: {  	_ =	shalt  }
0x47: {  	_ =	shalt  }
0x48: {  	_ =	shalt  }
0x49: {  	_ =	shalt  }
0x4a: {  	_ =	shalt  }
0x4b: {  	_ =	shalt  }
0x4c: {  	_ =	shalt  }
0x4d: {  	_ =	shalt  }
0x4e: {  	_ =	shalt  }
0x4f: {  	_ =	shalt  }
0x50: {  	_ =	shalt  }
0x51: {  	_ =	shalt  }
0x52: {  	_ =	shalt  }
0x53: {  	_ =	shalt  }
0x54: {  	_ =	shalt  }
0x55: {  	_ =	shalt  }
0x56: {  	_ =	shalt  }
0x57: {  	_ =	shalt  }
0x58: {  	_ =	shalt  }
0x59: {  	_ =	shalt  }
0x5a: {  	_ =	shalt  }
0x5b: {  	_ =	shalt  }
0x5c: {  	_ =	shalt  }
0x5d: {  	_ =	shalt  }
0x5e: {  	_ =	shalt  }
0x5f: {  	_ =	shalt  }
0x60: {  	_ =	shalt  }
0x61: {  	_ =	shalt  }
0x62: {  	_ =	shalt  }
0x63: {  	_ =	shalt  }
0x64: {  	_ =	shalt  }
0x65: {  	_ =	shalt  }
0x66: {  	_ =	shalt  }
0x67: {  	_ =	shalt  }
0x68: {  	_ =	shalt  }
0x69: {  	_ =	shalt  }
0x6a: {  	_ =	shalt  }
0x6b: {  	_ =	shalt  }
0x6c: {  	_ =	shalt  }
0x6d: {  	_ =	shalt  }
0x6e: {  	_ =	shalt  }
0x6f: {  	_ =	shalt  }
0x70: {  	_ =	shalt  }
0x71: {  	_ =	shalt  }
0x72: {  	_ =	shalt  }
0x73: {  	_ =	shalt  }
0x74: {  	_ =	shalt  }
0x75: {  	_ =	shalt  }
0x76: {  	_ =	shalt  }
0x77: {  	_ =	shalt  }
0x78: {  	_ =	shalt  }
0x79: {  	_ =	shalt  }
0x7a: {  	_ =	shalt  }
0x7b: {  	_ =	shalt  }
0x7c: {  	_ =	shalt  }
0x7d: {  	_ =	shalt  }
0x7e: {  	_ =	shalt  }
0x7f: {  	_ =	shalt  }
0x80: {  	_ =	shalt  }
0x81: {  	_ =	shalt  }
0x82: {  	_ =	shalt  }
0x83: {  	_ =	shalt  }
0x84: {  	_ =	shalt  }
0x85: {  	_ =	shalt  }
0x86: {  	_ =	shalt  }
0x87: {  	_ =	shalt  }
.Lfunc_end0:
.L_simem_size_0:
called_computation_lowered:
.L_overlay_start_0:
0x88: {  	s2 =	sld [smem:$0x3FD9]  }
0x89: {  	s3 =	sld [smem:$0x3FFE];
	_ =	sdelay $0x1  }
0x8a: {  	s1 =	srdreg.scid  }
0x8b: {  	s0 =	sand.u32 $0x1, s1  }
0x8c: {  	s17 =	sshll.u32 s0, $0xA;
	s2 =	sadd.s32 s3, s2  }
0x8d: {  	s2 =	sadd.s32 s2, s17  }
0x8e: {  	[smem:$0x3FC5] =	sst s2  }
0x8f: {  	_ = 	snop  }
0x90: {  	s2 =	sld [smem:$0x3FD0];
	(tm) =	ssettm $0x1  }
0x91: {  	s18 =	sld [smem:$0x3FFB];
	_ =	sdelay $0x3  }
0x92: {  	_ =	strace s18  }
0x93: {  	s3 =	sld [smem:$0x3FFC];
	_ =	sdelay $0x3  }
0x94: {  	_ =	strace s3  }
0x95: {  	s3 =	sld [smem:$0x3FFD];
	_ =	sdelay $0x3  }
0x96: {  	_ =	strace s3  }
0x97: {  	_ =	strace $0x8FFFFFFF  }
0x98: {  	s19 =	sld [smem:$0x3FDB];
	_ =	sdelay $0x1  }
0x99: {  	s4 =	simm.s32 $_scs_section_size  }
0x9a: {  	s5 =	simm.s32 $_size__tile_overlayer_lowered;
	s6 =	simm.s32 $_tile_overlayer_lowered  }
0x9b: {  	s22 =	simm.s32 $0x1BFF;
	s21 =	sshll.u32 s6, $0x1;
	s3 =	sadd.s32 s4, s19  }
0x9c: {  	s7 =	simm.s32 $0x0;
	s20 =	sshll.u32 s5, $0x1;
	s5 =	sadd.s32 s21, s3  }
0x9d: {  	[timem:s7], [sflag:s22] =	dma.local [hbm:s5], s20  }
0x9e: {  	_ =	swait.ge [sflag:s22], s20  }
0x9f: {  	s4 =	ssub.s32 $0x0, s20;
	[sflag:s22] =	ssyncset.done $0x0  }
0xa0: {  	[sflag:s22] =	ssyncadd.s32 s4;
	_ =	sdelay $0x1  }
0xa1: {  	s23 =	simm.s32 $0x1B8B  }
0xa2: {  	_ =	swait.ge [sflag:s23], $0x1  }
0xa3: {  	[sflag:s23] =	ssyncset.done $0x0  }
0xa4: {  	s25 =	simm.s32 $0x1B8E;
	s24 =	sld [smem:$0x3FFE];
	[sflag:s23] =	ssyncadd.s32 $0xFFFFFFFF  }
0xa5: {  	s26 =	simm.s32 $execute0_lowered;
	[smem:$0x3FD2] =	sst s25  }
0xa6: {  	s5 =	sshll.u32 s26, $0x1;
	_ =	strace $0x80000046;
	[dreg:$0x1] =	wrdreg $0xFFFFFFFF  }
0xa7: {  	s28 =	simm.s32 $_size_execute0_lowered;
	s3 =	sadd.s32 s3, s5;
	[dreg:$0x0] =	wrdreg $0x0  }
0xa8: {  	s5 =	sshll.u32 s28, $0x1;
	[dreg:$0x2] =	wrdreg s3  }
0xa9: {  	[dreg:$0x3] =	wrdreg s5  }
0xaa: {  	[dreg:$0x4] =	wrdreg $0xC0  }
0xab: {  	_ =	task [dreg:s7], $0x5FFFF  }
0xac: {  	[dreg:$0x1] =	wrdreg $0xFFFFFFFF  }
0xad: {  	[dreg:$0x0] =	wrdreg $0x60  }
0xae: {  	[dreg:$0x2] =	wrdreg s24  }
0xaf: {  	[dreg:$0x3] =	wrdreg s2  }
0xb0: {  	[dreg:$0x4] =	wrdreg $0x9  }
0xb1: {  	_ =	task.clear_ibuf [dreg:s7], $0x5FFFF;
	_ =	strace $0x90000046  }
0xb2: {  	s29 =	simm.s32 $0x9;
	_ =	strace $0x80000048  }
0xb3: {  	_ =	swait.ge [sflag:s29], $0x1  }
0xb4: {  	[sflag:s29] =	ssyncadd.s32 $0xFFFFFFFF  }
0xb5: {  	_ =	strace $0x90000048  }
0xb6: {  	_ =	sfence  }
0xb7: {  	s30 =	sld [smem:$0x0];
	_ =	sdelay $0x2  }
0xb8: {  	s31 =	sshll.u32 s1, $0xD;
	s1 =	sshrl.u32 s1, $0x2  }
0xb9: {  	s3 =	sand.u32 $0x4000, s31;
	s1 =	sadd.s32 s1, s30  }
0xba: {  	s0 =	sor.u32 s3, s0;
	s1 =	sshll.u32 s1, $0x11  }
0xbb: {  	s0 =	sor.u32 s1, s0  }
0xbc: {  	s0 =	sadd.s32 $0x8F2B, s0  }
0xbd: {  	[sflag:s0] =	ssyncadd.remote.s32 $0x1  }
0xbe: {  	_ =	sfence.sel $0xFFFF  }
0xbf: {  	[dreg:$0x0] =	wrdreg $0xFFFFFFFF;
	(pc) =	sbr.abs _section_cstart, $3  }
0xc0: {  	[dreg:$0x1] =	wrdreg $0xFFFFFFFF  }
0xc1: {  	_ =	task.clear_ibuf [dreg:s7], $0x2FFFF;
	_ =	strace $0x9FFFFFFF  }
0xc2: {  	(tm) =	ssettm $0x7FFFFFFF  }
0xc3: {  	_ =	shalt  }
tec
execute0_lowered:
.L_overlay_start_1:
0x0: {  	(tag) =	ssettag $0x1  }
0x1: {  	s0 =	srdreg.scid  }
0x2: {  	s2 =	stileid.u32;
	s1 =	rddreg [dreg:$0x0]  }
0x3: {  	s11 =	simm.s32 $0x6400;
	s15 =	simm.s32 $0x177C0;
	s16 =	simm.s32 $0x187C0  }
0x4: {  	s17 =	simm.s32 $0x197C0;
	s18 =	simm.s32 $0x1A7C0;
	s19 =	simm.s32 $0x1B7C0  }
0x5: {  	s20 =	simm.s32 $0x1C7C0;
	s0 =	sand.u32 $0x1, s0;
	s3 =	sshll.u32 s2, $0x1  }
0x6: {  	s2 =	rddreg [dreg:$0x1];
	s4 =	sor.u32 s0, s3;
	s3 =	simm.s32 $0x0  }
0x7: {  	s0 =	ssub.s32 $0x2, s0;
	s7 =	sadd.s32 $0x4000, s2;
	s5 =	smul.u32 $0xC80, s4  }
0x8: {  	s8 =	sadd.s32 $0x8000, s2;
	[smem:$0x7FF] =	sst s3;
	s6 =	sshrl.u32 s0, $0x1  }
0x9: {  	v0 =	vlaneseq.u32;
	s0 =	ssub.s32 s0, s6;
	s5 =	sadd.s32 s5, s1;
	s1 =	sadd.s32 $0x400, s1  }
0xa: {  	v62 =	vmul.u32 $0x32, v0;
	_ =	strace $0x80000047;
	s0 =	smax.u32 s0, $0x1;
	[dreg:$0x3] =	wrdreg s1  }
0xb: {  	s9 =	sadd.s32 $0xC000, s2;
	s31 =	sadd.s32 $0x2400, s5;
	[dreg:$0x5] =	wrdreg s0  }
0xc: {  	s6 =	sshll.u32 s4, $0x9;
	s4 =	simm.s32 $0x0;
	[tilespmem:$0x1FFF0] =	vst v62;
	[dreg:$0x4] =	wrdreg s31  }
.LBB2_1:
0xd: {  	[dreg:$0x6] =	wrdreg s4  }
0xe: {  	s0 =	rddreg [dreg:$0x3];
	s1 =	simm.s32 $0x3  }
0xf: {  	[tilespmem:s11], [sflag:$0x3] =	stream.linear.gather [hbm4b:s0+s3], $0xF3C0, $0x38;
	[tilespmem:$0x1D7C0] =	vst v63  }
0x10: {  	_ =	swait.ge [sflag:s1], $0xF3C0  }
0x11: {  	[sflag:s1] =	ssyncset.done $0x0  }
0x12: {  	s31 =	rddreg [dreg:$0x4];
	[sflag:s1] =	ssyncadd.s32 $0xFFFF0C40  }
0x13: {  	[tilespmem:s3], [sflag:$0x3] =	stream.linear.gather [hbm4b:s31+s3], $0x6400, $0x38;
	[tilespmem:$0x1D7C0] =	vst v63  }
0x14: {  	_ =	swait.ge [sflag:s1], $0x6400  }
0x15: {  	s24 =	simm.s32 $0x320;
	[sflag:s1] =	ssyncset.done $0x0  }
0x16: {  	s25 =	simm.s32 $0x321;
	s26 =	simm.s32 $0x0;
	[sflag:s1] =	ssyncadd.s32 $0xFFFF9C00  }
.LBB2_2:
0x17: {  	s0 =	sadd.s32 $0xFFFFFCE0, s24  }
0x18: {  	p0 =	seq.s32 s26, $0x0;
	v0 =	vadd.s32 s0, v62  }
0x19: {  	s0 =	simm.s32 @!p0 $0x1  }
0x1a: {  	_ =	swait.ge @!p0 [sflag:s0], $0x4000  }
0x1b: {  	[sflag:s0] =	ssyncset.done @!p0 $0x0  }
0x1c: {  	[sflag:s0] =	ssyncadd.s32 @!p0 $0xFFFFC000  }
0x1d: {  	v0 =	vld.idx.msk [tilespmem:v0+s3+$0x0], $0xffff;
	_ =	sdelay $0x1  }
0x1e: {  	s10 =	smul.u32 $0x4E, s26;
	_ =	sdelay $0x1  }
0x1f: {  	v1 =	vadd.s32 s24, v62;
	v22 =	vmov s10  }
0x20: {  	v4 =	vadd.s32 v22, v0;
	_ =	sdelay $0x3  }
0x21: {  	v0 =	vld.idx.msk [tilespmem:v1+s3+$0x0], $0xffff  }
0x22: {  	v1 =	vld.idx.msk [tilespmem:v4+s11+$0x0], $0xffff  }
0x23: {  	s12 =	simm.s32 $0x0;
	v2 =	vadd.s32 $0x79E, v4  }
0x24: {  	s1 =	simm.s32 $0x0;
	s0 =	sand.u32 $0xC00, s12  }
0x25: {  	s1 =	sand.u32 $0x60, s1;
	s0 =	sadd.s32 $0x157C0, s0  }
0x26: {  	s5 =	sadd.s32 s1, s0  }
0x27: {  	v5 =	vadd.s32 v22, v0;
	[tilespmem:s5+$0x0] =	vst v1  }
0x28: {  	v0 =	vld.idx.msk [tilespmem:v2+s11+$0x0], $0xffff  }
0x29: {  	v1 =	vadd.s32 $0xF3C, v4;
	_ =	sdelay $0x2  }
0x2a: {  	v2 =	vld.idx.msk [tilespmem:v5+s11+$0x0], $0xffff  }
0x2b: {  	v3 =	vadd.s32 $0x79E, v5;
	[tilespmem:s5+$0x80] =	vst v0  }
0x2c: {  	s13 =	simm.s32 $0x10;
	v0 =	vld.idx.msk [tilespmem:v1+s11+$0x0], $0xffff  }
0x2d: {  	s1 =	sand.u32 $0x70, s13;
	v1 =	vadd.s32 $0x16DA, v4  }
0x2e: {  	s29 =	sadd.s32 s1, s0  }
0x2f: {  	[tilespmem:s29+$0x0] =	vst v2  }
0x30: {  	v2 =	vld.idx.msk [tilespmem:v3+s11+$0x0], $0xffff  }
0x31: {  	v3 =	vadd.s32 $0xF3C, v5;
	[tilespmem:s5+$0x100] =	vst v0  }
0x32: {  	v0 =	vld.idx.msk [tilespmem:v1+s11+$0x0], $0xffff  }
0x33: {  	v1 =	vadd.s32 $0x1E78, v4;
	_ =	sdelay $0x1  }
0x34: {  	[tilespmem:s29+$0x80] =	vst v2  }
0x35: {  	v2 =	vld.idx.msk [tilespmem:v3+s11+$0x0], $0xffff  }
0x36: {  	v3 =	vadd.s32 $0x16DA, v5;
	[tilespmem:s5+$0x180] =	vst v0  }
0x37: {  	v0 =	vld.idx.msk [tilespmem:v1+s11+$0x0], $0xffff  }
0x38: {  	v1 =	vadd.s32 $0x2616, v4;
	_ =	sdelay $0x1  }
0x39: {  	[tilespmem:s29+$0x100] =	vst v2  }
0x3a: {  	v2 =	vld.idx.msk [tilespmem:v3+s11+$0x0], $0xffff  }
0x3b: {  	v3 =	vadd.s32 $0x1E78, v5;
	[tilespmem:s5+$0x200] =	vst v0  }
0x3c: {  	v0 =	vld.idx.msk [tilespmem:v1+s11+$0x0], $0xffff  }
0x3d: {  	v1 =	vadd.s32 $0x2DB4, v4;
	_ =	sdelay $0x1  }
0x3e: {  	[tilespmem:s29+$0x180] =	vst v2  }
0x3f: {  	v2 =	vld.idx.msk [tilespmem:v3+s11+$0x0], $0xffff  }
0x40: {  	v3 =	vadd.s32 $0x2616, v5;
	[tilespmem:s5+$0x280] =	vst v0  }
0x41: {  	v0 =	vld.idx.msk [tilespmem:v1+s11+$0x0], $0xffff  }
0x42: {  	v1 =	vadd.s32 $0x3552, v4;
	_ =	sdelay $0x1  }
0x43: {  	[tilespmem:s29+$0x200] =	vst v2  }
0x44: {  	s14 =	sadd.s32 $0x640, s24;
	v2 =	vld.idx.msk [tilespmem:v3+s11+$0x0], $0xffff  }
0x45: {  	s21 =	sadd.s32 $0xFFFFFCE0, s14;
	v3 =	vadd.s32 $0x2DB4, v5;
	[tilespmem:s5+$0x300] =	vst v0  }
0x46: {  	v0 =	vld.idx.msk [tilespmem:v1+s11+$0x0], $0xffff;
	v1 =	vadd.s32 s21, v62  }
0x47: {  	v6 =	vadd.s32 $0x3CF0, v4  }
0x48: {  	v7 =	vadd.s32 s14, v62  }
0x49: {  	[tilespmem:s29+$0x280] =	vst v2  }
0x4a: {  	v2 =	vld.idx.msk [tilespmem:v3+s11+$0x0], $0xffff  }
0x4b: {  	v3 =	vadd.s32 $0x3552, v5;
	v1 =	vld.idx.msk [tilespmem:v1+s3+$0x0], $0xffff;
	[tilespmem:s5+$0x380] =	vst v0  }
0x4c: {  	v0 =	vld.idx.msk [tilespmem:v6+s11+$0x0], $0xffff  }
0x4d: {  	v8 =	vadd.s32 $0x448E, v4;
	v6 =	vld.idx.msk [tilespmem:v7+s3+$0x0], $0xffff;
	_ =	sdelay $0x1  }
0x4e: {  	[tilespmem:s29+$0x300] =	vst v2  }
0x4f: {  	v2 =	vld.idx.msk [tilespmem:v3+s11+$0x0], $0xffff;
	v7 =	vadd.s32 v22, v1  }
0x50: {  	v1 =	vadd.s32 $0x3CF0, v5;
	[tilespmem:s5+$0x1000] =	vst v0  }
0x51: {  	v6 =	vadd.s32 v22, v6;
	v0 =	vld.idx.msk [tilespmem:v8+s11+$0x0], $0xffff  }
0x52: {  	v3 =	vadd.s32 $0x4C2C, v4;
	_ =	sdelay $0x1  }
0x53: {  	[tilespmem:s29+$0x380] =	vst v2;
	v2 =	vld.idx.msk [tilespmem:v7+s11+$0x0], $0xffff  }
0x54: {  	s22 =	simm.s32 $0x100;
	v8 =	vadd.s32 $0x79E, v7;
	v1 =	vld.idx.msk [tilespmem:v1+s11+$0x0], $0xffff  }
0x55: {  	s4 =	simm.s32 $0x20;
	s1 =	sand.u32 $0xC00, s22;
	v9 =	vadd.s32 $0x448E, v5;
	v10 =	vld.idx.msk [tilespmem:v6+s11+$0x0], $0xffff;
	[tilespmem:s5+$0x1080] =	vst v0  }
0x56: {  	s4 =	sand.u32 $0x60, s4;
	s1 =	sadd.s32 $0x157C0, s1;
	v0 =	vadd.s32 $0x79E, v6;
	v3 =	vld.idx.msk [tilespmem:v3+s11+$0x0], $0xffff  }
0x57: {  	s12 =	simm.s32 $0x30;
	s10 =	sadd.s32 s4, s1;
	v11 =	vadd.s32 $0x53CA, v4  }
0x58: {  	s23 =	sand.u32 $0x70, s12;
	[tilespmem:s10+$0x0] =	vst v2  }
0x59: {  	s28 =	sadd.s32 s23, s1;
	[tilespmem:s29+$0x1000] =	vst v1;
	v1 =	vld.idx.msk [tilespmem:v8+s11+$0x0], $0xffff  }
0x5a: {  	v2 =	vld.idx.msk [tilespmem:v9+s11+$0x0], $0xffff;
	[tilespmem:s28+$0x0] =	vst v10;
	v8 =	vadd.s32 $0xF3C, v7  }
0x5b: {  	v9 =	vadd.s32 $0x4C2C, v5;
	v0 =	vld.idx.msk [tilespmem:v0+s11+$0x0], $0xffff;
	[tilespmem:s5+$0x1100] =	vst v3  }
0x5c: {  	v3 =	vadd.s32 $0xF3C, v6;
	v10 =	vld.idx.msk [tilespmem:v11+s11+$0x0], $0xffff  }
0x5d: {  	v11 =	vadd.s32 $0x5B68, v4  }
0x5e: {  	[tilespmem:s10+$0x80] =	vst v1  }
0x5f: {  	[tilespmem:s29+$0x1080] =	vst v2;
	v1 =	vld.idx.msk [tilespmem:v8+s11+$0x0], $0xffff  }
0x60: {  	v2 =	vld.idx.msk [tilespmem:v9+s11+$0x0], $0xffff;
	[tilespmem:s28+$0x80] =	vst v0;
	v0 =	vadd.s32 $0x16DA, v7  }
0x61: {  	v8 =	vadd.s32 $0x53CA, v5;
	v3 =	vld.idx.msk [tilespmem:v3+s11+$0x0], $0xffff;
	[tilespmem:s5+$0x1180] =	vst v10  }
0x62: {  	v9 =	vadd.s32 $0x16DA, v6;
	v10 =	vld.idx.msk [tilespmem:v11+s11+$0x0], $0xffff  }
0x63: {  	v11 =	vadd.s32 $0x6306, v4  }
0x64: {  	[tilespmem:s10+$0x100] =	vst v1  }
0x65: {  	[tilespmem:s29+$0x1100] =	vst v2;
	v0 =	vld.idx.msk [tilespmem:v0+s11+$0x0], $0xffff  }
0x66: {  	v2 =	vadd.s32 $0x1E78, v7;
	v1 =	vld.idx.msk [tilespmem:v8+s11+$0x0], $0xffff;
	[tilespmem:s28+$0x100] =	vst v3  }
0x67: {  	v3 =	vadd.s32 $0x5B68, v5;
	v8 =	vld.idx.msk [tilespmem:v9+s11+$0x0], $0xffff;
	[tilespmem:s5+$0x1200] =	vst v10  }
0x68: {  	v9 =	vadd.s32 $0x1E78, v6;
	v10 =	vld.idx.msk [tilespmem:v11+s11+$0x0], $0xffff  }
0x69: {  	v11 =	vadd.s32 $0x6AA4, v4  }
0x6a: {  	[tilespmem:s10+$0x180] =	vst v0  }
0x6b: {  	[tilespmem:s29+$0x1180] =	vst v1;
	v0 =	vld.idx.msk [tilespmem:v2+s11+$0x0], $0xffff  }
0x6c: {  	v1 =	vld.idx.msk [tilespmem:v3+s11+$0x0], $0xffff;
	[tilespmem:s28+$0x180] =	vst v8;
	v2 =	vadd.s32 $0x2616, v7  }
0x6d: {  	v3 =	vadd.s32 $0x6306, v5;
	v8 =	vld.idx.msk [tilespmem:v9+s11+$0x0], $0xffff;
	[tilespmem:s5+$0x1280] =	vst v10  }
0x6e: {  	v9 =	vadd.s32 $0x2616, v6;
	v10 =	vld.idx.msk [tilespmem:v11+s11+$0x0], $0xffff  }
0x6f: {  	v11 =	vadd.s32 $0x7242, v4  }
0x70: {  	[tilespmem:s10+$0x200] =	vst v0  }
0x71: {  	[tilespmem:s29+$0x1200] =	vst v1;
	v0 =	vld.idx.msk [tilespmem:v2+s11+$0x0], $0xffff  }
0x72: {  	v1 =	vld.idx.msk [tilespmem:v3+s11+$0x0], $0xffff;
	[tilespmem:s28+$0x200] =	vst v8;
	v2 =	vadd.s32 $0x2DB4, v7  }
0x73: {  	v3 =	vadd.s32 $0x6AA4, v5;
	v8 =	vld.idx.msk [tilespmem:v9+s11+$0x0], $0xffff;
	[tilespmem:s5+$0x1300] =	vst v10  }
0x74: {  	v9 =	vadd.s32 $0x2DB4, v6;
	v10 =	vld.idx.msk [tilespmem:v11+s11+$0x0], $0xffff  }
0x75: {  	v11 =	vadd.s32 $0x79E0, v4  }
0x76: {  	[tilespmem:s10+$0x280] =	vst v0  }
0x77: {  	[tilespmem:s29+$0x1280] =	vst v1;
	v0 =	vld.idx.msk [tilespmem:v2+s11+$0x0], $0xffff  }
0x78: {  	v1 =	vld.idx.msk [tilespmem:v3+s11+$0x0], $0xffff;
	[tilespmem:s28+$0x280] =	vst v8;
	v2 =	vadd.s32 $0x3552, v7  }
0x79: {  	v3 =	vadd.s32 $0x7242, v5;
	v8 =	vld.idx.msk [tilespmem:v9+s11+$0x0], $0xffff;
	[tilespmem:s5+$0x1380] =	vst v10  }
0x7a: {  	s0 =	sadd.s32 $0x640, s14;
	v9 =	vadd.s32 $0x3552, v6;
	v10 =	vld.idx.msk [tilespmem:v11+s11+$0x0], $0xffff  }
0x7b: {  	s12 =	sadd.s32 $0xFFFFFCE0, s0;
	v11 =	vadd.s32 $0x817E, v4  }
0x7c: {  	[tilespmem:s10+$0x300] =	vst v0;
	v0 =	vadd.s32 s12, v62  }
0x7d: {  	[tilespmem:s29+$0x1300] =	vst v1;
	v1 =	vadd.s32 s0, v62;
	v2 =	vld.idx.msk [tilespmem:v2+s11+$0x0], $0xffff  }
0x7e: {  	v3 =	vld.idx.msk [tilespmem:v3+s11+$0x0], $0xffff;
	[tilespmem:s28+$0x300] =	vst v8;
	v8 =	vadd.s32 $0x3CF0, v7  }
0x7f: {  	v12 =	vadd.s32 $0x79E0, v5;
	v9 =	vld.idx.msk [tilespmem:v9+s11+$0x0], $0xffff;
	[tilespmem:s5+$0x2000] =	vst v10  }
0x80: {  	v10 =	vld.idx.msk [tilespmem:v11+s11+$0x0], $0xffff  }
0x81: {  	v11 =	vadd.s32 $0x891C, v4;
	v0 =	vld.idx.msk [tilespmem:v0+s3+$0x0], $0xffff  }
0x82: {  	v1 =	vld.idx.msk [tilespmem:v1+s3+$0x0], $0xffff;
	[tilespmem:s10+$0x380] =	vst v2  }
0x83: {  	v13 =	vadd.s32 $0x3CF0, v6;
	[tilespmem:s29+$0x1380] =	vst v3;
	v3 =	vld.idx.msk [tilespmem:v8+s11+$0x0], $0xffff  }
0x84: {  	v14 =	vadd.s32 $0x448E, v7;
	v12 =	vld.idx.msk [tilespmem:v12+s11+$0x0], $0xffff  }
0x85: {  	v15 =	vadd.s32 $0x817E, v5;
	[tilespmem:s5+$0x2080] =	vst v10  }
0x86: {  	v10 =	vld.idx.msk [tilespmem:v11+s11+$0x0], $0xffff;
	v2 =	vadd.s32 v22, v0  }
0x87: {  	[tilespmem:s28+$0x380] =	vst v9;
	v0 =	vadd.s32 $0x90BA, v4  }
0x88: {  	v9 =	vld.idx.msk [tilespmem:v13+s11+$0x0], $0xffff;
	v8 =	vadd.s32 v22, v1;
	[tilespmem:s10+$0x1000] =	vst v3  }
0x89: {  	v1 =	vadd.s32 $0x448E, v6;
	[tilespmem:s29+$0x2000] =	vst v12;
	v3 =	vld.idx.msk [tilespmem:v14+s11+$0x0], $0xffff  }
0x8a: {  	v12 =	vadd.s32 $0x4C2C, v7;
	v11 =	vld.idx.msk [tilespmem:v15+s11+$0x0], $0xffff  }
0x8b: {  	v13 =	vadd.s32 $0x891C, v5;
	v14 =	vld.idx.msk [tilespmem:v2+s11+$0x0], $0xffff;
	[tilespmem:s5+$0x2100] =	vst v10  }
0x8c: {  	s13 =	simm.s32 $0x200;
	v10 =	vadd.s32 $0x79E, v2;
	v0 =	vld.idx.msk [tilespmem:v0+s11+$0x0], $0xffff  }
0x8d: {  	s14 =	simm.s32 $0x40;
	s1 =	sand.u32 $0xC00, s13;
	[tilespmem:s28+$0x1000] =	vst v9;
	v15 =	vadd.s32 $0x9858, v4;
	v9 =	vld.idx.msk [tilespmem:v8+s11+$0x0], $0xffff  }
0x8e: {  	s4 =	sand.u32 $0x60, s14;
	s21 =	sadd.s32 $0x157C0, s1;
	v16 =	vadd.s32 $0x79E, v8;
	v1 =	vld.idx.msk [tilespmem:v1+s11+$0x0], $0xffff;
	[tilespmem:s10+$0x1080] =	vst v3  }
0x8f: {  	s13 =	simm.s32 $0x50;
	s1 =	sadd.s32 s4, s21;
	v3 =	vadd.s32 $0x4C2C, v6;
	[tilespmem:s29+$0x2080] =	vst v11;
	v11 =	vld.idx.msk [tilespmem:v12+s11+$0x0], $0xffff  }
0x90: {  	s22 =	sand.u32 $0x70, s13;
	v12 =	vld.idx.msk [tilespmem:v13+s11+$0x0], $0xffff;
	v13 =	vadd.s32 $0x53CA, v7;
	[tilespmem:s1+$0x0] =	vst v14  }
0x91: {  	s30 =	sadd.s32 s22, s21;
	v14 =	vadd.s32 $0x90BA, v5;
	v10 =	vld.idx.msk [tilespmem:v10+s11+$0x0], $0xffff;
	[tilespmem:s5+$0x2180] =	vst v0  }
0x92: {  	[tilespmem:s30+$0x0] =	vst v9;
	v9 =	vadd.s32 $0xF3C, v2;
	v0 =	vld.idx.msk [tilespmem:v15+s11+$0x0], $0xffff  }
0x93: {  	[tilespmem:s28+$0x1080] =	vst v1;
	v1 =	vadd.s32 $0x9FF6, v4;
	v15 =	vld.idx.msk [tilespmem:v16+s11+$0x0], $0xffff  }
0x94: {  	v16 =	vadd.s32 $0xF3C, v8;
	v3 =	vld.idx.msk [tilespmem:v3+s11+$0x0], $0xffff;
	[tilespmem:s10+$0x1100] =	vst v11  }
0x95: {  	v11 =	vadd.s32 $0x53CA, v6;
	[tilespmem:s29+$0x2100] =	vst v12;
	v13 =	vld.idx.msk [tilespmem:v13+s11+$0x0], $0xffff  }
0x96: {  	v12 =	vld.idx.msk [tilespmem:v14+s11+$0x0], $0xffff;
	[tilespmem:s1+$0x80] =	vst v10;
	v10 =	vadd.s32 $0x5B68, v7  }
0x97: {  	v14 =	vadd.s32 $0x9858, v5;
	v9 =	vld.idx.msk [tilespmem:v9+s11+$0x0], $0xffff;
	[tilespmem:s5+$0x2200] =	vst v0  }
0x98: {  	[tilespmem:s30+$0x80] =	vst v15;
	v0 =	vld.idx.msk [tilespmem:v1+s11+$0x0], $0xffff;
	v1 =	vadd.s32 $0x16DA, v2  }
0x99: {  	v15 =	vld.idx.msk [tilespmem:v16+s11+$0x0], $0xffff;
	[tilespmem:s28+$0x1100] =	vst v3;
	v3 =	vadd.s32 $0xA794, v4  }
0x9a: {  	v16 =	vadd.s32 $0x16DA, v8;
	v11 =	vld.idx.msk [tilespmem:v11+s11+$0x0], $0xffff;
	[tilespmem:s10+$0x1180] =	vst v13  }
0x9b: {  	v13 =	vadd.s32 $0x5B68, v6;
	[tilespmem:s29+$0x2180] =	vst v12;
	v10 =	vld.idx.msk [tilespmem:v10+s11+$0x0], $0xffff  }
0x9c: {  	v12 =	vld.idx.msk [tilespmem:v14+s11+$0x0], $0xffff;
	[tilespmem:s1+$0x100] =	vst v9;
	v9 =	vadd.s32 $0x6306, v7  }
0x9d: {  	v14 =	vadd.s32 $0x9FF6, v5;
	v1 =	vld.idx.msk [tilespmem:v1+s11+$0x0], $0xffff;
	[tilespmem:s5+$0x2280] =	vst v0  }
0x9e: {  	[tilespmem:s30+$0x100] =	vst v15;
	v0 =	vld.idx.msk [tilespmem:v3+s11+$0x0], $0xffff;
	v3 =	vadd.s32 $0x1E78, v2  }
0x9f: {  	v15 =	vld.idx.msk [tilespmem:v16+s11+$0x0], $0xffff;
	[tilespmem:s28+$0x1180] =	vst v11;
	v11 =	vadd.s32 $0xAF32, v4  }
0xa0: {  	v16 =	vadd.s32 $0x1E78, v8;
	[tilespmem:s10+$0x1200] =	vst v10;
	v10 =	vld.idx.msk [tilespmem:v13+s11+$0x0], $0xffff  }
0xa1: {  	v13 =	vadd.s32 $0x6306, v6;
	[tilespmem:s29+$0x2200] =	vst v12;
	v9 =	vld.idx.msk [tilespmem:v9+s11+$0x0], $0xffff  }
0xa2: {  	v12 =	vld.idx.msk [tilespmem:v14+s11+$0x0], $0xffff;
	[tilespmem:s1+$0x180] =	vst v1;
	v1 =	vadd.s32 $0x6AA4, v7  }
0xa3: {  	v14 =	vadd.s32 $0xA794, v5;
	v3 =	vld.idx.msk [tilespmem:v3+s11+$0x0], $0xffff;
	[tilespmem:s5+$0x2300] =	vst v0  }
0xa4: {  	[tilespmem:s30+$0x180] =	vst v15;
	v0 =	vld.idx.msk [tilespmem:v11+s11+$0x0], $0xffff;
	v11 =	vadd.s32 $0x2616, v2  }
0xa5: {  	v15 =	vld.idx.msk [tilespmem:v16+s11+$0x0], $0xffff;
	[tilespmem:s28+$0x1200] =	vst v10;
	v10 =	vadd.s32 $0xB6D0, v4  }
0xa6: {  	v16 =	vadd.s32 $0x2616, v8;
	[tilespmem:s10+$0x1280] =	vst v9;
	v9 =	vld.idx.msk [tilespmem:v13+s11+$0x0], $0xffff  }
0xa7: {  	v13 =	vadd.s32 $0x6AA4, v6;
	[tilespmem:s29+$0x2280] =	vst v12;
	v1 =	vld.idx.msk [tilespmem:v1+s11+$0x0], $0xffff  }
0xa8: {  	v12 =	vld.idx.msk [tilespmem:v14+s11+$0x0], $0xffff;
	[tilespmem:s1+$0x200] =	vst v3;
	v3 =	vadd.s32 $0x7242, v7  }
0xa9: {  	v14 =	vadd.s32 $0xAF32, v5;
	v11 =	vld.idx.msk [tilespmem:v11+s11+$0x0], $0xffff;
	[tilespmem:s5+$0x2380] =	vst v0  }
0xaa: {  	[tilespmem:s30+$0x200] =	vst v15;
	v0 =	vld.idx.msk [tilespmem:v10+s11+$0x0], $0xffff;
	v10 =	vadd.s32 $0x2DB4, v2  }
0xab: {  	v15 =	vld.idx.msk [tilespmem:v16+s11+$0x0], $0xffff;
	[tilespmem:s28+$0x1280] =	vst v9;
	v9 =	vadd.s32 $0xBE6E, v4  }
0xac: {  	v16 =	vadd.s32 $0x2DB4, v8;
	[tilespmem:s10+$0x1300] =	vst v1;
	v1 =	vld.idx.msk [tilespmem:v13+s11+$0x0], $0xffff  }
0xad: {  	v13 =	vadd.s32 $0x7242, v6;
	[tilespmem:s29+$0x2300] =	vst v12;
	v3 =	vld.idx.msk [tilespmem:v3+s11+$0x0], $0xffff  }
0xae: {  	v12 =	vld.idx.msk [tilespmem:v14+s11+$0x0], $0xffff;
	[tilespmem:s1+$0x280] =	vst v11;
	v11 =	vadd.s32 $0x79E0, v7  }
0xaf: {  	v14 =	vadd.s32 $0xB6D0, v5;
	v10 =	vld.idx.msk [tilespmem:v10+s11+$0x0], $0xffff;
	[tilespmem:s5+$0x3000] =	vst v0  }
0xb0: {  	[tilespmem:s30+$0x280] =	vst v15;
	v0 =	vld.idx.msk [tilespmem:v9+s11+$0x0], $0xffff;
	v9 =	vadd.s32 $0x3552, v2  }
0xb1: {  	v15 =	vld.idx.msk [tilespmem:v16+s11+$0x0], $0xffff;
	[tilespmem:s28+$0x1300] =	vst v1;
	v1 =	vadd.s32 $0xC60C, v4  }
0xb2: {  	v16 =	vadd.s32 $0x3552, v8;
	[tilespmem:s10+$0x1380] =	vst v3;
	v3 =	vld.idx.msk [tilespmem:v13+s11+$0x0], $0xffff  }
0xb3: {  	s23 =	sadd.s32 $0x640, s0;
	v13 =	vadd.s32 $0x79E0, v6;
	[tilespmem:s29+$0x2380] =	vst v12;
	v11 =	vld.idx.msk [tilespmem:v11+s11+$0x0], $0xffff  }
0xb4: {  	v12 =	vld.idx.msk [tilespmem:v14+s11+$0x0], $0xffff;
	v14 =	vadd.s32 s23, v62;
	[tilespmem:s1+$0x300] =	vst v10  }
0xb5: {  	s0 =	sadd.s32 $0xFFFFFCE0, s23;
	v10 =	vadd.s32 $0x817E, v7;
	v9 =	vld.idx.msk [tilespmem:v9+s11+$0x0], $0xffff;
	[tilespmem:s5+$0x3080] =	vst v0  }
0xb6: {  	v0 =	vadd.s32 s0, v62;
	[tilespmem:s30+$0x300] =	vst v15;
	v1 =	vld.idx.msk [tilespmem:v1+s11+$0x0], $0xffff  }
0xb7: {  	v15 =	vadd.s32 $0x3CF0, v2;
	v16 =	vld.idx.msk [tilespmem:v16+s11+$0x0], $0xffff;
	[tilespmem:s28+$0x1380] =	vst v3  }
0xb8: {  	[tilespmem:s10+$0x2000] =	vst v11;
	v3 =	vld.idx.msk [tilespmem:v13+s11+$0x0], $0xffff;
	v11 =	vadd.s32 $0xCDAA, v4  }
0xb9: {  	v13 =	vadd.s32 $0x3CF0, v8;
	v14 =	vld.idx.msk [tilespmem:v14+s3+$0x0], $0xffff  }
0xba: {  	v17 =	vadd.s32 $0x817E, v6;
	v10 =	vld.idx.msk [tilespmem:v10+s11+$0x0], $0xffff  }
0xbb: {  	v0 =	vld.idx.msk [tilespmem:v0+s3+$0x0], $0xffff;
	[tilespmem:s1+$0x380] =	vst v9;
	v9 =	vadd.s32 $0x891C, v7  }
0xbc: {  	v18 =	vadd.s32 $0xBE6E, v5;
	v15 =	vld.idx.msk [tilespmem:v15+s11+$0x0], $0xffff;
	[tilespmem:s5+$0x3100] =	vst v1  }
0xbd: {  	[tilespmem:s30+$0x380] =	vst v16;
	v1 =	vld.idx.msk [tilespmem:v11+s11+$0x0], $0xffff;
	v11 =	vadd.s32 $0x448E, v2  }
0xbe: {  	v13 =	vld.idx.msk [tilespmem:v13+s11+$0x0], $0xffff;
	[tilespmem:s28+$0x2000] =	vst v3;
	v14 =	vadd.s32 v22, v14  }
0xbf: {  	v16 =	vadd.s32 $0xD548, v4;
	[tilespmem:s10+$0x2080] =	vst v10;
	v10 =	vld.idx.msk [tilespmem:v17+s11+$0x0], $0xffff  }
0xc0: {  	[tilespmem:s29+$0x3000] =	vst v12;
	v9 =	vld.idx.msk [tilespmem:v9+s11+$0x0], $0xffff;
	v3 =	vadd.s32 v22, v0  }
0xc1: {  	v12 =	vadd.s32 $0x90BA, v7;
	v0 =	vld.idx.msk [tilespmem:v18+s11+$0x0], $0xffff;
	[tilespmem:s1+$0x1000] =	vst v15  }
0xc2: {  	v15 =	vadd.s32 $0x448E, v8;
	v11 =	vld.idx.msk [tilespmem:v11+s11+$0x0], $0xffff  }
0xc3: {  	[tilespmem:s5+$0x3180] =	vst v1;
	v1 =	vadd.s32 $0x891C, v6;
	v17 =	vld.idx.msk [tilespmem:v14+s11+$0x0], $0xffff  }
0xc4: {  	v18 =	vadd.s32 $0x4C2C, v2;
	[tilespmem:s30+$0x1000] =	vst v13;
	v16 =	vld.idx.msk [tilespmem:v16+s11+$0x0], $0xffff  }
0xc5: {  	v19 =	vld.idx.msk [tilespmem:v3+s11+$0x0], $0xffff;
	[tilespmem:s10+$0x2100] =	vst v9;
	v9 =	vadd.s32 $0xDCE6, v4  }
0xc6: {  	s13 =	simm.s32 $0x300;
	v20 =	vadd.s32 $0xC60C, v5;
	[tilespmem:s28+$0x2080] =	vst v10;
	v12 =	vld.idx.msk [tilespmem:v12+s11+$0x0], $0xffff  }
0xc7: {  	s14 =	simm.s32 $0x60;
	s21 =	simm.s32 $0x70;
	s0 =	sand.u32 $0xC00, s13;
	v10 =	vadd.s32 $0x79E, v3;
	[tilespmem:s29+$0x3080] =	vst v0;
	v13 =	vld.idx.msk [tilespmem:v15+s11+$0x0], $0xffff  }
0xc8: {  	s4 =	sand.u32 $0x60, s14;
	s13 =	sand.u32 $0x70, s21;
	s0 =	sadd.s32 $0x157C0, s0;
	v15 =	vadd.s32 $0x79E, v14;
	[tilespmem:s1+$0x1080] =	vst v11;
	v1 =	vld.idx.msk [tilespmem:v1+s11+$0x0], $0xffff  }
0xc9: {  	s4 =	sadd.s32 s4, s0;
	s0 =	sadd.s32 s13, s0;
	v11 =	vadd.s32 $0x9858, v7;
	v18 =	vld.idx.msk [tilespmem:v18+s11+$0x0], $0xffff;
	[tilespmem:s5+$0x3200] =	vst v16  }
0xca: {  	[tilespmem:s0+$0x0] =	vst v17;
	v16 =	vadd.s32 $0x4C2C, v8;
	v0 =	vld.idx.msk [tilespmem:v9+s11+$0x0], $0xffff  }
0xcb: {  	[tilespmem:s4+$0x0] =	vst v19;
	v9 =	vadd.s32 $0x53CA, v2;
	v19 =	vld.idx.msk [tilespmem:v20+s11+$0x0], $0xffff  }
0xcc: {  	v10 =	vld.idx.msk [tilespmem:v10+s11+$0x0], $0xffff;
	[tilespmem:s10+$0x2180] =	vst v12;
	v12 =	vadd.s32 $0xE484, v4  }
0xcd: {  	v20 =	vadd.s32 $0x90BA, v6;
	v15 =	vld.idx.msk [tilespmem:v15+s11+$0x0], $0xffff  }
0xce: {  	v17 =	vadd.s32 $0xF3C, v3;
	[tilespmem:s30+$0x1080] =	vst v13;
	v11 =	vld.idx.msk [tilespmem:v11+s11+$0x0], $0xffff  }
0xcf: {  	[tilespmem:s1+$0x1100] =	vst v18;
	v13 =	vld.idx.msk [tilespmem:v16+s11+$0x0], $0xffff;
	v16 =	vadd.s32 $0x9FF6, v7  }
0xd0: {  	v18 =	vadd.s32 $0xF3C, v14;
	v9 =	vld.idx.msk [tilespmem:v9+s11+$0x0], $0xffff;
	[tilespmem:s5+$0x3280] =	vst v0  }
0xd1: {  	[tilespmem:s28+$0x2100] =	vst v1;
	v0 =	vadd.s32 $0x53CA, v8;
	v1 =	vld.idx.msk [tilespmem:v12+s11+$0x0], $0xffff  }
0xd2: {  	[tilespmem:s4+$0x80] =	vst v10;
	v10 =	vadd.s32 $0x5B68, v2;
	v12 =	vld.idx.msk [tilespmem:v20+s11+$0x0], $0xffff  }
0xd3: {  	v4 =	vadd.s32 $0xEC22, v4;
	v17 =	vld.idx.msk [tilespmem:v17+s11+$0x0], $0xffff;
	[tilespmem:s10+$0x2200] =	vst v11  }
0xd4: {  	[tilespmem:s0+$0x80] =	vst v15;
	v11 =	vadd.s32 $0x9858, v6;
	v15 =	vld.idx.msk [tilespmem:v16+s11+$0x0], $0xffff  }
0xd5: {  	v16 =	vadd.s32 $0x16DA, v3;
	v18 =	vld.idx.msk [tilespmem:v18+s11+$0x0], $0xffff;
	[tilespmem:s30+$0x1100] =	vst v13  }
0xd6: {  	v13 =	vadd.s32 $0xA794, v7;
	[tilespmem:s1+$0x1180] =	vst v9;
	v9 =	vld.idx.msk [tilespmem:v0+s11+$0x0], $0xffff  }
0xd7: {  	v20 =	vadd.s32 $0x16DA, v14;
	v10 =	vld.idx.msk [tilespmem:v10+s11+$0x0], $0xffff;
	[tilespmem:s5+$0x3300] =	vst v1  }
0xd8: {  	v1 =	vadd.s32 $0x5B68, v8;
	[tilespmem:s28+$0x2180] =	vst v12;
	v0 =	vld.idx.msk [tilespmem:v4+s11+$0x0], $0xffff  }
0xd9: {  	[tilespmem:s4+$0x100] =	vst v17;
	v4 =	vadd.s32 $0x6306, v2;
	v11 =	vld.idx.msk [tilespmem:v11+s11+$0x0], $0xffff  }
0xda: {  	v12 =	vadd.s32 $0x9FF6, v6;
	v16 =	vld.idx.msk [tilespmem:v16+s11+$0x0], $0xffff;
	[tilespmem:s10+$0x2280] =	vst v15  }
0xdb: {  	[tilespmem:s0+$0x100] =	vst v18;
	v15 =	vadd.s32 $0x1E78, v3;
	v13 =	vld.idx.msk [tilespmem:v13+s11+$0x0], $0xffff  }
0xdc: {  	v17 =	vld.idx.msk [tilespmem:v20+s11+$0x0], $0xffff;
	[tilespmem:s30+$0x1180] =	vst v9;
	v9 =	vadd.s32 $0xAF32, v7  }
0xdd: {  	v18 =	vadd.s32 $0x1E78, v14;
	[tilespmem:s1+$0x1200] =	vst v10;
	v1 =	vld.idx.msk [tilespmem:v1+s11+$0x0], $0xffff  }
0xde: {  	v10 =	vadd.s32 $0x6306, v8;
	v4 =	vld.idx.msk [tilespmem:v4+s11+$0x0], $0xffff;
	[tilespmem:s28+$0x2200] =	vst v11  }
0xdf: {  	v11 =	vadd.s32 $0x6AA4, v2;
	[tilespmem:s4+$0x180] =	vst v16;
	v12 =	vld.idx.msk [tilespmem:v12+s11+$0x0], $0xffff  }
0xe0: {  	v16 =	vadd.s32 $0xCDAA, v5;
	v15 =	vld.idx.msk [tilespmem:v15+s11+$0x0], $0xffff;
	[tilespmem:s10+$0x2300] =	vst v13  }
0xe1: {  	v13 =	vadd.s32 $0xA794, v6;
	[tilespmem:s0+$0x180] =	vst v17;
	v9 =	vld.idx.msk [tilespmem:v9+s11+$0x0], $0xffff  }
0xe2: {  	v17 =	vadd.s32 $0x2616, v3;
	v18 =	vld.idx.msk [tilespmem:v18+s11+$0x0], $0xffff;
	[tilespmem:s30+$0x1200] =	vst v1  }
0xe3: {  	[tilespmem:s1+$0x1280] =	vst v4;
	v1 =	vld.idx.msk [tilespmem:v10+s11+$0x0], $0xffff;
	v4 =	vadd.s32 $0xB6D0, v7  }
0xe4: {  	[tilespmem:s29+$0x3100] =	vst v19;
	v10 =	vadd.s32 $0x2616, v14;
	v11 =	vld.idx.msk [tilespmem:v11+s11+$0x0], $0xffff  }
0xe5: {  	v19 =	vadd.s32 $0x6AA4, v8;
	[tilespmem:s28+$0x2280] =	vst v12;
	v12 =	vld.idx.msk [tilespmem:v16+s11+$0x0], $0xffff  }
0xe6: {  	[tilespmem:s4+$0x200] =	vst v15;
	v15 =	vadd.s32 $0x7242, v2;
	v13 =	vld.idx.msk [tilespmem:v13+s11+$0x0], $0xffff  }
0xe7: {  	v16 =	vadd.s32 $0xD548, v5;
	v17 =	vld.idx.msk [tilespmem:v17+s11+$0x0], $0xffff;
	[tilespmem:s10+$0x2380] =	vst v9  }
0xe8: {  	v9 =	vadd.s32 $0xAF32, v6;
	[tilespmem:s0+$0x200] =	vst v18;
	v4 =	vld.idx.msk [tilespmem:v4+s11+$0x0], $0xffff  }
0xe9: {  	v18 =	vadd.s32 $0x2DB4, v3;
	v10 =	vld.idx.msk [tilespmem:v10+s11+$0x0], $0xffff;
	[tilespmem:s30+$0x1280] =	vst v1  }
0xea: {  	[tilespmem:s1+$0x1300] =	vst v11;
	v1 =	vld.idx.msk [tilespmem:v19+s11+$0x0], $0xffff;
	v11 =	vadd.s32 $0xBE6E, v7  }
0xeb: {  	v19 =	vadd.s32 $0x2DB4, v14;
	[tilespmem:s29+$0x3180] =	vst v12;
	v15 =	vld.idx.msk [tilespmem:v15+s11+$0x0], $0xffff  }
0xec: {  	v12 =	vadd.s32 $0x7242, v8;
	[tilespmem:s28+$0x2300] =	vst v13;
	v13 =	vld.idx.msk [tilespmem:v16+s11+$0x0], $0xffff  }
0xed: {  	v16 =	vadd.s32 $0x79E0, v2;
	[tilespmem:s4+$0x280] =	vst v17;
	v9 =	vld.idx.msk [tilespmem:v9+s11+$0x0], $0xffff  }
0xee: {  	v17 =	vadd.s32 $0xDCE6, v5;
	v18 =	vld.idx.msk [tilespmem:v18+s11+$0x0], $0xffff;
	[tilespmem:s10+$0x3000] =	vst v4  }
0xef: {  	v4 =	vadd.s32 $0xB6D0, v6;
	[tilespmem:s0+$0x280] =	vst v10;
	v10 =	vld.idx.msk [tilespmem:v11+s11+$0x0], $0xffff  }
0xf0: {  	v11 =	vadd.s32 $0x3552, v3;
	v19 =	vld.idx.msk [tilespmem:v19+s11+$0x0], $0xffff;
	[tilespmem:s30+$0x1300] =	vst v1  }
0xf1: {  	v1 =	vld.idx.msk [tilespmem:v12+s11+$0x0], $0xffff;
	v12 =	vadd.s32 $0xC60C, v7;
	[tilespmem:s1+$0x1380] =	vst v15  }
0xf2: {  	v15 =	vadd.s32 $0x3552, v14;
	[tilespmem:s29+$0x3200] =	vst v13;
	v16 =	vld.idx.msk [tilespmem:v16+s11+$0x0], $0xffff  }
0xf3: {  	v13 =	vadd.s32 $0x79E0, v8;
	[tilespmem:s28+$0x2380] =	vst v9;
	v9 =	vld.idx.msk [tilespmem:v17+s11+$0x0], $0xffff  }
0xf4: {  	s23 =	sadd.s32 $0x640, s23;
	v17 =	vadd.s32 $0x817E, v2;
	[tilespmem:s4+$0x300] =	vst v18;
	v4 =	vld.idx.msk [tilespmem:v4+s11+$0x0], $0xffff  }
0xf5: {  	s12 =	sadd.s32 $0xFFFFFCE0, s23;
	v18 =	vadd.s32 s23, v62;
	v11 =	vld.idx.msk [tilespmem:v11+s11+$0x0], $0xffff;
	[tilespmem:s10+$0x3080] =	vst v10  }
0xf6: {  	v10 =	vadd.s32 s12, v62;
	[tilespmem:s0+$0x300] =	vst v19;
	v12 =	vld.idx.msk [tilespmem:v12+s11+$0x0], $0xffff  }
0xf7: {  	v19 =	vadd.s32 $0x3CF0, v3;
	[tilespmem:s30+$0x1380] =	vst v1;
	v15 =	vld.idx.msk [tilespmem:v15+s11+$0x0], $0xffff  }
0xf8: {  	v1 =	vld.idx.msk [tilespmem:v13+s11+$0x0], $0xffff;
	v13 =	vadd.s32 $0xCDAA, v7;
	[tilespmem:s1+$0x2000] =	vst v16  }
0xf9: {  	v16 =	vadd.s32 $0x3CF0, v14;
	[tilespmem:s29+$0x3280] =	vst v9;
	v17 =	vld.idx.msk [tilespmem:v17+s11+$0x0], $0xffff  }
0xfa: {  	v20 =	vadd.s32 $0x817E, v8;
	v18 =	vld.idx.msk [tilespmem:v18+s3+$0x0], $0xffff;
	[tilespmem:s28+$0x3000] =	vst v4  }
0xfb: {  	v10 =	vld.idx.msk [tilespmem:v10+s3+$0x0], $0xffff;
	[tilespmem:s4+$0x380] =	vst v11;
	v11 =	vadd.s32 $0x891C, v2  }
0xfc: {  	v21 =	vadd.s32 $0xBE6E, v6;
	v19 =	vld.idx.msk [tilespmem:v19+s11+$0x0], $0xffff;
	[tilespmem:s10+$0x3100] =	vst v12  }
0xfd: {  	v12 =	vadd.s32 $0xE484, v5;
	[tilespmem:s0+$0x380] =	vst v15;
	v13 =	vld.idx.msk [tilespmem:v13+s11+$0x0], $0xffff  }
0xfe: {  	v15 =	vadd.s32 $0x448E, v3;
	[tilespmem:s30+$0x2000] =	vst v1;
	v16 =	vld.idx.msk [tilespmem:v16+s11+$0x0], $0xffff  }
0xff: {  	v1 =	vld.idx.msk [tilespmem:v20+s11+$0x0], $0xffff;
	[tilespmem:s1+$0x2080] =	vst v17;
	v17 =	vadd.s32 $0xD548, v7  }
0x100: {  	v56 =	vadd.s32 v22, v18;
	v11 =	vld.idx.msk [tilespmem:v11+s11+$0x0], $0xffff;
	[tilespmem:$0x1FF50] =	vst v22  }
0x101: {  	v4 =	vadd.s32 v22, v10;
	v9 =	vld.idx.msk [tilespmem:v21+s11+$0x0], $0xffff;
	[tilespmem:s4+$0x1000] =	vst v19  }
0x102: {  	v10 =	vadd.s32 $0x90BA, v2;
	v12 =	vld.idx.msk [tilespmem:v12+s11+$0x0], $0xffff;
	[tilespmem:s5+$0x3380] =	vst v0  }
0x103: {  	v18 =	vadd.s32 $0x448E, v14;
	v15 =	vld.idx.msk [tilespmem:v15+s11+$0x0], $0xffff;
	[tilespmem:s10+$0x3180] =	vst v13  }
0x104: {  	v13 =	vadd.s32 $0x891C, v8;
	[tilespmem:s0+$0x1000] =	vst v16;
	v0 =	vld.idx.msk [tilespmem:v17+s11+$0x0], $0xffff  }
0x105: {  	[tilespmem:s30+$0x2080] =	vst v1;
	v16 =	vld.idx.msk [tilespmem:v56+s11+$0x0], $0xffff;
	v17 =	vadd.s32 $0x4C2C, v3  }
0x106: {  	s21 =	simm.s32 $0x400;
	v19 =	vld.idx.msk [tilespmem:v4+s11+$0x0], $0xffff;
	[tilespmem:s1+$0x2100] =	vst v11;
	v11 =	vadd.s32 $0xDCE6, v7  }
0x107: {  	s22 =	sand.u32 $0xC00, s21;
	v20 =	vadd.s32 $0xC60C, v6;
	v1 =	vld.idx.msk [tilespmem:v10+s11+$0x0], $0xffff;
	[tilespmem:s28+$0x3080] =	vst v9  }
0x108: {  	s13 =	simm.s32 $0x80;
	s5 =	sadd.s32 $0x157C0, s22;
	s22 =	simm.s32 $0x90;
	v9 =	vadd.s32 $0x79E, v4;
	v10 =	vld.idx.msk [tilespmem:v18+s11+$0x0], $0xffff;
	[tilespmem:s29+$0x3300] =	vst v12  }
0x109: {  	s12 =	sand.u32 $0x60, s13;
	s14 =	sand.u32 $0x70, s22;
	v18 =	vadd.s32 $0x79E, v56;
	[tilespmem:s4+$0x1080] =	vst v15;
	v13 =	vld.idx.msk [tilespmem:v13+s11+$0x0], $0xffff  }
0x10a: {  	s31 =	sadd.s32 s12, s5;
	s5 =	sadd.s32 s14, s5;
	v15 =	vadd.s32 $0x9858, v2;
	v17 =	vld.idx.msk [tilespmem:v17+s11+$0x0], $0xffff;
	[tilespmem:s10+$0x3200] =	vst v0  }
0x10b: {  	v0 =	vadd.s32 $0x4C2C, v14;
	[tilespmem:s5+$0x0] =	vst v16;
	v11 =	vld.idx.msk [tilespmem:v11+s11+$0x0], $0xffff  }
0x10c: {  	v12 =	vadd.s32 $0x53CA, v3;
	[tilespmem:s31+$0x0] =	vst v19;
	v19 =	vld.idx.msk [tilespmem:v20+s11+$0x0], $0xffff  }
0x10d: {  	v20 =	vadd.s32 $0x90BA, v8;
	v9 =	vld.idx.msk [tilespmem:v9+s11+$0x0], $0xffff;
	[tilespmem:s1+$0x2180] =	vst v1  }
0x10e: {  	v1 =	vadd.s32 $0xE484, v7;
	v18 =	vld.idx.msk [tilespmem:v18+s11+$0x0], $0xffff;
	[tilespmem:s0+$0x1080] =	vst v10  }
0x10f: {  	v16 =	vadd.s32 $0xF3C, v4;
	v15 =	vld.idx.msk [tilespmem:v15+s11+$0x0], $0xffff;
	[tilespmem:s30+$0x2100] =	vst v13  }
0x110: {  	v10 =	vadd.s32 $0x9FF6, v2;
	[tilespmem:s4+$0x1100] =	vst v17;
	v0 =	vld.idx.msk [tilespmem:v0+s11+$0x0], $0xffff  }
0x111: {  	v17 =	vadd.s32 $0xF3C, v56;
	v12 =	vld.idx.msk [tilespmem:v12+s11+$0x0], $0xffff;
	[tilespmem:s10+$0x3280] =	vst v11  }
0x112: {  	v11 =	vadd.s32 $0x53CA, v14;
	v13 =	vld.idx.msk [tilespmem:v20+s11+$0x0], $0xffff;
	[tilespmem:s31+$0x80] =	vst v9  }
0x113: {  	v1 =	vld.idx.msk [tilespmem:v1+s11+$0x0], $0xffff;
	v9 =	vadd.s32 $0x5B68, v3;
	[tilespmem:s5+$0x80] =	vst v18  }
0x114: {  	v7 =	vadd.s32 $0xEC22, v7;
	v16 =	vld.idx.msk [tilespmem:v16+s11+$0x0], $0xffff;
	[tilespmem:s1+$0x2200] =	vst v15  }
0x115: {  	v15 =	vadd.s32 $0x9858, v8;
	v10 =	vld.idx.msk [tilespmem:v10+s11+$0x0], $0xffff;
	[tilespmem:s0+$0x1100] =	vst v0  }
0x116: {  	v18 =	vadd.s32 $0x16DA, v4;
	v17 =	vld.idx.msk [tilespmem:v17+s11+$0x0], $0xffff;
	[tilespmem:s4+$0x1180] =	vst v12  }
0x117: {  	v0 =	vld.idx.msk [tilespmem:v11+s11+$0x0], $0xffff;
	v11 =	vadd.s32 $0xA794, v2;
	[tilespmem:s30+$0x2180] =	vst v13  }
0x118: {  	v5 =	vadd.s32 $0xEC22, v5;
	v9 =	vld.idx.msk [tilespmem:v9+s11+$0x0], $0xffff;
	[tilespmem:s10+$0x3300] =	vst v1  }
0x119: {  	v12 =	vadd.s32 $0x16DA, v56;
	v7 =	vld.idx.msk [tilespmem:v7+s11+$0x0], $0xffff;
	[tilespmem:s31+$0x100] =	vst v16  }
0x11a: {  	v1 =	vadd.s32 $0x5B68, v14;
	v15 =	vld.idx.msk [tilespmem:v15+s11+$0x0], $0xffff;
	[tilespmem:s1+$0x2280] =	vst v10  }
0x11b: {  	v13 =	vadd.s32 $0x6306, v3;
	v16 =	vld.idx.msk [tilespmem:v18+s11+$0x0], $0xffff;
	[tilespmem:s5+$0x100] =	vst v17  }
0x11c: {  	v10 =	vadd.s32 $0x9FF6, v8;
	v11 =	vld.idx.msk [tilespmem:v11+s11+$0x0], $0xffff;
	[tilespmem:s0+$0x1180] =	vst v0  }
0x11d: {  	v53 =	vld.idx.msk [tilespmem:v5+s11+$0x0], $0xffff;
	v17 =	vadd.s32 $0x1E78, v4;
	[tilespmem:s4+$0x1200] =	vst v9  }
0x11e: {  	v12 =	vld.idx.msk [tilespmem:v12+s11+$0x0], $0xffff;
	[tilespmem:s10+$0x3380] =	vst v7  }
0x11f: {  	v0 =	vld.idx.msk [tilespmem:v1+s11+$0x0], $0xffff;
	v1 =	vadd.s32 $0xAF32, v2;
	[tilespmem:s30+$0x2200] =	vst v15  }
0x120: {  	v58 =	vadd.s32 $0xDCE6, v6;
	v33 =	vadd.s32 $0xE484, v6;
	v21 =	vadd.s32 $0x1E78, v56;
	v13 =	vld.idx.msk [tilespmem:v13+s11+$0x0], $0xffff;
	[tilespmem:s31+$0x180] =	vst v16  }
0x121: {  	v20 =	vadd.s32 $0xD548, v6;
	v7 =	vadd.s32 $0x6306, v14;
	v10 =	vld.idx.msk [tilespmem:v10+s11+$0x0], $0xffff;
	[tilespmem:s1+$0x2300] =	vst v11;
	v11 =	vadd.s32 $0xC60C, v8  }
0x122: {  	v18 =	vadd.s32 $0xEC22, v6;
	v9 =	vadd.s32 $0xCDAA, v6;
	v6 =	vadd.s32 $0x6AA4, v3;
	v17 =	vld.idx.msk [tilespmem:v17+s11+$0x0], $0xffff;
	[tilespmem:$0x1FF60] =	vst v11  }
0x123: {  	[tilespmem:s5+$0x180] =	vst v12  }
0x124: {  	v1 =	vld.idx.msk [tilespmem:v1+s11+$0x0], $0xffff;
	[tilespmem:s0+$0x1200] =	vst v0  }
0x125: {  	v59 =	vadd.s32 $0xB6D0, v8;
	[tilespmem:s4+$0x1280] =	vst v13;
	v25 =	vld.idx.msk [tilespmem:v21+s11+$0x0], $0xffff  }
0x126: {  	v36 =	vadd.s32 $0xBE6E, v8;
	v5 =	vadd.s32 $0xA794, v8;
	v11 =	vadd.s32 $0x90BA, v14;
	[tilespmem:s28+$0x3100] =	vst v19;
	v7 =	vld.idx.msk [tilespmem:v7+s11+$0x0], $0xffff  }
0x127: {  	v31 =	vadd.s32 $0xCDAA, v8;
	v30 =	vadd.s32 $0xD548, v8;
	v24 =	vadd.s32 $0x2616, v4;
	v6 =	vld.idx.msk [tilespmem:v6+s11+$0x0], $0xffff;
	[tilespmem:$0x1FF70] =	vst v11  }
0x128: {  	v28 =	vadd.s32 $0xDCE6, v8;
	v23 =	vadd.s32 $0xE484, v8;
	[tilespmem:s30+$0x2280] =	vst v10;
	v19 =	vld.idx.msk [tilespmem:v9+s11+$0x0], $0xffff;
	v9 =	vadd.s32 $0x9858, v14  }
0x129: {  	v16 =	vadd.s32 $0xAF32, v8;
	v21 =	vadd.s32 $0xEC22, v8;
	v8 =	vadd.s32 $0xB6D0, v2;
	[tilespmem:$0x1FF80] =	vst v9  }
0x12a: {  	v26 =	vadd.s32 $0x2616, v56;
	[tilespmem:s31+$0x200] =	vst v17  }
0x12b: {  	v0 =	vadd.s32 $0x6AA4, v14;
	v5 =	vld.idx.msk [tilespmem:v5+s11+$0x0], $0xffff;
	[tilespmem:s1+$0x2380] =	vst v1;
	v1 =	vadd.s32 $0xC60C, v14  }
0x12c: {  	v45 =	vadd.s32 $0x79E0, v14;
	v27 =	vadd.s32 $0x7242, v3;
	v24 =	vld.idx.msk [tilespmem:v24+s11+$0x0], $0xffff;
	[tilespmem:$0x1FF90] =	vst v1  }
0x12d: {  	v42 =	vadd.s32 $0x817E, v14;
	v44 =	vadd.s32 $0x891C, v14;
	v48 =	vadd.s32 $0x9FF6, v14;
	[tilespmem:s5+$0x200] =	vst v25  }
0x12e: {  	v40 =	vadd.s32 $0xA794, v14;
	v38 =	vadd.s32 $0xAF32, v14;
	v34 =	vadd.s32 $0xB6D0, v14;
	v1 =	vld.idx.msk [tilespmem:v8+s11+$0x0], $0xffff;
	[tilespmem:s0+$0x1280] =	vst v7  }
0x12f: {  	v35 =	vadd.s32 $0xBE6E, v14;
	v29 =	vadd.s32 $0xCDAA, v14;
	v22 =	vadd.s32 $0xD548, v14;
	[tilespmem:s4+$0x1300] =	vst v6;
	v25 =	vld.idx.msk [tilespmem:v26+s11+$0x0], $0xffff  }
0x130: {  	v15 =	vadd.s32 $0xE484, v14;
	v12 =	vadd.s32 $0x7242, v14;
	v9 =	vadd.s32 $0x4C2C, v56;
	[tilespmem:s28+$0x3180] =	vst v19;
	v6 =	vld.idx.msk [tilespmem:v0+s11+$0x0], $0xffff  }
0x131: {  	v13 =	vadd.s32 $0xDCE6, v14;
	v17 =	vadd.s32 $0xEC22, v14;
	v14 =	vld.idx.msk [tilespmem:v27+s11+$0x0], $0xffff;
	[tilespmem:$0x1FFA0] =	vst v9;
	v9 =	vadd.s32 $0x53CA, v56  }
0x132: {  	[tilespmem:$0x1FFB0] =	vst v9  }
0x133: {  	v8 =	vadd.s32 $0x2DB4, v4;
	v9 =	vadd.s32 $0x5B68, v56;
	[tilespmem:s30+$0x2300] =	vst v5  }
0x134: {  	v0 =	vadd.s32 $0xBE6E, v2;
	v5 =	vld.idx.msk [tilespmem:v20+s11+$0x0], $0xffff;
	[tilespmem:$0x1FFC0] =	vst v9;
	v9 =	vadd.s32 $0x6306, v56  }
0x135: {  	v7 =	vadd.s32 $0x2DB4, v56;
	[tilespmem:$0x1FFD0] =	vst v9  }
0x136: {  	v57 =	vadd.s32 $0x79E0, v3;
	[tilespmem:s31+$0x280] =	vst v24  }
0x137: {  	v55 =	vadd.s32 $0x3552, v56;
	v54 =	vadd.s32 $0x3CF0, v56;
	v9 =	vld.idx.msk [tilespmem:v16+s11+$0x0], $0xffff;
	[tilespmem:s1+$0x3000] =	vst v1;
	v1 =	vadd.s32 $0x90BA, v56  }
0x138: {  	v61 =	vadd.s32 $0x448E, v56;
	v47 =	vadd.s32 $0x6AA4, v56;
	v46 =	vadd.s32 $0x7242, v56;
	v10 =	vld.idx.msk [tilespmem:v8+s11+$0x0], $0xffff;
	[tilespmem:$0x1FFE0] =	vst v1  }
0x139: {  	v50 =	vadd.s32 $0x79E0, v56;
	v49 =	vadd.s32 $0x817E, v56;
	v43 =	vadd.s32 $0x9858, v56;
	[tilespmem:s5+$0x280] =	vst v25;
	v0 =	vld.idx.msk [tilespmem:v0+s11+$0x0], $0xffff  }
0x13a: {  	v37 =	vadd.s32 $0x9FF6, v56;
	v41 =	vadd.s32 $0xBE6E, v56;
	v39 =	vadd.s32 $0xC60C, v56;
	[tilespmem:s0+$0x1300] =	vst v6;
	v8 =	vld.idx.msk [tilespmem:v7+s11+$0x0], $0xffff  }
0x13b: {  	v32 =	vadd.s32 $0xE484, v56;
	v19 =	vadd.s32 $0xEC22, v56;
	v27 =	vadd.s32 $0x891C, v56;
	[tilespmem:s4+$0x1380] =	vst v14;
	v7 =	vld.idx.msk [tilespmem:v12+s11+$0x0], $0xffff  }
0x13c: {  	v26 =	vadd.s32 $0xA794, v56;
	v20 =	vadd.s32 $0xCDAA, v56;
	v24 =	vadd.s32 $0xB6D0, v56;
	[tilespmem:s28+$0x3200] =	vst v5;
	v57 =	vld.idx.msk [tilespmem:v57+s11+$0x0], $0xffff  }
0x13d: {  	v16 =	vadd.s32 $0xD548, v56;
	v25 =	vadd.s32 $0xAF32, v56;
	v14 =	vadd.s32 $0xDCE6, v56;
	v1 =	vld.idx.msk [tilespmem:v58+s11+$0x0], $0xffff;
	[tilespmem:s30+$0x2380] =	vst v9  }
0x13e: {  	s23 =	sadd.s32 $0x640, s23;
	s12 =	simm.s32 $0x8;
	s10 =	sshll.u32 s26, $0x1;
	v6 =	vadd.s32 $0xC60C, v2;
	v56 =	vadd.s32 $0x817E, v3;
	v58 =	vadd.s32 $0x3552, v4;
	[tilespmem:s31+$0x300] =	vst v10;
	v5 =	vld.idx.msk [tilespmem:v59+s11+$0x0], $0xffff  }
.LBB2_3:
0x13f: {  	[tilespmem:$0x1FE80] =	vst v16  }
0x140: {  	[tilespmem:$0x1FED0] =	vst v46  }
0x141: {  	[tilespmem:$0x1FF30] =	vst v24  }
0x142: {  	[tilespmem:$0x1FEF0] =	vst v28  }
0x143: {  	[tilespmem:$0x1FF10] =	vst v14  }
0x144: {  	[tilespmem:$0x1FF20] =	vst v34  }
0x145: {  	v58 =	vld.idx.msk [tilespmem:v58+s11+$0x0], $0xffff;
	[tilespmem:s5+$0x300] =	vst v8;
	v59 =	vadd.s32 s23, v62  }
0x146: {  	v55 =	vld.idx.msk [tilespmem:v55+s11+$0x0], $0xffff;
	[tilespmem:s0+$0x1380] =	vst v7  }
0x147: {  	[tilespmem:s1+$0x3080] =	vst v0;
	v7 =	vld.idx.msk [tilespmem:v45+s11+$0x0], $0xffff  }
0x148: {  	s13 =	sadd.s32 $0xFFFFFCE0, s23;
	v6 =	vld.idx.msk [tilespmem:v6+s11+$0x0], $0xffff;
	[tilespmem:s4+$0x2000] =	vst v57  }
0x149: {  	v51 =	vmov v27;
	v27 =	vld [tilespmem:$0x1FF60];
	v0 =	vadd.s32 s13, v62;
	[tilespmem:s28+$0x3280] =	vst v1  }
0x14a: {  	v8 =	vadd.s32 $0x3CF0, v4;
	v1 =	vld.idx.msk [tilespmem:v59+s3+$0x0], $0xffff;
	[tilespmem:s30+$0x3000] =	vst v5  }
0x14b: {  	v63 =	vadd.s32 $0xCDAA, v2;
	v52 =	vld.idx.msk [tilespmem:v56+s11+$0x0], $0xffff;
	[tilespmem:s5+$0x380] =	vst v55  }
0x14c: {  	v45 =	vld.idx.msk [tilespmem:v54+s11+$0x0], $0xffff;
	[tilespmem:s0+$0x2000] =	vst v7;
	v7 =	vmov v49  }
0x14d: {  	v5 =	vadd.s32 $0x891C, v3;
	[tilespmem:$0x1FE50] =	vst v7;
	v7 =	vld [tilespmem:$0x1FF50]  }
0x14e: {  	v0 =	vld.idx.msk [tilespmem:v0+s3+$0x0], $0xffff;
	[tilespmem:s31+$0x380] =	vst v58  }
0x14f: {  	v9 =	vmov v50;
	v8 =	vld.idx.msk [tilespmem:v8+s11+$0x0], $0xffff;
	[tilespmem:s1+$0x3100] =	vst v6  }
0x150: {  	v34 =	vadd.s32 $0x448E, v4;
	[tilespmem:$0x1FEB0] =	vst v9;
	v6 =	vld.idx.msk [tilespmem:v63+s11+$0x0], $0xffff  }
0x151: {  	v60 =	vadd.s32 $0xD548, v2;
	[tilespmem:s4+$0x2080] =	vst v52;
	v46 =	vld.idx.msk [tilespmem:v42+s11+$0x0], $0xffff  }
0x152: {  	[tilespmem:s29+$0x3380] =	vst v53;
	v9 =	vadd.s32 v7, v1;
	v1 =	vld.idx.msk [tilespmem:v5+s11+$0x0], $0xffff  }
0x153: {  	[tilespmem:$0x1FF00] =	vst v13;
	v10 =	vadd.s32 v7, v0;
	v5 =	vld.idx.msk [tilespmem:v36+s11+$0x0], $0xffff  }
0x154: {  	s29 =	smov.u32 s28;
	[tilespmem:s31+$0x1000] =	vst v8;
	v36 =	vmov v48;
	v48 =	vmov v43;
	v43 =	vmov v39;
	v39 =	vld.idx.msk [tilespmem:v33+s11+$0x0], $0xffff  }
0x155: {  	s28 =	smov.u32 s30;
	s30 =	smov.u32 s0;
	s0 =	smov.u32 s5;
	v62 =	vld.idx.msk [tilespmem:v34+s11+$0x0], $0xffff;
	[tilespmem:s1+$0x3180] =	vst v6  }
0x156: {  	v8 =	vadd.s32 $0x90BA, v3;
	[tilespmem:s0+$0x1000] =	vst v45;
	v13 =	vld.idx.msk [tilespmem:v60+s11+$0x0], $0xffff  }
0x157: {  	v14 =	vld.idx.msk [tilespmem:v9+s11+$0x0], $0xffff;
	[tilespmem:s30+$0x2080] =	vst v46  }
0x158: {  	v16 =	vadd.s32 $0x4C2C, v4;
	v28 =	vmov v17;
	v17 =	vld.idx.msk [tilespmem:v10+s11+$0x0], $0xffff;
	[tilespmem:s28+$0x3080] =	vst v5  }
0x159: {  	v49 =	vmovc v40;
	v40 =	vmov v31;
	v31 =	vmov v21;
	[tilespmem:s4+$0x2100] =	vst v1;
	v1 =	vadd.s32 $0xDCE6, v2;
	v21 =	vld.idx.msk [tilespmem:v61+s11+$0x0], $0xffff  }
0x15a: {  	v12 =	vmov v35;
	s22 =	sadd.s32 $0x20, s22;
	s21 =	sadd.s32 $0x100, s21;
	v57 =	vmov v30;
	[tilespmem:s29+$0x3300] =	vst v39;
	v39 =	vld [tilespmem:$0x1FF90]  }
0x15b: {  	[tilespmem:$0x1FE90] =	vst v12;
	v30 =	vmovc v29;
	v29 =	vmovc v18;
	s13 =	sadd.s32 $0xFFFFFFF0, s22;
	s5 =	sand.u32 $0xC00, s21;
	v46 =	vmov v37;
	v37 =	vmov v19;
	v19 =	vadd.s32 $0x79E, v10;
	v18 =	vld.idx.msk [tilespmem:v8+s11+$0x0], $0xffff  }
0x15c: {  	s13 =	sand.u32 $0x60, s13;
	s5 =	sadd.s32 $0x157C0, s5;
	v45 =	vmov v25;
	v11 =	vadd.s32 $0x79E, v9;
	[tilespmem:s31+$0x1080] =	vst v62;
	v25 =	vld.idx.msk [tilespmem:v44+s11+$0x0], $0xffff  }
0x15d: {  	v24 =	vadd.s32 $0x9858, v3;
	s14 =	sand.u32 $0x70, s22;
	s13 =	sadd.s32 s13, s5;
	v16 =	vld.idx.msk [tilespmem:v16+s11+$0x0], $0xffff;
	[tilespmem:s1+$0x3200] =	vst v13  }
0x15e: {  	s5 =	sadd.s32 s14, s5;
	v44 =	vmov v26;
	v26 =	vld.idx.msk [tilespmem:v1+s11+$0x0], $0xffff;
	[tilespmem:s13+$0x0] =	vst v17  }
0x15f: {  	v34 =	vmovc v32;
	v27 =	vld.idx.msk [tilespmem:v27+s11+$0x0], $0xffff;
	v17 =	vadd.s32 $0x53CA, v4;
	[tilespmem:s5+$0x0] =	vst v14;
	v32 =	vmov v39;
	v39 =	vmov v43  }
0x160: {  	v19 =	vld.idx.msk [tilespmem:v19+s11+$0x0], $0xffff;
	[tilespmem:s4+$0x2180] =	vst v18  }
0x161: {  	v13 =	vadd.s32 $0xC60C, v9;
	v18 =	vadd.s32 $0xE484, v2;
	v11 =	vld.idx.msk [tilespmem:v11+s11+$0x0], $0xffff;
	[tilespmem:s0+$0x1080] =	vst v21  }
0x162: {  	v12 =	vadd.s32 $0x4C2C, v9;
	[tilespmem:$0x1FF90] =	vst v39;
	v39 =	vmov v13;
	v13 =	vld.idx.msk [tilespmem:v24+s11+$0x0], $0xffff  }
0x163: {  	v14 =	vadd.s32 $0xF3C, v10;
	[tilespmem:s31+$0x1100] =	vst v16;
	v16 =	vld [tilespmem:$0x1FFA0];
	v24 =	vmov v12  }
0x164: {  	v21 =	vadd.s32 $0x9FF6, v3;
	[tilespmem:$0x1FFA0] =	vst v24;
	v12 =	vld.idx.msk [tilespmem:v17+s11+$0x0], $0xffff  }
0x165: {  	[tilespmem:s1+$0x3280] =	vst v26;
	v24 =	vld [tilespmem:$0x1FFE0]  }
0x166: {  	v17 =	vld.idx.msk [tilespmem:v18+s11+$0x0], $0xffff  }
0x167: {  	[tilespmem:s13+$0x80] =	vst v19;
	v18 =	vadd.s32 $0x5B68, v4;
	v19 =	vld [tilespmem:$0x1FF70]  }
0x168: {  	v50 =	vmov v20;
	v14 =	vld.idx.msk [tilespmem:v14+s11+$0x0], $0xffff;
	[tilespmem:s4+$0x2200] =	vst v13  }
0x169: {  	v20 =	vadd.s32 $0x90BA, v9;
	v13 =	vadd.s32 $0xEC22, v2;
	v2 =	vmovc v3;
	v3 =	vmovc v4;
	v4 =	vmov v10;
	v10 =	vld.idx.msk [tilespmem:v21+s11+$0x0], $0xffff  }
0x16a: {  	[tilespmem:s31+$0x1180] =	vst v12;
	v12 =	vld [tilespmem:$0x1FFB0]  }
0x16b: {  	v42 =	vmov v15;
	v15 =	vadd.s32 $0x53CA, v9;
	v16 =	vld.idx.msk [tilespmem:v16+s11+$0x0], $0xffff  }
0x16c: {  	v7 =	vadd.s32 $0xF3C, v9;
	[tilespmem:s30+$0x2100] =	vst v25;
	v25 =	vmovc v24;
	v24 =	vmov v20;
	v20 =	vmov v15;
	v15 =	vld.idx.msk [tilespmem:v18+s11+$0x0], $0xffff  }
0x16d: {  	[tilespmem:s1+$0x3300] =	vst v17;
	v17 =	vld [tilespmem:$0x1FF80]  }
0x16e: {  	[tilespmem:$0x1FEA0] =	vst v38  }
0x16f: {  	v0 =	vmov v23;
	v19 =	vld.idx.msk [tilespmem:v19+s11+$0x0], $0xffff;
	[tilespmem:s5+$0x80] =	vst v11;
	v11 =	vadd.s32 $0x16DA, v4  }
0x170: {  	[tilespmem:$0x1FE70] =	vst v0  }
0x171: {  	v0 =	vadd.s32 $0x2616, v9;
	v7 =	vld.idx.msk [tilespmem:v7+s11+$0x0], $0xffff;
	[tilespmem:s0+$0x1100] =	vst v16;
	v16 =	vadd.s32 $0xA794, v2  }
0x172: {  	v53 =	vadd.s32 $0x16DA, v9;
	[tilespmem:$0x1FE60] =	vst v0;
	v13 =	vld.idx.msk [tilespmem:v13+s11+$0x0], $0xffff  }
0x173: {  	[tilespmem:s13+$0x100] =	vst v14;
	v12 =	vld.idx.msk [tilespmem:v12+s11+$0x0], $0xffff  }
0x174: {  	[tilespmem:s30+$0x2180] =	vst v19;
	v11 =	vld.idx.msk [tilespmem:v11+s11+$0x0], $0xffff  }
0x175: {  	[tilespmem:s4+$0x2280] =	vst v10;
	v17 =	vld.idx.msk [tilespmem:v17+s11+$0x0], $0xffff  }
0x176: {  	v23 =	vadd.s32 $0x7242, v9;
	[tilespmem:s5+$0x100] =	vst v7;
	v7 =	vld.idx.msk [tilespmem:v16+s11+$0x0], $0xffff  }
0x177: {  	[tilespmem:$0x1FEE0] =	vst v23;
	v14 =	vadd.s32 $0x6306, v3;
	v16 =	vld.idx.msk [tilespmem:v53+s11+$0x0], $0xffff  }
0x178: {  	v0 =	vadd.s32 $0x2DB4, v9;
	[tilespmem:s0+$0x1180] =	vst v12;
	v12 =	vld [tilespmem:$0x1FFC0]  }
0x179: {  	[tilespmem:$0x1FEC0] =	vst v0;
	v8 =	vadd.s32 $0xB6D0, v9  }
0x17a: {  	[tilespmem:$0x1FF40] =	vst v8;
	v10 =	vadd.s32 $0x1E78, v4  }
0x17b: {  	v6 =	vadd.s32 $0x5B68, v9;
	[tilespmem:s31+$0x1200] =	vst v15  }
0x17c: {  	v58 =	vadd.s32 $0x1E78, v9;
	[tilespmem:$0x1FFB0] =	vst v20;
	v20 =	vmov v6;
	v15 =	vadd.s32 $0xAF32, v2;
	v6 =	vld.idx.msk [tilespmem:v14+s11+$0x0], $0xffff  }
0x17d: {  	v55 =	vadd.s32 $0x3552, v9;
	v54 =	vadd.s32 $0x3CF0, v9;
	v35 =	vadd.s32 $0x448E, v9;
	[tilespmem:s1+$0x3380] =	vst v13;
	s1 =	smov.u32 s4;
	s4 =	smov.u32 s31;
	s31 =	smov.u32 s13  }
0x17e: {  	v38 =	vmovc v22;
	v59 =	vadd.s32 $0x6AA4, v9;
	v33 =	vadd.s32 $0x79E0, v9;
	v22 =	vadd.s32 $0x9858, v9;
	[tilespmem:s31+$0x180] =	vst v11  }
0x17f: {  	v56 =	vmovc v41;
	v63 =	vadd.s32 $0xAF32, v9;
	v41 =	vadd.s32 $0xBE6E, v9;
	v60 =	vadd.s32 $0x817E, v9;
	[tilespmem:$0x1FF60] =	vst v32;
	v10 =	vld.idx.msk [tilespmem:v10+s11+$0x0], $0xffff  }
0x180: {  	v23 =	vadd.s32 $0x9FF6, v9;
	v0 =	vadd.s32 $0x6306, v9;
	v5 =	vadd.s32 $0x891C, v9;
	[tilespmem:s1+$0x2300] =	vst v7;
	v12 =	vld.idx.msk [tilespmem:v12+s11+$0x0], $0xffff  }
0x181: {  	v52 =	vmovc v47;
	v47 =	vmovc v5;
	v5 =	vadd.s32 $0xA794, v9;
	v62 =	vadd.s32 $0xDCE6, v9;
	v8 =	vadd.s32 $0xCDAA, v9;
	v7 =	vld.idx.msk [tilespmem:v15+s11+$0x0], $0xffff;
	[tilespmem:s4+$0x1280] =	vst v6  }
0x182: {  	v1 =	vadd.s32 $0xD548, v9;
	v32 =	vadd.s32 $0xE484, v9;
	v9 =	vadd.s32 $0xEC22, v9;
	v6 =	vld [tilespmem:$0x1FFD0];
	[tilespmem:s30+$0x2200] =	vst v17  }
0x183: {  	v19 =	vmov v9;
	v9 =	vadd.s32 $0x6AA4, v3;
	v53 =	vld.idx.msk [tilespmem:v29+s11+$0x0], $0xffff  }
0x184: {  	v13 =	vadd.s32 $0x2616, v4;
	v11 =	vld.idx.msk [tilespmem:v36+s11+$0x0], $0xffff;
	[tilespmem:s5+$0x180] =	vst v16  }
0x185: {  	v14 =	vld.idx.msk [tilespmem:v58+s11+$0x0], $0xffff;
	[tilespmem:s0+$0x1200] =	vst v12;
	v12 =	vadd.s32 $0xB6D0, v2;
	_ =	sdelay $0x2  }
0x186: {  	v16 =	vmov v0;
	v0 =	vld.idx.msk [tilespmem:v9+s11+$0x0], $0xffff;
	[tilespmem:s31+$0x200] =	vst v10  }
0x187: {  	v26 =	vmov v5;
	v5 =	vld.idx.msk [tilespmem:v13+s11+$0x0], $0xffff;
	[tilespmem:s1+$0x2380] =	vst v7  }
0x188: {  	v7 =	vld.idx.msk [tilespmem:v12+s11+$0x0], $0xffff  }
0x189: {  	v12 =	vld [tilespmem:$0x1FE60]  }
0x18a: {  	[tilespmem:$0x1FFC0] =	vst v20;
	v20 =	vmov v8;
	v8 =	vadd.s32 $0x7242, v3  }
0x18b: {  	v6 =	vld.idx.msk [tilespmem:v6+s11+$0x0], $0xffff;
	[tilespmem:s28+$0x3100] =	vst v27  }
0x18c: {  	[tilespmem:s30+$0x2280] =	vst v11  }
0x18d: {  	v9 =	vld.idx.msk [tilespmem:v40+s11+$0x0], $0xffff  }
0x18e: {  	v11 =	vadd.s32 $0x2DB4, v4;
	v10 =	vld.idx.msk [tilespmem:v49+s11+$0x0], $0xffff;
	[tilespmem:s4+$0x1300] =	vst v0  }
0x18f: {  	[tilespmem:s5+$0x200] =	vst v14;
	v13 =	vld.idx.msk [tilespmem:v8+s11+$0x0], $0xffff  }
0x190: {  	[tilespmem:s31+$0x280] =	vst v5;
	v5 =	vld [tilespmem:$0x1FEA0]  }
0x191: {  	v12 =	vld.idx.msk [tilespmem:v12+s11+$0x0], $0xffff;
	[tilespmem:s0+$0x1280] =	vst v6  }
0x192: {  	v6 =	vld.idx.msk [tilespmem:v52+s11+$0x0], $0xffff  }
0x193: {  	[tilespmem:s30+$0x2300] =	vst v10;
	v10 =	vld.idx.msk [tilespmem:v11+s11+$0x0], $0xffff  }
0x194: {  	[tilespmem:s1+$0x3000] =	vst v7;
	v7 =	vld [tilespmem:$0x1FEC0];
	_ =	sdelay $0x2  }
0x195: {  	v8 =	vld [tilespmem:$0x1FE80];
	_ =	sdelay $0x1  }
0x196: {  	[tilespmem:s28+$0x3180] =	vst v9  }
0x197: {  	v9 =	vld.idx.msk [tilespmem:v57+s11+$0x0], $0xffff  }
0x198: {  	v5 =	vld.idx.msk [tilespmem:v5+s11+$0x0], $0xffff;
	[tilespmem:s5+$0x280] =	vst v12  }
0x199: {  	v43 =	vmov v22;
	v22 =	vmov v8;
	v8 =	vld.idx.msk [tilespmem:v7+s11+$0x0], $0xffff  }
0x19a: {  	[tilespmem:s0+$0x1300] =	vst v6;
	v6 =	vld [tilespmem:$0x1FED0];
	_ =	sdelay $0x7  }
0x19b: {  	v7 =	vld.idx.msk [tilespmem:v6+s11+$0x0], $0xffff  }
0x19c: {  	[tilespmem:s30+$0x2380] =	vst v5;
	v5 =	vld [tilespmem:$0x1FF00]  }
0x19d: {  	v18 =	vmov v48;
	v0 =	vadd.s32 $0xBE6E, v2  }
0x19e: {  	[tilespmem:$0x1FFD0] =	vst v16;
	v16 =	vmov v1;
	v1 =	vadd.s32 $0x79E0, v3;
	_ =	sdelay $0x1  }
0x19f: {  	[tilespmem:$0x1FF80] =	vst v18;
	v18 =	vmovc v31;
	v31 =	vmov v30;
	v30 =	vmov v38;
	v38 =	vmov v45;
	v45 =	vld [tilespmem:$0x1FEB0]  }
0x1a0: {  	v21 =	vmov v28;
	v28 =	vmov v5;
	v5 =	vld [tilespmem:$0x1FF10]  }
0x1a1: {  	v0 =	vld.idx.msk [tilespmem:v0+s11+$0x0], $0xffff;
	[tilespmem:s4+$0x1380] =	vst v13  }
0x1a2: {  	v57 =	vld.idx.msk [tilespmem:v1+s11+$0x0], $0xffff  }
0x1a3: {  	[tilespmem:s28+$0x3200] =	vst v9;
	v9 =	vld [tilespmem:$0x1FF30]  }
0x1a4: {  	v1 =	vld [tilespmem:$0x1FEF0]  }
0x1a5: {  	v13 =	vmov v5;
	v5 =	vld [tilespmem:$0x1FF20]  }
0x1a6: {  	v17 =	vmov v37;
	v37 =	vmov v23;
	v23 =	vmov v42;
	v42 =	vld [tilespmem:$0x1FE50]  }
0x1a7: {  	s12 =	sadd.s32 $0x2, s12;
	v11 =	vld [tilespmem:$0x1FEE0]  }
0x1a8: {  	p1 =	slt.u32 s12, $0x1E;
	v15 =	vmov v34;
	v34 =	vmov v9;
	v9 =	vld [tilespmem:$0x1FF40]  }
.Ltmp0:
0x1a9: {  	v29 =	vmov v50;
	v50 =	vmov v33;
	v33 =	vld [tilespmem:$0x1FE70];
	(pc) =	sbr.rel @p1 .LBB2_3-.Ltmp0, $4  }
0x1aa: {  	v36 =	vld [tilespmem:$0x1FE90]  }
0x1ab: {  	v61 =	vmovc v35;
	v35 =	vmovc v56;
	v56 =	vadd.s32 $0x817E, v3;
	v48 =	vmov v46;
	[tilespmem:$0x1FF70] =	vst v25;
	v14 =	vmov v62;
	v62 =	vld [tilespmem:$0x1FFF0]  }
0x1ac: {  	[tilespmem:$0x1FFE0] =	vst v24;
	v25 =	vmovc v63;
	v58 =	vadd.s32 $0x3552, v4;
	v27 =	vmovc v47;
	v47 =	vmov v59;
	v49 =	vmov v60;
	v1 =	vld.idx.msk [tilespmem:v1+s11+$0x0], $0xffff  }
0x1ad: {  	s23 =	sadd.s32 $0x640, s23;
	v40 =	vmovc v44;
	v44 =	vmovc v51;
	v46 =	vmov v11;
	[tilespmem:s31+$0x300] =	vst v10;
	v6 =	vadd.s32 $0xC60C, v2;
	v24 =	vmov v9;
	v5 =	vld.idx.msk [tilespmem:v5+s11+$0x0], $0xffff  }
0x1ae: {  	_ =	sdelay $0x3  }
0x1af: {  	v9 =	vld.idx.msk [tilespmem:v58+s11+$0x0], $0xffff  }
0x1b0: {  	v10 =	vadd.s32 $0x3CF0, v4;
	_ =	sdelay $0x3  }
0x1b1: {  	[tilespmem:s31+$0x380] =	vst v9  }
0x1b2: {  	[tilespmem:s5+$0x300] =	vst v8;
	v9 =	vld.idx.msk [tilespmem:v10+s11+$0x0], $0xffff  }
0x1b3: {  	v8 =	vadd.s32 $0x448E, v4;
	v10 =	vld.idx.msk [tilespmem:v55+s11+$0x0], $0xffff;
	_ =	sdelay $0x2  }
0x1b4: {  	[tilespmem:s4+$0x2000] =	vst v57  }
0x1b5: {  	v11 =	vld.idx.msk [tilespmem:v56+s11+$0x0], $0xffff;
	[tilespmem:s31+$0x1000] =	vst v9  }
0x1b6: {  	v9 =	vadd.s32 $0x891C, v3;
	[tilespmem:s5+$0x380] =	vst v10;
	v8 =	vld.idx.msk [tilespmem:v8+s11+$0x0], $0xffff  }
0x1b7: {  	v10 =	vadd.s32 $0x4C2C, v4;
	v12 =	vld.idx.msk [tilespmem:v54+s11+$0x0], $0xffff;
	_ =	sdelay $0x2  }
0x1b8: {  	[tilespmem:s4+$0x2080] =	vst v11  }
0x1b9: {  	v9 =	vld.idx.msk [tilespmem:v9+s11+$0x0], $0xffff;
	[tilespmem:s31+$0x1080] =	vst v8  }
0x1ba: {  	[tilespmem:s5+$0x1000] =	vst v12;
	v10 =	vld.idx.msk [tilespmem:v10+s11+$0x0], $0xffff  }
0x1bb: {  	v12 =	vld.idx.msk [tilespmem:v61+s11+$0x0], $0xffff;
	_ =	sdelay $0x2  }
0x1bc: {  	[tilespmem:s4+$0x2100] =	vst v9  }
0x1bd: {  	[tilespmem:s31+$0x1100] =	vst v10  }
0x1be: {  	[tilespmem:s5+$0x1080] =	vst v12  }
0x1bf: {  	v12 =	vld [tilespmem:$0x1FFA0]  }
0x1c0: {  	v8 =	vadd.s32 $0x90BA, v3  }
0x1c1: {  	v11 =	vadd.s32 $0x53CA, v4;
	_ =	sdelay $0x3  }
0x1c2: {  	v8 =	vld.idx.msk [tilespmem:v8+s11+$0x0], $0xffff  }
0x1c3: {  	v10 =	vld.idx.msk [tilespmem:v11+s11+$0x0], $0xffff  }
0x1c4: {  	v12 =	vld.idx.msk [tilespmem:v12+s11+$0x0], $0xffff;
	_ =	sdelay $0x1  }
0x1c5: {  	[tilespmem:s0+$0x1380] =	vst v7  }
0x1c6: {  	[tilespmem:s4+$0x2180] =	vst v8  }
0x1c7: {  	[tilespmem:s31+$0x1180] =	vst v10  }
0x1c8: {  	[tilespmem:s5+$0x1100] =	vst v12  }
0x1c9: {  	v9 =	vadd.s32 $0x9858, v3;
	v12 =	vld [tilespmem:$0x1FFB0]  }
0x1ca: {  	v11 =	vadd.s32 $0x5B68, v4;
	_ =	sdelay $0x3  }
0x1cb: {  	v8 =	vld.idx.msk [tilespmem:v9+s11+$0x0], $0xffff  }
0x1cc: {  	v9 =	vld.idx.msk [tilespmem:v11+s11+$0x0], $0xffff  }
0x1cd: {  	v10 =	vld.idx.msk [tilespmem:v45+s11+$0x0], $0xffff  }
0x1ce: {  	v12 =	vld.idx.msk [tilespmem:v12+s11+$0x0], $0xffff;
	_ =	sdelay $0x1  }
0x1cf: {  	[tilespmem:s4+$0x2200] =	vst v8  }
0x1d0: {  	[tilespmem:s31+$0x1200] =	vst v9  }
0x1d1: {  	v7 =	vadd.s32 $0x9FF6, v3;
	[tilespmem:s0+$0x2000] =	vst v10  }
0x1d2: {  	v11 =	vadd.s32 $0x6306, v4;
	[tilespmem:s5+$0x1180] =	vst v12  }
0x1d3: {  	v12 =	vld [tilespmem:$0x1FFC0];
	_ =	sdelay $0x2  }
0x1d4: {  	v7 =	vld.idx.msk [tilespmem:v7+s11+$0x0], $0xffff  }
0x1d5: {  	v8 =	vadd.s32 $0xA794, v3;
	v9 =	vld.idx.msk [tilespmem:v11+s11+$0x0], $0xffff  }
0x1d6: {  	v10 =	vld.idx.msk [tilespmem:v42+s11+$0x0], $0xffff;
	v11 =	vadd.s32 $0x6AA4, v4;
	_ =	sdelay $0x2  }
0x1d7: {  	[tilespmem:s4+$0x2280] =	vst v7;
	v12 =	vld.idx.msk [tilespmem:v12+s11+$0x0], $0xffff  }
0x1d8: {  	[tilespmem:s31+$0x1280] =	vst v9;
	v7 =	vld.idx.msk [tilespmem:v8+s11+$0x0], $0xffff  }
0x1d9: {  	[tilespmem:s0+$0x2080] =	vst v10;
	v9 =	vld.idx.msk [tilespmem:v11+s11+$0x0], $0xffff  }
0x1da: {  	v10 =	vld.idx.msk [tilespmem:v44+s11+$0x0], $0xffff;
	_ =	sdelay $0x1  }
0x1db: {  	[tilespmem:s5+$0x1200] =	vst v12  }
0x1dc: {  	v12 =	vld [tilespmem:$0x1FFD0];
	[tilespmem:s4+$0x2300] =	vst v7  }
0x1dd: {  	[tilespmem:s31+$0x1300] =	vst v9  }
0x1de: {  	[tilespmem:s0+$0x2100] =	vst v10  }
0x1df: {  	v8 =	vadd.s32 $0xAF32, v3;
	v10 =	vld [tilespmem:$0x1FF70]  }
0x1e0: {  	v11 =	vadd.s32 $0x7242, v4;
	_ =	sdelay $0x3  }
0x1e1: {  	v7 =	vld.idx.msk [tilespmem:v8+s11+$0x0], $0xffff  }
0x1e2: {  	v9 =	vld.idx.msk [tilespmem:v11+s11+$0x0], $0xffff  }
0x1e3: {  	v12 =	vld.idx.msk [tilespmem:v12+s11+$0x0], $0xffff  }
0x1e4: {  	[tilespmem:s1+$0x3080] =	vst v0;
	v10 =	vld.idx.msk [tilespmem:v10+s11+$0x0], $0xffff  }
0x1e5: {  	[tilespmem:s28+$0x3280] =	vst v1  }
0x1e6: {  	[tilespmem:s4+$0x2380] =	vst v7  }
0x1e7: {  	[tilespmem:s31+$0x1380] =	vst v9  }
0x1e8: {  	v8 =	vadd.s32 $0xB6D0, v3;
	[tilespmem:s5+$0x1280] =	vst v12  }
0x1e9: {  	v11 =	vadd.s32 $0x79E0, v4;
	v0 =	vld.idx.msk [tilespmem:v47+s11+$0x0], $0xffff;
	[tilespmem:s0+$0x2180] =	vst v10  }
0x1ea: {  	v10 =	vld [tilespmem:$0x1FF80]  }
0x1eb: {  	v1 =	vld.idx.msk [tilespmem:v6+s11+$0x0], $0xffff  }
0x1ec: {  	v6 =	vadd.s32 $0xCDAA, v2  }
0x1ed: {  	v7 =	vld.idx.msk [tilespmem:v8+s11+$0x0], $0xffff  }
0x1ee: {  	v9 =	vld.idx.msk [tilespmem:v11+s11+$0x0], $0xffff;
	[tilespmem:s30+$0x3000] =	vst v5  }
0x1ef: {  	v8 =	vadd.s32 $0xBE6E, v3;
	[tilespmem:s5+$0x1300] =	vst v0  }
0x1f0: {  	[tilespmem:s1+$0x3100] =	vst v1;
	v0 =	vadd.s32 $0x817E, v4;
	v5 =	vld.idx.msk [tilespmem:v46+s11+$0x0], $0xffff  }
0x1f1: {  	v1 =	vld.idx.msk [tilespmem:v6+s11+$0x0], $0xffff  }
0x1f2: {  	[tilespmem:s4+$0x3000] =	vst v7;
	v10 =	vld.idx.msk [tilespmem:v10+s11+$0x0], $0xffff  }
0x1f3: {  	v11 =	vld.idx.msk [tilespmem:v33+s11+$0x0], $0xffff;
	[tilespmem:s31+$0x2000] =	vst v9  }
0x1f4: {  	[tilespmem:s29+$0x3380] =	vst v53;
	v6 =	vld.idx.msk [tilespmem:v8+s11+$0x0], $0xffff  }
0x1f5: {  	v7 =	vadd.s32 $0xC60C, v3;
	v0 =	vld.idx.msk [tilespmem:v0+s11+$0x0], $0xffff;
	[tilespmem:s5+$0x1380] =	vst v5  }
0x1f6: {  	[tilespmem:s1+$0x3180] =	vst v1;
	v1 =	vadd.s32 $0xD548, v2;
	v9 =	vld.idx.msk [tilespmem:v50+s11+$0x0], $0xffff  }
0x1f7: {  	[tilespmem:s0+$0x2200] =	vst v10;
	v10 =	vld.idx.msk [tilespmem:v36+s11+$0x0], $0xffff  }
0x1f8: {  	[tilespmem:s28+$0x3300] =	vst v11;
	v5 =	vadd.s32 $0x891C, v4;
	v8 =	vld.idx.msk [tilespmem:v48+s11+$0x0], $0xffff  }
0x1f9: {  	[tilespmem:s4+$0x3080] =	vst v6  }
0x1fa: {  	v6 =	vld.idx.msk [tilespmem:v7+s11+$0x0], $0xffff;
	[tilespmem:s31+$0x2080] =	vst v0  }
0x1fb: {  	v1 =	vld.idx.msk [tilespmem:v1+s11+$0x0], $0xffff;
	[tilespmem:s5+$0x2000] =	vst v9  }
0x1fc: {  	v0 =	vadd.s32 $0xCDAA, v3;
	v9 =	vld.idx.msk [tilespmem:v49+s11+$0x0], $0xffff;
	[tilespmem:s30+$0x3080] =	vst v10  }
0x1fd: {  	v5 =	vld.idx.msk [tilespmem:v5+s11+$0x0], $0xffff;
	[tilespmem:s0+$0x2280] =	vst v8  }
0x1fe: {  	v10 =	vadd.s32 $0xDCE6, v2;
	v11 =	vld [tilespmem:$0x1FF60]  }
0x1ff: {  	v8 =	vadd.s32 $0x90BA, v4;
	v7 =	vld.idx.msk [tilespmem:v40+s11+$0x0], $0xffff  }
0x200: {  	[tilespmem:s4+$0x3100] =	vst v6  }
0x201: {  	v0 =	vld.idx.msk [tilespmem:v0+s11+$0x0], $0xffff;
	[tilespmem:s5+$0x2080] =	vst v9  }
0x202: {  	[tilespmem:s1+$0x3200] =	vst v1;
	v1 =	vld.idx.msk [tilespmem:v27+s11+$0x0], $0xffff  }
0x203: {  	[tilespmem:s31+$0x2100] =	vst v5;
	v9 =	vld.idx.msk [tilespmem:v10+s11+$0x0], $0xffff  }
0x204: {  	v5 =	vadd.s32 $0xD548, v3;
	v6 =	vld.idx.msk [tilespmem:v8+s11+$0x0], $0xffff;
	[tilespmem:s0+$0x2300] =	vst v7  }
0x205: {  	v8 =	vadd.s32 $0x9858, v4;
	v7 =	vld.idx.msk [tilespmem:v38+s11+$0x0], $0xffff  }
0x206: {  	[tilespmem:s4+$0x3180] =	vst v0;
	v11 =	vld.idx.msk [tilespmem:v11+s11+$0x0], $0xffff  }
0x207: {  	[tilespmem:s5+$0x2100] =	vst v1  }
0x208: {  	[tilespmem:s1+$0x3280] =	vst v9  }
0x209: {  	v0 =	vld.idx.msk [tilespmem:v5+s11+$0x0], $0xffff;
	[tilespmem:s31+$0x2180] =	vst v6  }
0x20a: {  	v10 =	vadd.s32 $0xE484, v2;
	v6 =	vld.idx.msk [tilespmem:v8+s11+$0x0], $0xffff;
	[tilespmem:s0+$0x2380] =	vst v7  }
0x20b: {  	v5 =	vadd.s32 $0xDCE6, v3;
	v7 =	vld.idx.msk [tilespmem:v34+s11+$0x0], $0xffff;
	[tilespmem:s30+$0x3100] =	vst v11  }
0x20c: {  	v8 =	vadd.s32 $0x9FF6, v4;
	v1 =	vld [tilespmem:$0x1FFE0]  }
0x20d: {  	v11 =	vld.idx.msk [tilespmem:v31+s11+$0x0], $0xffff;
	_ =	sdelay $0x1  }
0x20e: {  	v9 =	vld.idx.msk [tilespmem:v10+s11+$0x0], $0xffff;
	[tilespmem:s4+$0x3200] =	vst v0  }
0x20f: {  	v0 =	vld.idx.msk [tilespmem:v5+s11+$0x0], $0xffff;
	[tilespmem:s31+$0x2200] =	vst v6  }
0x210: {  	v6 =	vld.idx.msk [tilespmem:v8+s11+$0x0], $0xffff;
	[tilespmem:s0+$0x3000] =	vst v7  }
0x211: {  	v7 =	vld.idx.msk [tilespmem:v35+s11+$0x0], $0xffff;
	[tilespmem:s30+$0x3180] =	vst v11  }
0x212: {  	v10 =	vld.idx.msk [tilespmem:v30+s11+$0x0], $0xffff  }
0x213: {  	v2 =	vadd.s32 $0xEC22, v2;
	[tilespmem:s1+$0x3300] =	vst v9;
	v1 =	vld.idx.msk [tilespmem:v1+s11+$0x0], $0xffff  }
0x214: {  	[tilespmem:s4+$0x3280] =	vst v0  }
0x215: {  	[tilespmem:s31+$0x2280] =	vst v6  }
0x216: {  	[tilespmem:s0+$0x3080] =	vst v7  }
0x217: {  	[tilespmem:s30+$0x3200] =	vst v10  }
0x218: {  	v2 =	vld.idx.msk [tilespmem:v2+s11+$0x0], $0xffff;
	[tilespmem:s5+$0x2180] =	vst v1  }
0x219: {  	v6 =	vld [tilespmem:$0x1FF90]  }
0x21a: {  	v1 =	vld.idx.msk [tilespmem:v43+s11+$0x0], $0xffff;
	_ =	sdelay $0x3  }
0x21b: {  	v5 =	vadd.s32 $0xE484, v3;
	[tilespmem:s1+$0x3380] =	vst v2  }
0x21c: {  	v8 =	vadd.s32 $0xA794, v4;
	v2 =	vld.idx.msk [tilespmem:v18+s11+$0x0], $0xffff;
	[tilespmem:s5+$0x2200] =	vst v1  }
0x21d: {  	v1 =	vld.idx.msk [tilespmem:v37+s11+$0x0], $0xffff  }
0x21e: {  	v6 =	vld.idx.msk [tilespmem:v6+s11+$0x0], $0xffff;
	_ =	sdelay $0x1  }
0x21f: {  	v0 =	vld.idx.msk [tilespmem:v5+s11+$0x0], $0xffff  }
0x220: {  	v3 =	vadd.s32 $0xEC22, v3;
	v5 =	vld.idx.msk [tilespmem:v8+s11+$0x0], $0xffff;
	[tilespmem:s28+$0x3380] =	vst v2  }
0x221: {  	v7 =	vadd.s32 $0xAF32, v4;
	[tilespmem:s5+$0x2280] =	vst v1  }
0x222: {  	v2 =	vld.idx.msk [tilespmem:v26+s11+$0x0], $0xffff;
	[tilespmem:s0+$0x3100] =	vst v6  }
0x223: {  	v1 =	vld.idx.msk [tilespmem:v29+s11+$0x0], $0xffff  }
0x224: {  	[tilespmem:s4+$0x3300] =	vst v0  }
0x225: {  	[tilespmem:s31+$0x2300] =	vst v5;
	v0 =	vld.idx.msk [tilespmem:v3+s11+$0x0], $0xffff  }
0x226: {  	v3 =	vld.idx.msk [tilespmem:v7+s11+$0x0], $0xffff  }
0x227: {  	v5 =	vadd.s32 $0xB6D0, v4;
	[tilespmem:s5+$0x2300] =	vst v2  }
0x228: {  	[tilespmem:s0+$0x3180] =	vst v1;
	v1 =	vld.idx.msk [tilespmem:v25+s11+$0x0], $0xffff;
	_ =	sdelay $0x2  }
0x229: {  	v9 =	vld.idx.msk [tilespmem:v28+s11+$0x0], $0xffff;
	[tilespmem:s31+$0x2380] =	vst v3  }
0x22a: {  	v3 =	vld.idx.msk [tilespmem:v5+s11+$0x0], $0xffff  }
0x22b: {  	v2 =	vadd.s32 $0xBE6E, v4;
	[tilespmem:s5+$0x2380] =	vst v1  }
0x22c: {  	v1 =	vld.idx.msk [tilespmem:v24+s11+$0x0], $0xffff;
	_ =	sdelay $0x1  }
0x22d: {  	[tilespmem:s30+$0x3280] =	vst v9  }
0x22e: {  	v8 =	vld.idx.msk [tilespmem:v23+s11+$0x0], $0xffff;
	[tilespmem:s31+$0x3000] =	vst v3  }
0x22f: {  	v2 =	vld.idx.msk [tilespmem:v2+s11+$0x0], $0xffff  }
0x230: {  	v3 =	vadd.s32 $0xC60C, v4;
	[tilespmem:s5+$0x3000] =	vst v1  }
0x231: {  	v1 =	vld.idx.msk [tilespmem:v41+s11+$0x0], $0xffff  }
0x232: {  	[tilespmem:s4+$0x3380] =	vst v0  }
0x233: {  	[tilespmem:s30+$0x3300] =	vst v8  }
0x234: {  	v0 =	vld.idx.msk [tilespmem:v21+s11+$0x0], $0xffff;
	[tilespmem:s31+$0x3080] =	vst v2  }
0x235: {  	v2 =	vld.idx.msk [tilespmem:v3+s11+$0x0], $0xffff  }
0x236: {  	v3 =	vadd.s32 $0xCDAA, v4;
	[tilespmem:s5+$0x3080] =	vst v1  }
0x237: {  	v1 =	vld.idx.msk [tilespmem:v39+s11+$0x0], $0xffff;
	_ =	sdelay $0x2  }
0x238: {  	[tilespmem:s31+$0x3100] =	vst v2  }
0x239: {  	v2 =	vld.idx.msk [tilespmem:v3+s11+$0x0], $0xffff  }
0x23a: {  	v3 =	vadd.s32 $0xD548, v4;
	[tilespmem:s5+$0x3100] =	vst v1  }
0x23b: {  	v1 =	vld.idx.msk [tilespmem:v20+s11+$0x0], $0xffff;
	_ =	sdelay $0x2  }
0x23c: {  	[tilespmem:s31+$0x3180] =	vst v2  }
0x23d: {  	v2 =	vld.idx.msk [tilespmem:v3+s11+$0x0], $0xffff  }
0x23e: {  	v5 =	vadd.s32 $0xDCE6, v4;
	v3 =	vld.idx.msk [tilespmem:v22+s11+$0x0], $0xffff;
	[tilespmem:s5+$0x3180] =	vst v1  }
0x23f: {  	v1 =	vld.idx.msk [tilespmem:v16+s11+$0x0], $0xffff;
	_ =	sdelay $0x2  }
0x240: {  	[tilespmem:s31+$0x3200] =	vst v2  }
0x241: {  	[tilespmem:s0+$0x3200] =	vst v3;
	v2 =	vld.idx.msk [tilespmem:v5+s11+$0x0], $0xffff  }
0x242: {  	v3 =	vld.idx.msk [tilespmem:v13+s11+$0x0], $0xffff;
	v5 =	vadd.s32 $0xE484, v4;
	[tilespmem:s5+$0x3200] =	vst v1  }
0x243: {  	v1 =	vld.idx.msk [tilespmem:v14+s11+$0x0], $0xffff;
	_ =	sdelay $0x2  }
0x244: {  	[tilespmem:s31+$0x3280] =	vst v2  }
0x245: {  	[tilespmem:s0+$0x3280] =	vst v3;
	v2 =	vld.idx.msk [tilespmem:v5+s11+$0x0], $0xffff  }
0x246: {  	v4 =	vadd.s32 $0xEC22, v4;
	v3 =	vld.idx.msk [tilespmem:v15+s11+$0x0], $0xffff;
	[tilespmem:s5+$0x3280] =	vst v1  }
0x247: {  	v1 =	vld.idx.msk [tilespmem:v32+s11+$0x0], $0xffff;
	_ =	sdelay $0x2  }
0x248: {  	[tilespmem:s31+$0x3300] =	vst v2  }
0x249: {  	[tilespmem:s0+$0x3300] =	vst v3;
	v2 =	vld.idx.msk [tilespmem:v4+s11+$0x0], $0xffff  }
0x24a: {  	v3 =	vld.idx.msk [tilespmem:v17+s11+$0x0], $0xffff;
	[tilespmem:s5+$0x3300] =	vst v1  }
0x24b: {  	v1 =	vld.idx.msk [tilespmem:v19+s11+$0x0], $0xffff;
	_ =	sdelay $0x1  }
0x24c: {  	[tilespmem:s30+$0x3380] =	vst v0  }
0x24d: {  	s4 =	sshll.u32 s26, $0x11;
	[tilespmem:s31+$0x3380] =	vst v2  }
0x24e: {  	s12 =	sor.u32 s6, s4;
	[tilespmem:s0+$0x3380] =	vst v3  }
0x24f: {  	s13 =	simm.s32 $0x157C0;
	s1 =	sadd.s32 s2, s12;
	[tilespmem:s5+$0x3380] =	vst v1  }
0x250: {  	[hbm4b:s1+s3] =	stream.linear.scatter [tilespmem:s13], [sflag:$0x1], $0x1000, $0x38;
	[tilespmem:$0x1D7C0] =	vst v63  }
0x251: {  	s21 =	simm.s32 $0x167C0;
	s14 =	sadd.s32 s12, s7  }
0x252: {  	[hbm4b:s14+s3] =	stream.linear.scatter [tilespmem:s21], [sflag:$0x1], $0x1000, $0x38;
	[tilespmem:$0x1D7C0] =	vst v63  }
0x253: {  	s22 =	sadd.s32 s12, s8  }
0x254: {  	[hbm4b:s22+s3] =	stream.linear.scatter [tilespmem:s15], [sflag:$0x1], $0x1000, $0x38;
	[tilespmem:$0x1D7C0] =	vst v63  }
0x255: {  	s23 =	sadd.s32 $0xFFFFFCE0, s25;
	s0 =	sadd.s32 s12, s9  }
0x256: {  	v0 =	vadd.s32 s23, v62;
	[hbm4b:s0+s3] =	stream.linear.scatter [tilespmem:s16], [sflag:$0x1], $0x1000, $0x38;
	[tilespmem:$0x1D7C0] =	vst v63  }
0x257: {  	s0 =	simm.s32 @!p0 $0x2  }
0x258: {  	_ =	swait.ge @!p0 [sflag:s0], $0x4000  }
0x259: {  	[sflag:s0] =	ssyncset.done @!p0 $0x0  }
0x25a: {  	[sflag:s0] =	ssyncadd.s32 @!p0 $0xFFFFC000  }
0x25b: {  	v0 =	vld.idx.msk [tilespmem:v0+s3+$0x0], $0xffff  }
0x25c: {  	s28 =	sor.u32 $0x1, s10  }
0x25d: {  	s4 =	smul.u32 $0x27, s28;
	_ =	sdelay $0x1  }
0x25e: {  	v22 =	vmov s4;
	v1 =	vadd.s32 s25, v62  }
0x25f: {  	v4 =	vadd.s32 v22, v0;
	_ =	sdelay $0x3  }
0x260: {  	v0 =	vld.idx.msk [tilespmem:v1+s3+$0x0], $0xffff  }
0x261: {  	v1 =	vld.idx.msk [tilespmem:v4+s11+$0x0], $0xffff  }
0x262: {  	s5 =	simm.s32 $0x0;
	v2 =	vadd.s32 $0x79E, v4  }
0x263: {  	s10 =	simm.s32 $0x0;
	s0 =	sand.u32 $0xC00, s5  }
0x264: {  	s1 =	sand.u32 $0x60, s10;
	s0 =	sadd.s32 $0x157C0, s0  }
0x265: {  	s5 =	sadd.s32 s1, s0  }
0x266: {  	v5 =	vadd.s32 v22, v0;
	[tilespmem:s5+$0x4000] =	vst v1  }
0x267: {  	v0 =	vld.idx.msk [tilespmem:v2+s11+$0x0], $0xffff  }
0x268: {  	v1 =	vadd.s32 $0xF3C, v4;
	_ =	sdelay $0x2  }
0x269: {  	v2 =	vld.idx.msk [tilespmem:v5+s11+$0x0], $0xffff  }
0x26a: {  	v3 =	vadd.s32 $0x79E, v5;
	[tilespmem:s5+$0x4080] =	vst v0  }
0x26b: {  	s12 =	simm.s32 $0x10;
	v0 =	vld.idx.msk [tilespmem:v1+s11+$0x0], $0xffff  }
0x26c: {  	s1 =	sand.u32 $0x70, s12;
	v1 =	vadd.s32 $0x16DA, v4  }
0x26d: {  	s30 =	sadd.s32 s1, s0  }
0x26e: {  	[tilespmem:s30+$0x4000] =	vst v2  }
0x26f: {  	v2 =	vld.idx.msk [tilespmem:v3+s11+$0x0], $0xffff  }
0x270: {  	v3 =	vadd.s32 $0xF3C, v5;
	[tilespmem:s5+$0x4100] =	vst v0  }
0x271: {  	v0 =	vld.idx.msk [tilespmem:v1+s11+$0x0], $0xffff  }
0x272: {  	v1 =	vadd.s32 $0x1E78, v4;
	_ =	sdelay $0x1  }
0x273: {  	[tilespmem:s30+$0x4080] =	vst v2  }
0x274: {  	v2 =	vld.idx.msk [tilespmem:v3+s11+$0x0], $0xffff  }
0x275: {  	v3 =	vadd.s32 $0x16DA, v5;
	[tilespmem:s5+$0x4180] =	vst v0  }
0x276: {  	v0 =	vld.idx.msk [tilespmem:v1+s11+$0x0], $0xffff  }
0x277: {  	v1 =	vadd.s32 $0x2616, v4;
	_ =	sdelay $0x1  }
0x278: {  	[tilespmem:s30+$0x4100] =	vst v2  }
0x279: {  	v2 =	vld.idx.msk [tilespmem:v3+s11+$0x0], $0xffff  }
0x27a: {  	v3 =	vadd.s32 $0x1E78, v5;
	[tilespmem:s5+$0x4200] =	vst v0  }
0x27b: {  	v0 =	vld.idx.msk [tilespmem:v1+s11+$0x0], $0xffff  }
0x27c: {  	v1 =	vadd.s32 $0x2DB4, v4;
	_ =	sdelay $0x1  }
0x27d: {  	[tilespmem:s30+$0x4180] =	vst v2  }
0x27e: {  	v2 =	vld.idx.msk [tilespmem:v3+s11+$0x0], $0xffff  }
0x27f: {  	v3 =	vadd.s32 $0x2616, v5;
	[tilespmem:s5+$0x4280] =	vst v0  }
0x280: {  	v0 =	vld.idx.msk [tilespmem:v1+s11+$0x0], $0xffff  }
0x281: {  	v1 =	vadd.s32 $0x3552, v4;
	_ =	sdelay $0x1  }
0x282: {  	[tilespmem:s30+$0x4200] =	vst v2  }
0x283: {  	s13 =	sadd.s32 $0x640, s25;
	v2 =	vld.idx.msk [tilespmem:v3+s11+$0x0], $0xffff  }
0x284: {  	s14 =	sadd.s32 $0xFFFFFCE0, s13;
	v3 =	vadd.s32 $0x2DB4, v5;
	[tilespmem:s5+$0x4300] =	vst v0  }
0x285: {  	v0 =	vld.idx.msk [tilespmem:v1+s11+$0x0], $0xffff;
	v1 =	vadd.s32 s14, v62  }
0x286: {  	v6 =	vadd.s32 $0x3CF0, v4  }
0x287: {  	v7 =	vadd.s32 s13, v62  }
0x288: {  	[tilespmem:s30+$0x4280] =	vst v2  }
0x289: {  	v2 =	vld.idx.msk [tilespmem:v3+s11+$0x0], $0xffff  }
0x28a: {  	v3 =	vadd.s32 $0x3552, v5;
	v1 =	vld.idx.msk [tilespmem:v1+s3+$0x0], $0xffff;
	[tilespmem:s5+$0x4380] =	vst v0  }
0x28b: {  	v0 =	vld.idx.msk [tilespmem:v6+s11+$0x0], $0xffff  }
0x28c: {  	v8 =	vadd.s32 $0x448E, v4;
	v6 =	vld.idx.msk [tilespmem:v7+s3+$0x0], $0xffff;
	_ =	sdelay $0x1  }
0x28d: {  	[tilespmem:s30+$0x4300] =	vst v2  }
0x28e: {  	v2 =	vld.idx.msk [tilespmem:v3+s11+$0x0], $0xffff;
	v7 =	vadd.s32 v22, v1  }
0x28f: {  	v1 =	vadd.s32 $0x3CF0, v5;
	[tilespmem:s5+$0x5000] =	vst v0  }
0x290: {  	v6 =	vadd.s32 v22, v6;
	v0 =	vld.idx.msk [tilespmem:v8+s11+$0x0], $0xffff  }
0x291: {  	v3 =	vadd.s32 $0x4C2C, v4;
	_ =	sdelay $0x1  }
0x292: {  	[tilespmem:s30+$0x4380] =	vst v2;
	v2 =	vld.idx.msk [tilespmem:v7+s11+$0x0], $0xffff  }
0x293: {  	s21 =	simm.s32 $0x100;
	v8 =	vadd.s32 $0x79E, v7;
	v1 =	vld.idx.msk [tilespmem:v1+s11+$0x0], $0xffff  }
0x294: {  	s22 =	simm.s32 $0x20;
	s1 =	sand.u32 $0xC00, s21;
	v9 =	vadd.s32 $0x448E, v5;
	v10 =	vld.idx.msk [tilespmem:v6+s11+$0x0], $0xffff;
	[tilespmem:s5+$0x5080] =	vst v0  }
0x295: {  	s4 =	sand.u32 $0x60, s22;
	s1 =	sadd.s32 $0x157C0, s1;
	v0 =	vadd.s32 $0x79E, v6;
	v3 =	vld.idx.msk [tilespmem:v3+s11+$0x0], $0xffff  }
0x296: {  	s23 =	simm.s32 $0x30;
	s21 =	sadd.s32 s4, s1;
	v11 =	vadd.s32 $0x53CA, v4  }
0x297: {  	s12 =	sand.u32 $0x70, s23;
	[tilespmem:s21+$0x4000] =	vst v2  }
0x298: {  	s29 =	sadd.s32 s12, s1;
	[tilespmem:s30+$0x5000] =	vst v1;
	v1 =	vld.idx.msk [tilespmem:v8+s11+$0x0], $0xffff  }
0x299: {  	v2 =	vld.idx.msk [tilespmem:v9+s11+$0x0], $0xffff;
	[tilespmem:s29+$0x4000] =	vst v10;
	v8 =	vadd.s32 $0xF3C, v7  }
0x29a: {  	v9 =	vadd.s32 $0x4C2C, v5;
	v0 =	vld.idx.msk [tilespmem:v0+s11+$0x0], $0xffff;
	[tilespmem:s5+$0x5100] =	vst v3  }
0x29b: {  	v3 =	vadd.s32 $0xF3C, v6;
	v10 =	vld.idx.msk [tilespmem:v11+s11+$0x0], $0xffff  }
0x29c: {  	v11 =	vadd.s32 $0x5B68, v4  }
0x29d: {  	[tilespmem:s21+$0x4080] =	vst v1  }
0x29e: {  	[tilespmem:s30+$0x5080] =	vst v2;
	v1 =	vld.idx.msk [tilespmem:v8+s11+$0x0], $0xffff  }
0x29f: {  	v2 =	vld.idx.msk [tilespmem:v9+s11+$0x0], $0xffff;
	[tilespmem:s29+$0x4080] =	vst v0;
	v0 =	vadd.s32 $0x16DA, v7  }
0x2a0: {  	v8 =	vadd.s32 $0x53CA, v5;
	v3 =	vld.idx.msk [tilespmem:v3+s11+$0x0], $0xffff;
	[tilespmem:s5+$0x5180] =	vst v10  }
0x2a1: {  	v9 =	vadd.s32 $0x16DA, v6;
	v10 =	vld.idx.msk [tilespmem:v11+s11+$0x0], $0xffff  }
0x2a2: {  	v11 =	vadd.s32 $0x6306, v4  }
0x2a3: {  	[tilespmem:s21+$0x4100] =	vst v1  }
0x2a4: {  	[tilespmem:s30+$0x5100] =	vst v2;
	v0 =	vld.idx.msk [tilespmem:v0+s11+$0x0], $0xffff  }
0x2a5: {  	v2 =	vadd.s32 $0x1E78, v7;
	v1 =	vld.idx.msk [tilespmem:v8+s11+$0x0], $0xffff;
	[tilespmem:s29+$0x4100] =	vst v3  }
0x2a6: {  	v3 =	vadd.s32 $0x5B68, v5;
	v8 =	vld.idx.msk [tilespmem:v9+s11+$0x0], $0xffff;
	[tilespmem:s5+$0x5200] =	vst v10  }
0x2a7: {  	v9 =	vadd.s32 $0x1E78, v6;
	v10 =	vld.idx.msk [tilespmem:v11+s11+$0x0], $0xffff  }
0x2a8: {  	v11 =	vadd.s32 $0x6AA4, v4  }
0x2a9: {  	[tilespmem:s21+$0x4180] =	vst v0  }
0x2aa: {  	[tilespmem:s30+$0x5180] =	vst v1;
	v0 =	vld.idx.msk [tilespmem:v2+s11+$0x0], $0xffff  }
0x2ab: {  	v1 =	vld.idx.msk [tilespmem:v3+s11+$0x0], $0xffff;
	[tilespmem:s29+$0x4180] =	vst v8;
	v2 =	vadd.s32 $0x2616, v7  }
0x2ac: {  	v3 =	vadd.s32 $0x6306, v5;
	v8 =	vld.idx.msk [tilespmem:v9+s11+$0x0], $0xffff;
	[tilespmem:s5+$0x5280] =	vst v10  }
0x2ad: {  	v9 =	vadd.s32 $0x2616, v6;
	v10 =	vld.idx.msk [tilespmem:v11+s11+$0x0], $0xffff  }
0x2ae: {  	v11 =	vadd.s32 $0x7242, v4  }
0x2af: {  	[tilespmem:s21+$0x4200] =	vst v0  }
0x2b0: {  	[tilespmem:s30+$0x5200] =	vst v1;
	v0 =	vld.idx.msk [tilespmem:v2+s11+$0x0], $0xffff  }
0x2b1: {  	v1 =	vld.idx.msk [tilespmem:v3+s11+$0x0], $0xffff;
	[tilespmem:s29+$0x4200] =	vst v8;
	v2 =	vadd.s32 $0x2DB4, v7  }
0x2b2: {  	v3 =	vadd.s32 $0x6AA4, v5;
	v8 =	vld.idx.msk [tilespmem:v9+s11+$0x0], $0xffff;
	[tilespmem:s5+$0x5300] =	vst v10  }
0x2b3: {  	v9 =	vadd.s32 $0x2DB4, v6;
	v10 =	vld.idx.msk [tilespmem:v11+s11+$0x0], $0xffff  }
0x2b4: {  	v11 =	vadd.s32 $0x79E0, v4  }
0x2b5: {  	[tilespmem:s21+$0x4280] =	vst v0  }
0x2b6: {  	[tilespmem:s30+$0x5280] =	vst v1;
	v0 =	vld.idx.msk [tilespmem:v2+s11+$0x0], $0xffff  }
0x2b7: {  	v1 =	vld.idx.msk [tilespmem:v3+s11+$0x0], $0xffff;
	[tilespmem:s29+$0x4280] =	vst v8;
	v2 =	vadd.s32 $0x3552, v7  }
0x2b8: {  	v3 =	vadd.s32 $0x7242, v5;
	v8 =	vld.idx.msk [tilespmem:v9+s11+$0x0], $0xffff;
	[tilespmem:s5+$0x5380] =	vst v10  }
0x2b9: {  	s0 =	sadd.s32 $0x640, s13;
	v9 =	vadd.s32 $0x3552, v6;
	v10 =	vld.idx.msk [tilespmem:v11+s11+$0x0], $0xffff  }
0x2ba: {  	s13 =	sadd.s32 $0xFFFFFCE0, s0;
	v11 =	vadd.s32 $0x817E, v4  }
0x2bb: {  	[tilespmem:s21+$0x4300] =	vst v0;
	v0 =	vadd.s32 s13, v62  }
0x2bc: {  	[tilespmem:s30+$0x5300] =	vst v1;
	v1 =	vadd.s32 s0, v62;
	v2 =	vld.idx.msk [tilespmem:v2+s11+$0x0], $0xffff  }
0x2bd: {  	v3 =	vld.idx.msk [tilespmem:v3+s11+$0x0], $0xffff;
	[tilespmem:s29+$0x4300] =	vst v8;
	v8 =	vadd.s32 $0x3CF0, v7  }
0x2be: {  	v12 =	vadd.s32 $0x79E0, v5;
	v9 =	vld.idx.msk [tilespmem:v9+s11+$0x0], $0xffff;
	[tilespmem:s5+$0x6000] =	vst v10  }
0x2bf: {  	v10 =	vld.idx.msk [tilespmem:v11+s11+$0x0], $0xffff  }
0x2c0: {  	v11 =	vadd.s32 $0x891C, v4;
	v0 =	vld.idx.msk [tilespmem:v0+s3+$0x0], $0xffff  }
0x2c1: {  	v13 =	vld.idx.msk [tilespmem:v1+s3+$0x0], $0xffff;
	[tilespmem:s21+$0x4380] =	vst v2  }
0x2c2: {  	v2 =	vadd.s32 $0x3CF0, v6;
	[tilespmem:s30+$0x5380] =	vst v3;
	v3 =	vld.idx.msk [tilespmem:v8+s11+$0x0], $0xffff  }
0x2c3: {  	v8 =	vld.idx.msk [tilespmem:v12+s11+$0x0], $0xffff;
	v12 =	vadd.s32 $0x448E, v7  }
0x2c4: {  	v14 =	vadd.s32 $0x817E, v5;
	[tilespmem:s5+$0x6080] =	vst v10  }
0x2c5: {  	v10 =	vld.idx.msk [tilespmem:v11+s11+$0x0], $0xffff;
	v1 =	vadd.s32 v22, v0  }
0x2c6: {  	[tilespmem:s29+$0x4380] =	vst v9;
	v0 =	vadd.s32 $0x90BA, v4  }
0x2c7: {  	v9 =	vadd.s32 v22, v13;
	v2 =	vld.idx.msk [tilespmem:v2+s11+$0x0], $0xffff;
	[tilespmem:s21+$0x5000] =	vst v3  }
0x2c8: {  	v3 =	vadd.s32 $0x448E, v6;
	[tilespmem:s30+$0x6000] =	vst v8;
	v8 =	vld.idx.msk [tilespmem:v12+s11+$0x0], $0xffff  }
0x2c9: {  	v11 =	vld.idx.msk [tilespmem:v14+s11+$0x0], $0xffff;
	v12 =	vadd.s32 $0x4C2C, v7  }
0x2ca: {  	v13 =	vadd.s32 $0x891C, v5;
	v14 =	vld.idx.msk [tilespmem:v1+s11+$0x0], $0xffff;
	[tilespmem:s5+$0x6100] =	vst v10  }
0x2cb: {  	s14 =	simm.s32 $0x200;
	v10 =	vadd.s32 $0x79E, v1;
	v0 =	vld.idx.msk [tilespmem:v0+s11+$0x0], $0xffff  }
0x2cc: {  	s22 =	simm.s32 $0x40;
	v15 =	vadd.s32 $0x9858, v4;
	s1 =	sand.u32 $0xC00, s14;
	[tilespmem:s29+$0x5000] =	vst v2;
	v2 =	vld.idx.msk [tilespmem:v9+s11+$0x0], $0xffff  }
0x2cd: {  	s4 =	sand.u32 $0x60, s22;
	s23 =	sadd.s32 $0x157C0, s1;
	v16 =	vadd.s32 $0x79E, v9;
	v3 =	vld.idx.msk [tilespmem:v3+s11+$0x0], $0xffff;
	[tilespmem:s21+$0x5080] =	vst v8  }
0x2ce: {  	s12 =	simm.s32 $0x50;
	s1 =	sadd.s32 s4, s23;
	v8 =	vadd.s32 $0x4C2C, v6;
	[tilespmem:s30+$0x6080] =	vst v11;
	v11 =	vld.idx.msk [tilespmem:v12+s11+$0x0], $0xffff  }
0x2cf: {  	s12 =	sand.u32 $0x70, s12;
	v12 =	vld.idx.msk [tilespmem:v13+s11+$0x0], $0xffff;
	v13 =	vadd.s32 $0x53CA, v7;
	[tilespmem:s1+$0x4000] =	vst v14  }
0x2d0: {  	s31 =	sadd.s32 s12, s23;
	v14 =	vadd.s32 $0x90BA, v5;
	v10 =	vld.idx.msk [tilespmem:v10+s11+$0x0], $0xffff;
	[tilespmem:s5+$0x6180] =	vst v0  }
0x2d1: {  	[tilespmem:s31+$0x4000] =	vst v2;
	v2 =	vadd.s32 $0xF3C, v1;
	v0 =	vld.idx.msk [tilespmem:v15+s11+$0x0], $0xffff  }
0x2d2: {  	v15 =	vld.idx.msk [tilespmem:v16+s11+$0x0], $0xffff;
	[tilespmem:s29+$0x5080] =	vst v3;
	v3 =	vadd.s32 $0x9FF6, v4  }
0x2d3: {  	v16 =	vadd.s32 $0xF3C, v9;
	v8 =	vld.idx.msk [tilespmem:v8+s11+$0x0], $0xffff;
	[tilespmem:s21+$0x5100] =	vst v11  }
0x2d4: {  	v11 =	vadd.s32 $0x53CA, v6;
	[tilespmem:s30+$0x6100] =	vst v12;
	v13 =	vld.idx.msk [tilespmem:v13+s11+$0x0], $0xffff  }
0x2d5: {  	v12 =	vld.idx.msk [tilespmem:v14+s11+$0x0], $0xffff;
	[tilespmem:s1+$0x4080] =	vst v10;
	v10 =	vadd.s32 $0x5B68, v7  }
0x2d6: {  	v14 =	vadd.s32 $0x9858, v5;
	v2 =	vld.idx.msk [tilespmem:v2+s11+$0x0], $0xffff;
	[tilespmem:s5+$0x6200] =	vst v0  }
0x2d7: {  	[tilespmem:s31+$0x4080] =	vst v15;
	v0 =	vld.idx.msk [tilespmem:v3+s11+$0x0], $0xffff;
	v3 =	vadd.s32 $0x16DA, v1  }
0x2d8: {  	v15 =	vld.idx.msk [tilespmem:v16+s11+$0x0], $0xffff;
	[tilespmem:s29+$0x5100] =	vst v8;
	v8 =	vadd.s32 $0xA794, v4  }
0x2d9: {  	v16 =	vadd.s32 $0x16DA, v9;
	v11 =	vld.idx.msk [tilespmem:v11+s11+$0x0], $0xffff;
	[tilespmem:s21+$0x5180] =	vst v13  }
0x2da: {  	v13 =	vadd.s32 $0x5B68, v6;
	[tilespmem:s30+$0x6180] =	vst v12;
	v10 =	vld.idx.msk [tilespmem:v10+s11+$0x0], $0xffff  }
0x2db: {  	v12 =	vld.idx.msk [tilespmem:v14+s11+$0x0], $0xffff;
	[tilespmem:s1+$0x4100] =	vst v2;
	v2 =	vadd.s32 $0x6306, v7  }
0x2dc: {  	v14 =	vadd.s32 $0x9FF6, v5;
	v3 =	vld.idx.msk [tilespmem:v3+s11+$0x0], $0xffff;
	[tilespmem:s5+$0x6280] =	vst v0  }
0x2dd: {  	[tilespmem:s31+$0x4100] =	vst v15;
	v0 =	vld.idx.msk [tilespmem:v8+s11+$0x0], $0xffff;
	v8 =	vadd.s32 $0x1E78, v1  }
0x2de: {  	v15 =	vld.idx.msk [tilespmem:v16+s11+$0x0], $0xffff;
	[tilespmem:s29+$0x5180] =	vst v11;
	v11 =	vadd.s32 $0xAF32, v4  }
0x2df: {  	v16 =	vadd.s32 $0x1E78, v9;
	[tilespmem:s21+$0x5200] =	vst v10;
	v10 =	vld.idx.msk [tilespmem:v13+s11+$0x0], $0xffff  }
0x2e0: {  	v13 =	vadd.s32 $0x6306, v6;
	[tilespmem:s30+$0x6200] =	vst v12;
	v2 =	vld.idx.msk [tilespmem:v2+s11+$0x0], $0xffff  }
0x2e1: {  	v12 =	vld.idx.msk [tilespmem:v14+s11+$0x0], $0xffff;
	[tilespmem:s1+$0x4180] =	vst v3;
	v3 =	vadd.s32 $0x6AA4, v7  }
0x2e2: {  	v14 =	vadd.s32 $0xA794, v5;
	v8 =	vld.idx.msk [tilespmem:v8+s11+$0x0], $0xffff;
	[tilespmem:s5+$0x6300] =	vst v0  }
0x2e3: {  	[tilespmem:s31+$0x4180] =	vst v15;
	v0 =	vld.idx.msk [tilespmem:v11+s11+$0x0], $0xffff;
	v11 =	vadd.s32 $0x2616, v1  }
0x2e4: {  	v15 =	vld.idx.msk [tilespmem:v16+s11+$0x0], $0xffff;
	[tilespmem:s29+$0x5200] =	vst v10;
	v10 =	vadd.s32 $0xB6D0, v4  }
0x2e5: {  	v16 =	vadd.s32 $0x2616, v9;
	[tilespmem:s21+$0x5280] =	vst v2;
	v2 =	vld.idx.msk [tilespmem:v13+s11+$0x0], $0xffff  }
0x2e6: {  	v13 =	vadd.s32 $0x6AA4, v6;
	[tilespmem:s30+$0x6280] =	vst v12;
	v3 =	vld.idx.msk [tilespmem:v3+s11+$0x0], $0xffff  }
0x2e7: {  	v12 =	vld.idx.msk [tilespmem:v14+s11+$0x0], $0xffff;
	[tilespmem:s1+$0x4200] =	vst v8;
	v8 =	vadd.s32 $0x7242, v7  }
0x2e8: {  	v14 =	vadd.s32 $0xAF32, v5;
	v11 =	vld.idx.msk [tilespmem:v11+s11+$0x0], $0xffff;
	[tilespmem:s5+$0x6380] =	vst v0  }
0x2e9: {  	[tilespmem:s31+$0x4200] =	vst v15;
	v0 =	vld.idx.msk [tilespmem:v10+s11+$0x0], $0xffff;
	v10 =	vadd.s32 $0x2DB4, v1  }
0x2ea: {  	v15 =	vld.idx.msk [tilespmem:v16+s11+$0x0], $0xffff;
	[tilespmem:s29+$0x5280] =	vst v2;
	v2 =	vadd.s32 $0xBE6E, v4  }
0x2eb: {  	v16 =	vadd.s32 $0x2DB4, v9;
	[tilespmem:s21+$0x5300] =	vst v3;
	v3 =	vld.idx.msk [tilespmem:v13+s11+$0x0], $0xffff  }
0x2ec: {  	v13 =	vadd.s32 $0x7242, v6;
	[tilespmem:s30+$0x6300] =	vst v12;
	v8 =	vld.idx.msk [tilespmem:v8+s11+$0x0], $0xffff  }
0x2ed: {  	v12 =	vld.idx.msk [tilespmem:v14+s11+$0x0], $0xffff;
	[tilespmem:s1+$0x4280] =	vst v11;
	v11 =	vadd.s32 $0x79E0, v7  }
0x2ee: {  	v14 =	vadd.s32 $0xB6D0, v5;
	v10 =	vld.idx.msk [tilespmem:v10+s11+$0x0], $0xffff;
	[tilespmem:s5+$0x7000] =	vst v0  }
0x2ef: {  	[tilespmem:s31+$0x4280] =	vst v15;
	v0 =	vld.idx.msk [tilespmem:v2+s11+$0x0], $0xffff;
	v2 =	vadd.s32 $0x3552, v1  }
0x2f0: {  	v15 =	vld.idx.msk [tilespmem:v16+s11+$0x0], $0xffff;
	[tilespmem:s29+$0x5300] =	vst v3;
	v3 =	vadd.s32 $0xC60C, v4  }
0x2f1: {  	v16 =	vadd.s32 $0x3552, v9;
	[tilespmem:s21+$0x5380] =	vst v8;
	v8 =	vld.idx.msk [tilespmem:v13+s11+$0x0], $0xffff  }
0x2f2: {  	s10 =	sadd.s32 $0x640, s0;
	v13 =	vadd.s32 $0x79E0, v6;
	[tilespmem:s30+$0x6380] =	vst v12;
	v11 =	vld.idx.msk [tilespmem:v11+s11+$0x0], $0xffff  }
0x2f3: {  	v12 =	vld.idx.msk [tilespmem:v14+s11+$0x0], $0xffff;
	v14 =	vadd.s32 s10, v62;
	[tilespmem:s1+$0x4300] =	vst v10  }
0x2f4: {  	s0 =	sadd.s32 $0xFFFFFCE0, s10;
	v10 =	vadd.s32 $0x817E, v7;
	v2 =	vld.idx.msk [tilespmem:v2+s11+$0x0], $0xffff;
	[tilespmem:s5+$0x7080] =	vst v0  }
0x2f5: {  	v0 =	vadd.s32 s0, v62;
	[tilespmem:s31+$0x4300] =	vst v15;
	v3 =	vld.idx.msk [tilespmem:v3+s11+$0x0], $0xffff  }
0x2f6: {  	v15 =	vadd.s32 $0x3CF0, v1;
	v16 =	vld.idx.msk [tilespmem:v16+s11+$0x0], $0xffff;
	[tilespmem:s29+$0x5380] =	vst v8  }
0x2f7: {  	[tilespmem:s21+$0x6000] =	vst v11;
	v8 =	vld.idx.msk [tilespmem:v13+s11+$0x0], $0xffff;
	v11 =	vadd.s32 $0xCDAA, v4  }
0x2f8: {  	v13 =	vadd.s32 $0x3CF0, v9;
	v14 =	vld.idx.msk [tilespmem:v14+s3+$0x0], $0xffff  }
0x2f9: {  	v17 =	vadd.s32 $0x817E, v6;
	v10 =	vld.idx.msk [tilespmem:v10+s11+$0x0], $0xffff  }
0x2fa: {  	v0 =	vld.idx.msk [tilespmem:v0+s3+$0x0], $0xffff;
	[tilespmem:s1+$0x4380] =	vst v2;
	v2 =	vadd.s32 $0x891C, v7  }
0x2fb: {  	v19 =	vadd.s32 $0xBE6E, v5;
	v15 =	vld.idx.msk [tilespmem:v15+s11+$0x0], $0xffff;
	[tilespmem:s5+$0x7100] =	vst v3  }
0x2fc: {  	[tilespmem:s31+$0x4380] =	vst v16;
	v16 =	vadd.s32 $0x448E, v1;
	v11 =	vld.idx.msk [tilespmem:v11+s11+$0x0], $0xffff  }
0x2fd: {  	v13 =	vld.idx.msk [tilespmem:v13+s11+$0x0], $0xffff;
	[tilespmem:s29+$0x6000] =	vst v8;
	v18 =	vadd.s32 v22, v14  }
0x2fe: {  	v8 =	vadd.s32 $0xD548, v4;
	[tilespmem:s21+$0x6080] =	vst v10;
	v10 =	vld.idx.msk [tilespmem:v17+s11+$0x0], $0xffff  }
0x2ff: {  	[tilespmem:s30+$0x7000] =	vst v12;
	v14 =	vadd.s32 $0x448E, v9;
	v2 =	vld.idx.msk [tilespmem:v2+s11+$0x0], $0xffff  }
0x300: {  	v3 =	vadd.s32 v22, v0;
	v0 =	vld.idx.msk [tilespmem:v19+s11+$0x0], $0xffff;
	[tilespmem:s1+$0x5000] =	vst v15  }
0x301: {  	v12 =	vadd.s32 $0x90BA, v7;
	v15 =	vld.idx.msk [tilespmem:v16+s11+$0x0], $0xffff  }
0x302: {  	[tilespmem:s5+$0x7180] =	vst v11;
	v11 =	vadd.s32 $0x891C, v6;
	v16 =	vld.idx.msk [tilespmem:v18+s11+$0x0], $0xffff  }
0x303: {  	v17 =	vadd.s32 $0x4C2C, v1;
	[tilespmem:s31+$0x5000] =	vst v13;
	v8 =	vld.idx.msk [tilespmem:v8+s11+$0x0], $0xffff  }
0x304: {  	v13 =	vld.idx.msk [tilespmem:v14+s11+$0x0], $0xffff;
	[tilespmem:s21+$0x6100] =	vst v2;
	v2 =	vadd.s32 $0xDCE6, v4  }
0x305: {  	v20 =	vadd.s32 $0xC60C, v5;
	v19 =	vld.idx.msk [tilespmem:v3+s11+$0x0], $0xffff  }
0x306: {  	s13 =	simm.s32 $0x300;
	[tilespmem:s29+$0x6080] =	vst v10;
	v10 =	vadd.s32 $0x79E, v3;
	v12 =	vld.idx.msk [tilespmem:v12+s11+$0x0], $0xffff  }
0x307: {  	s14 =	simm.s32 $0x60;
	s0 =	sand.u32 $0xC00, s13;
	v14 =	vadd.s32 $0x9858, v7;
	[tilespmem:s1+$0x5080] =	vst v15;
	v11 =	vld.idx.msk [tilespmem:v11+s11+$0x0], $0xffff  }
0x308: {  	s4 =	sand.u32 $0x60, s14;
	s22 =	sadd.s32 $0x157C0, s0;
	v15 =	vadd.s32 $0x79E, v18;
	v17 =	vld.idx.msk [tilespmem:v17+s11+$0x0], $0xffff;
	[tilespmem:s5+$0x7200] =	vst v8  }
0x309: {  	s13 =	simm.s32 $0x70;
	s0 =	sadd.s32 s4, s22;
	[tilespmem:s30+$0x7080] =	vst v0;
	v8 =	vadd.s32 $0x4C2C, v9;
	v0 =	vld.idx.msk [tilespmem:v2+s11+$0x0], $0xffff  }
0x30a: {  	s23 =	sand.u32 $0x70, s13;
	[tilespmem:s0+$0x4000] =	vst v19;
	v2 =	vadd.s32 $0x53CA, v1;
	v19 =	vld.idx.msk [tilespmem:v20+s11+$0x0], $0xffff  }
0x30b: {  	s4 =	sadd.s32 s23, s22;
	v10 =	vld.idx.msk [tilespmem:v10+s11+$0x0], $0xffff;
	[tilespmem:s21+$0x6180] =	vst v12;
	v12 =	vadd.s32 $0xE484, v4  }
0x30c: {  	[tilespmem:s4+$0x4000] =	vst v16;
	v20 =	vadd.s32 $0x90BA, v6;
	v14 =	vld.idx.msk [tilespmem:v14+s11+$0x0], $0xffff  }
0x30d: {  	v16 =	vadd.s32 $0xF3C, v3;
	[tilespmem:s31+$0x5080] =	vst v13;
	v15 =	vld.idx.msk [tilespmem:v15+s11+$0x0], $0xffff  }
0x30e: {  	v13 =	vadd.s32 $0x9FF6, v7;
	[tilespmem:s1+$0x5100] =	vst v17;
	v8 =	vld.idx.msk [tilespmem:v8+s11+$0x0], $0xffff  }
0x30f: {  	v17 =	vadd.s32 $0xF3C, v18;
	v2 =	vld.idx.msk [tilespmem:v2+s11+$0x0], $0xffff;
	[tilespmem:s5+$0x7280] =	vst v0  }
0x310: {  	[tilespmem:s29+$0x6100] =	vst v11;
	v0 =	vadd.s32 $0x53CA, v9;
	v11 =	vld.idx.msk [tilespmem:v12+s11+$0x0], $0xffff  }
0x311: {  	[tilespmem:s0+$0x4080] =	vst v10;
	v10 =	vadd.s32 $0x5B68, v1;
	v12 =	vld.idx.msk [tilespmem:v20+s11+$0x0], $0xffff  }
0x312: {  	v4 =	vadd.s32 $0xEC22, v4;
	v16 =	vld.idx.msk [tilespmem:v16+s11+$0x0], $0xffff;
	[tilespmem:s21+$0x6200] =	vst v14  }
0x313: {  	v14 =	vadd.s32 $0x9858, v6;
	[tilespmem:s4+$0x4080] =	vst v15;
	v13 =	vld.idx.msk [tilespmem:v13+s11+$0x0], $0xffff  }
0x314: {  	v15 =	vadd.s32 $0x16DA, v3;
	v17 =	vld.idx.msk [tilespmem:v17+s11+$0x0], $0xffff;
	[tilespmem:s31+$0x5100] =	vst v8  }
0x315: {  	v8 =	vadd.s32 $0xA794, v7;
	[tilespmem:s1+$0x5180] =	vst v2;
	v2 =	vld.idx.msk [tilespmem:v0+s11+$0x0], $0xffff  }
0x316: {  	v20 =	vadd.s32 $0x16DA, v18;
	v10 =	vld.idx.msk [tilespmem:v10+s11+$0x0], $0xffff;
	[tilespmem:s5+$0x7300] =	vst v11  }
0x317: {  	v11 =	vadd.s32 $0x5B68, v9;
	[tilespmem:s29+$0x6180] =	vst v12;
	v0 =	vld.idx.msk [tilespmem:v4+s11+$0x0], $0xffff  }
0x318: {  	[tilespmem:s0+$0x4100] =	vst v16;
	v4 =	vadd.s32 $0x6306, v1;
	v12 =	vld.idx.msk [tilespmem:v14+s11+$0x0], $0xffff  }
0x319: {  	v14 =	vadd.s32 $0x9FF6, v6;
	v15 =	vld.idx.msk [tilespmem:v15+s11+$0x0], $0xffff;
	[tilespmem:s21+$0x6280] =	vst v13  }
0x31a: {  	[tilespmem:s4+$0x4100] =	vst v17;
	v13 =	vadd.s32 $0x1E78, v3;
	v8 =	vld.idx.msk [tilespmem:v8+s11+$0x0], $0xffff  }
0x31b: {  	v16 =	vld.idx.msk [tilespmem:v20+s11+$0x0], $0xffff;
	[tilespmem:s31+$0x5180] =	vst v2;
	v2 =	vadd.s32 $0xAF32, v7  }
0x31c: {  	v17 =	vadd.s32 $0x1E78, v18;
	[tilespmem:s1+$0x5200] =	vst v10;
	v10 =	vld.idx.msk [tilespmem:v11+s11+$0x0], $0xffff  }
0x31d: {  	v11 =	vadd.s32 $0x6306, v9;
	v4 =	vld.idx.msk [tilespmem:v4+s11+$0x0], $0xffff;
	[tilespmem:s29+$0x6200] =	vst v12  }
0x31e: {  	v12 =	vadd.s32 $0x6AA4, v1;
	[tilespmem:s0+$0x4180] =	vst v15;
	v14 =	vld.idx.msk [tilespmem:v14+s11+$0x0], $0xffff  }
0x31f: {  	v15 =	vadd.s32 $0xCDAA, v5;
	v13 =	vld.idx.msk [tilespmem:v13+s11+$0x0], $0xffff;
	[tilespmem:s21+$0x6300] =	vst v8  }
0x320: {  	v8 =	vadd.s32 $0xA794, v6;
	[tilespmem:s4+$0x4180] =	vst v16;
	v2 =	vld.idx.msk [tilespmem:v2+s11+$0x0], $0xffff  }
0x321: {  	v16 =	vadd.s32 $0x2616, v3;
	v17 =	vld.idx.msk [tilespmem:v17+s11+$0x0], $0xffff;
	[tilespmem:s31+$0x5200] =	vst v10  }
0x322: {  	v10 =	vadd.s32 $0xB6D0, v7;
	[tilespmem:s1+$0x5280] =	vst v4;
	v4 =	vld.idx.msk [tilespmem:v11+s11+$0x0], $0xffff  }
0x323: {  	[tilespmem:s30+$0x7100] =	vst v19;
	v11 =	vadd.s32 $0x2616, v18;
	v12 =	vld.idx.msk [tilespmem:v12+s11+$0x0], $0xffff  }
0x324: {  	v19 =	vadd.s32 $0x6AA4, v9;
	[tilespmem:s29+$0x6280] =	vst v14;
	v14 =	vld.idx.msk [tilespmem:v15+s11+$0x0], $0xffff  }
0x325: {  	[tilespmem:s0+$0x4200] =	vst v13;
	v13 =	vadd.s32 $0x7242, v1;
	v8 =	vld.idx.msk [tilespmem:v8+s11+$0x0], $0xffff  }
0x326: {  	v15 =	vadd.s32 $0xD548, v5;
	v16 =	vld.idx.msk [tilespmem:v16+s11+$0x0], $0xffff;
	[tilespmem:s21+$0x6380] =	vst v2  }
0x327: {  	v2 =	vadd.s32 $0xAF32, v6;
	[tilespmem:s4+$0x4200] =	vst v17;
	v10 =	vld.idx.msk [tilespmem:v10+s11+$0x0], $0xffff  }
0x328: {  	v17 =	vadd.s32 $0x2DB4, v3;
	v11 =	vld.idx.msk [tilespmem:v11+s11+$0x0], $0xffff;
	[tilespmem:s31+$0x5280] =	vst v4  }
0x329: {  	[tilespmem:s1+$0x5300] =	vst v12;
	v4 =	vld.idx.msk [tilespmem:v19+s11+$0x0], $0xffff;
	v12 =	vadd.s32 $0xBE6E, v7  }
0x32a: {  	v19 =	vadd.s32 $0x2DB4, v18;
	[tilespmem:s30+$0x7180] =	vst v14;
	v13 =	vld.idx.msk [tilespmem:v13+s11+$0x0], $0xffff  }
0x32b: {  	v14 =	vadd.s32 $0x7242, v9;
	[tilespmem:s29+$0x6300] =	vst v8;
	v8 =	vld.idx.msk [tilespmem:v15+s11+$0x0], $0xffff  }
0x32c: {  	v15 =	vadd.s32 $0x79E0, v1;
	[tilespmem:s0+$0x4280] =	vst v16;
	v2 =	vld.idx.msk [tilespmem:v2+s11+$0x0], $0xffff  }
0x32d: {  	v16 =	vadd.s32 $0xDCE6, v5;
	v17 =	vld.idx.msk [tilespmem:v17+s11+$0x0], $0xffff;
	[tilespmem:s21+$0x7000] =	vst v10  }
0x32e: {  	v10 =	vadd.s32 $0xB6D0, v6;
	[tilespmem:s4+$0x4280] =	vst v11;
	v11 =	vld.idx.msk [tilespmem:v12+s11+$0x0], $0xffff  }
0x32f: {  	v12 =	vadd.s32 $0x3552, v3;
	v19 =	vld.idx.msk [tilespmem:v19+s11+$0x0], $0xffff;
	[tilespmem:s31+$0x5300] =	vst v4  }
0x330: {  	[tilespmem:s1+$0x5380] =	vst v13;
	v4 =	vld.idx.msk [tilespmem:v14+s11+$0x0], $0xffff;
	v13 =	vadd.s32 $0xC60C, v7  }
0x331: {  	v14 =	vadd.s32 $0x3552, v18;
	[tilespmem:s30+$0x7200] =	vst v8;
	v15 =	vld.idx.msk [tilespmem:v15+s11+$0x0], $0xffff  }
0x332: {  	v8 =	vadd.s32 $0x79E0, v9;
	[tilespmem:s29+$0x6380] =	vst v2;
	v2 =	vld.idx.msk [tilespmem:v16+s11+$0x0], $0xffff  }
0x333: {  	s23 =	sadd.s32 $0x640, s10;
	v16 =	vadd.s32 $0x817E, v1;
	[tilespmem:s0+$0x4300] =	vst v17;
	v10 =	vld.idx.msk [tilespmem:v10+s11+$0x0], $0xffff  }
0x334: {  	s10 =	sadd.s32 $0xFFFFFCE0, s23;
	v17 =	vadd.s32 s23, v62;
	v12 =	vld.idx.msk [tilespmem:v12+s11+$0x0], $0xffff;
	[tilespmem:s21+$0x7080] =	vst v11  }
0x335: {  	v11 =	vadd.s32 s10, v62;
	[tilespmem:s4+$0x4300] =	vst v19;
	v13 =	vld.idx.msk [tilespmem:v13+s11+$0x0], $0xffff  }
0x336: {  	v19 =	vadd.s32 $0x3CF0, v3;
	v14 =	vld.idx.msk [tilespmem:v14+s11+$0x0], $0xffff;
	[tilespmem:s31+$0x5380] =	vst v4  }
0x337: {  	[tilespmem:s1+$0x6000] =	vst v15;
	v4 =	vld.idx.msk [tilespmem:v8+s11+$0x0], $0xffff;
	v8 =	vadd.s32 $0xCDAA, v7  }
0x338: {  	v15 =	vadd.s32 $0x3CF0, v18;
	[tilespmem:s30+$0x7280] =	vst v2;
	v16 =	vld.idx.msk [tilespmem:v16+s11+$0x0], $0xffff  }
0x339: {  	v20 =	vadd.s32 $0x817E, v9;
	v17 =	vld.idx.msk [tilespmem:v17+s3+$0x0], $0xffff;
	[tilespmem:s29+$0x7000] =	vst v10  }
0x33a: {  	v11 =	vld.idx.msk [tilespmem:v11+s3+$0x0], $0xffff;
	[tilespmem:s0+$0x4380] =	vst v12;
	v12 =	vadd.s32 $0x891C, v1  }
0x33b: {  	v21 =	vadd.s32 $0xBE6E, v6;
	v19 =	vld.idx.msk [tilespmem:v19+s11+$0x0], $0xffff;
	[tilespmem:s21+$0x7100] =	vst v13  }
0x33c: {  	v13 =	vadd.s32 $0xE484, v5;
	[tilespmem:s4+$0x4380] =	vst v14;
	v8 =	vld.idx.msk [tilespmem:v8+s11+$0x0], $0xffff  }
0x33d: {  	v14 =	vadd.s32 $0x448E, v3;
	v15 =	vld.idx.msk [tilespmem:v15+s11+$0x0], $0xffff;
	[tilespmem:s31+$0x6000] =	vst v4  }
0x33e: {  	[tilespmem:s1+$0x6080] =	vst v16;
	v16 =	vld.idx.msk [tilespmem:v20+s11+$0x0], $0xffff;
	v20 =	vadd.s32 $0xD548, v7  }
0x33f: {  	v56 =	vadd.s32 v22, v17;
	v10 =	vld.idx.msk [tilespmem:v12+s11+$0x0], $0xffff;
	[tilespmem:$0x1FDC0] =	vst v22  }
0x340: {  	v4 =	vadd.s32 v22, v11;
	v2 =	vld.idx.msk [tilespmem:v21+s11+$0x0], $0xffff;
	[tilespmem:s0+$0x5000] =	vst v19  }
0x341: {  	v11 =	vadd.s32 $0x90BA, v1;
	v12 =	vld.idx.msk [tilespmem:v13+s11+$0x0], $0xffff;
	[tilespmem:s5+$0x7380] =	vst v0  }
0x342: {  	v13 =	vadd.s32 $0x448E, v18;
	v14 =	vld.idx.msk [tilespmem:v14+s11+$0x0], $0xffff;
	[tilespmem:s21+$0x7180] =	vst v8  }
0x343: {  	v8 =	vadd.s32 $0x891C, v9;
	[tilespmem:s4+$0x5000] =	vst v15;
	v0 =	vld.idx.msk [tilespmem:v20+s11+$0x0], $0xffff  }
0x344: {  	s22 =	simm.s32 $0x400;
	v17 =	vadd.s32 $0x4C2C, v3;
	v15 =	vld.idx.msk [tilespmem:v56+s11+$0x0], $0xffff;
	[tilespmem:s31+$0x6080] =	vst v16  }
0x345: {  	s13 =	simm.s32 $0x80;
	s12 =	sand.u32 $0xC00, s22;
	v16 =	vadd.s32 $0x79E, v56;
	v19 =	vld.idx.msk [tilespmem:v4+s11+$0x0], $0xffff;
	[tilespmem:s1+$0x6100] =	vst v10  }
0x346: {  	s10 =	sand.u32 $0x60, s13;
	s13 =	sadd.s32 $0x157C0, s12;
	s12 =	simm.s32 $0x90;
	v10 =	vadd.s32 $0xDCE6, v7;
	v11 =	vld.idx.msk [tilespmem:v11+s11+$0x0], $0xffff;
	[tilespmem:s29+$0x7080] =	vst v2  }
0x347: {  	s14 =	sand.u32 $0x70, s12;
	v20 =	vadd.s32 $0xC60C, v6;
	v13 =	vld.idx.msk [tilespmem:v13+s11+$0x0], $0xffff;
	[tilespmem:s30+$0x7300] =	vst v12  }
0x348: {  	s5 =	sadd.s32 s10, s13;
	s10 =	sadd.s32 s14, s13;
	v2 =	vadd.s32 $0x79E, v4;
	[tilespmem:s0+$0x5080] =	vst v14;
	v8 =	vld.idx.msk [tilespmem:v8+s11+$0x0], $0xffff  }
0x349: {  	v14 =	vadd.s32 $0x9858, v1;
	v17 =	vld.idx.msk [tilespmem:v17+s11+$0x0], $0xffff;
	[tilespmem:s10+$0x4000] =	vst v15  }
0x34a: {  	[tilespmem:s21+$0x7200] =	vst v0;
	v0 =	vadd.s32 $0x4C2C, v18;
	v16 =	vld.idx.msk [tilespmem:v16+s11+$0x0], $0xffff  }
0x34b: {  	v12 =	vadd.s32 $0x53CA, v3;
	v10 =	vld.idx.msk [tilespmem:v10+s11+$0x0], $0xffff;
	[tilespmem:s5+$0x4000] =	vst v19  }
0x34c: {  	v19 =	vld.idx.msk [tilespmem:v20+s11+$0x0], $0xffff;
	[tilespmem:s1+$0x6180] =	vst v11;
	v11 =	vadd.s32 $0xE484, v7  }
0x34d: {  	v20 =	vadd.s32 $0x90BA, v9;
	v2 =	vld.idx.msk [tilespmem:v2+s11+$0x0], $0xffff;
	[tilespmem:s4+$0x5080] =	vst v13  }
0x34e: {  	v15 =	vadd.s32 $0xF3C, v4;
	v14 =	vld.idx.msk [tilespmem:v14+s11+$0x0], $0xffff;
	[tilespmem:s31+$0x6100] =	vst v8  }
0x34f: {  	v13 =	vadd.s32 $0x9FF6, v1;
	[tilespmem:s0+$0x5100] =	vst v17;
	v0 =	vld.idx.msk [tilespmem:v0+s11+$0x0], $0xffff  }
0x350: {  	v17 =	vadd.s32 $0xF3C, v56;
	v12 =	vld.idx.msk [tilespmem:v12+s11+$0x0], $0xffff;
	[tilespmem:s21+$0x7280] =	vst v10  }
0x351: {  	[tilespmem:s10+$0x4080] =	vst v16;
	v10 =	vadd.s32 $0x53CA, v18;
	v8 =	vld.idx.msk [tilespmem:v11+s11+$0x0], $0xffff  }
0x352: {  	[tilespmem:s5+$0x4080] =	vst v2;
	v2 =	vadd.s32 $0x5B68, v3;
	v11 =	vld.idx.msk [tilespmem:v20+s11+$0x0], $0xffff  }
0x353: {  	v7 =	vadd.s32 $0xEC22, v7;
	v15 =	vld.idx.msk [tilespmem:v15+s11+$0x0], $0xffff;
	[tilespmem:s1+$0x6200] =	vst v14  }
0x354: {  	v14 =	vadd.s32 $0x9858, v9;
	v13 =	vld.idx.msk [tilespmem:v13+s11+$0x0], $0xffff;
	[tilespmem:s4+$0x5100] =	vst v0  }
0x355: {  	v16 =	vadd.s32 $0x16DA, v4;
	v17 =	vld.idx.msk [tilespmem:v17+s11+$0x0], $0xffff;
	[tilespmem:s0+$0x5180] =	vst v12  }
0x356: {  	v0 =	vld.idx.msk [tilespmem:v10+s11+$0x0], $0xffff;
	v10 =	vadd.s32 $0xA794, v1;
	[tilespmem:s21+$0x7300] =	vst v8  }
0x357: {  	v5 =	vadd.s32 $0xEC22, v5;
	v2 =	vld.idx.msk [tilespmem:v2+s11+$0x0], $0xffff;
	[tilespmem:s31+$0x6180] =	vst v11  }
0x358: {  	v12 =	vadd.s32 $0x16DA, v56;
	v7 =	vld.idx.msk [tilespmem:v7+s11+$0x0], $0xffff;
	[tilespmem:s5+$0x4100] =	vst v15  }
0x359: {  	v8 =	vadd.s32 $0x5B68, v18;
	v14 =	vld.idx.msk [tilespmem:v14+s11+$0x0], $0xffff;
	[tilespmem:s1+$0x6280] =	vst v13  }
0x35a: {  	v11 =	vadd.s32 $0x6306, v3;
	v15 =	vld.idx.msk [tilespmem:v16+s11+$0x0], $0xffff;
	[tilespmem:s10+$0x4100] =	vst v17  }
0x35b: {  	v16 =	vadd.s32 $0x9FF6, v9;
	v10 =	vld.idx.msk [tilespmem:v10+s11+$0x0], $0xffff;
	[tilespmem:s4+$0x5180] =	vst v0  }
0x35c: {  	v46 =	vld.idx.msk [tilespmem:v5+s11+$0x0], $0xffff;
	v20 =	vadd.s32 $0x1E78, v4;
	[tilespmem:s0+$0x5200] =	vst v2  }
0x35d: {  	v12 =	vld.idx.msk [tilespmem:v12+s11+$0x0], $0xffff;
	[tilespmem:s21+$0x7380] =	vst v7  }
0x35e: {  	v0 =	vld.idx.msk [tilespmem:v8+s11+$0x0], $0xffff;
	v2 =	vadd.s32 $0xAF32, v1;
	[tilespmem:s31+$0x6200] =	vst v14  }
0x35f: {  	v57 =	vadd.s32 $0xDCE6, v6;
	v27 =	vadd.s32 $0xE484, v6;
	v22 =	vadd.s32 $0x1E78, v56;
	v23 =	vld.idx.msk [tilespmem:v11+s11+$0x0], $0xffff;
	[tilespmem:s5+$0x4180] =	vst v15  }
0x360: {  	v21 =	vadd.s32 $0xD548, v6;
	v7 =	vadd.s32 $0x6306, v18;
	v14 =	vld.idx.msk [tilespmem:v16+s11+$0x0], $0xffff;
	[tilespmem:s1+$0x6300] =	vst v10;
	v10 =	vadd.s32 $0xC60C, v9  }
0x361: {  	v17 =	vadd.s32 $0xEC22, v6;
	v8 =	vadd.s32 $0xCDAA, v6;
	v6 =	vadd.s32 $0x6AA4, v3;
	v16 =	vld.idx.msk [tilespmem:v20+s11+$0x0], $0xffff;
	[tilespmem:$0x1FDD0] =	vst v10  }
0x362: {  	[tilespmem:s10+$0x4180] =	vst v12  }
0x363: {  	v2 =	vld.idx.msk [tilespmem:v2+s11+$0x0], $0xffff;
	[tilespmem:s4+$0x5200] =	vst v0  }
0x364: {  	[tilespmem:s0+$0x5280] =	vst v23;
	v28 =	vld.idx.msk [tilespmem:v22+s11+$0x0], $0xffff  }
0x365: {  	v25 =	vadd.s32 $0xAF32, v9;
	v10 =	vadd.s32 $0x891C, v18;
	[tilespmem:s29+$0x7100] =	vst v19;
	v7 =	vld.idx.msk [tilespmem:v7+s11+$0x0], $0xffff  }
0x366: {  	v59 =	vadd.s32 $0xB6D0, v9;
	v5 =	vadd.s32 $0xA794, v9;
	v6 =	vld.idx.msk [tilespmem:v6+s11+$0x0], $0xffff;
	[tilespmem:$0x1FDE0] =	vst v10;
	v10 =	vadd.s32 $0x90BA, v18  }
0x367: {  	v29 =	vadd.s32 $0xBE6E, v9;
	v26 =	vadd.s32 $0xCDAA, v9;
	v12 =	vadd.s32 $0x2616, v4;
	[tilespmem:$0x1FDF0] =	vst v10  }
0x368: {  	v24 =	vadd.s32 $0xD548, v9;
	v13 =	vadd.s32 $0xE484, v9;
	v10 =	vadd.s32 $0x9858, v18;
	[tilespmem:s31+$0x6280] =	vst v14  }
0x369: {  	v15 =	vadd.s32 $0xDCE6, v9;
	v20 =	vadd.s32 $0xEC22, v9;
	v9 =	vadd.s32 $0xB6D0, v1;
	v8 =	vld.idx.msk [tilespmem:v8+s11+$0x0], $0xffff;
	[tilespmem:$0x1FE00] =	vst v10  }
0x36a: {  	v30 =	vadd.s32 $0x2616, v56;
	[tilespmem:s5+$0x4200] =	vst v16  }
0x36b: {  	v0 =	vadd.s32 $0x6AA4, v18;
	v5 =	vld.idx.msk [tilespmem:v5+s11+$0x0], $0xffff;
	[tilespmem:s1+$0x6380] =	vst v2;
	v2 =	vadd.s32 $0xC60C, v18  }
0x36c: {  	v61 =	vadd.s32 $0x7242, v3;
	v63 =	vld.idx.msk [tilespmem:v12+s11+$0x0], $0xffff;
	[tilespmem:$0x1FE10] =	vst v2  }
0x36d: {  	v39 =	vadd.s32 $0x79E0, v18;
	v37 =	vadd.s32 $0x817E, v18;
	[tilespmem:s10+$0x4200] =	vst v28  }
0x36e: {  	v44 =	vadd.s32 $0x9FF6, v18;
	v34 =	vadd.s32 $0xA794, v18;
	v32 =	vadd.s32 $0xAF32, v18;
	v2 =	vld.idx.msk [tilespmem:v9+s11+$0x0], $0xffff;
	[tilespmem:s4+$0x5280] =	vst v7  }
0x36f: {  	v31 =	vadd.s32 $0xBE6E, v18;
	v11 =	vadd.s32 $0xB6D0, v18;
	v28 =	vadd.s32 $0x2DB4, v4;
	[tilespmem:s0+$0x5300] =	vst v6;
	v30 =	vld.idx.msk [tilespmem:v30+s11+$0x0], $0xffff  }
0x370: {  	v23 =	vadd.s32 $0x7242, v18;
	v19 =	vadd.s32 $0xEC22, v18;
	v22 =	vadd.s32 $0xCDAA, v18;
	v0 =	vld.idx.msk [tilespmem:v0+s11+$0x0], $0xffff;
	[tilespmem:s29+$0x7180] =	vst v8  }
0x371: {  	v14 =	vadd.s32 $0xDCE6, v18;
	v16 =	vadd.s32 $0xD548, v18;
	v12 =	vadd.s32 $0xE484, v18;
	v18 =	vld.idx.msk [tilespmem:v61+s11+$0x0], $0xffff;
	[tilespmem:s31+$0x6300] =	vst v5  }
0x372: {  	v6 =	vadd.s32 $0xBE6E, v1;
	v8 =	vld.idx.msk [tilespmem:v21+s11+$0x0], $0xffff;
	[tilespmem:s5+$0x4280] =	vst v63  }
0x373: {  	v55 =	vadd.s32 $0x3552, v56;
	v7 =	vadd.s32 $0x2DB4, v56;
	v60 =	vld.idx.msk [tilespmem:v25+s11+$0x0], $0xffff;
	[tilespmem:s1+$0x7000] =	vst v2;
	v2 =	vadd.s32 $0x891C, v56  }
0x374: {  	v53 =	vadd.s32 $0x3CF0, v56;
	v51 =	vadd.s32 $0x448E, v56;
	v61 =	vld.idx.msk [tilespmem:v28+s11+$0x0], $0xffff;
	[tilespmem:$0x1FE20] =	vst v2;
	v2 =	vadd.s32 $0x90BA, v56  }
0x375: {  	v50 =	vadd.s32 $0x4C2C, v56;
	v49 =	vadd.s32 $0x53CA, v56;
	v5 =	vadd.s32 $0x79E0, v3;
	[tilespmem:$0x1FE30] =	vst v2  }
0x376: {  	v48 =	vadd.s32 $0x5B68, v56;
	v47 =	vadd.s32 $0x6306, v56;
	v2 =	vadd.s32 $0x9858, v56;
	[tilespmem:s10+$0x4280] =	vst v30  }
0x377: {  	v45 =	vadd.s32 $0x6AA4, v56;
	v41 =	vadd.s32 $0x7242, v56;
	v54 =	vadd.s32 $0x79E0, v56;
	v58 =	vld.idx.msk [tilespmem:v6+s11+$0x0], $0xffff;
	[tilespmem:$0x1FE40] =	vst v2  }
0x378: {  	v52 =	vadd.s32 $0x817E, v56;
	v42 =	vadd.s32 $0x9FF6, v56;
	v35 =	vadd.s32 $0xA794, v56;
	v7 =	vld.idx.msk [tilespmem:v7+s11+$0x0], $0xffff;
	[tilespmem:s4+$0x5300] =	vst v0  }
0x379: {  	v33 =	vadd.s32 $0xAF32, v56;
	v40 =	vadd.s32 $0xBE6E, v56;
	v38 =	vadd.s32 $0xC60C, v56;
	[tilespmem:s0+$0x5380] =	vst v18;
	v2 =	vld.idx.msk [tilespmem:v23+s11+$0x0], $0xffff  }
0x37a: {  	v21 =	vadd.s32 $0xDCE6, v56;
	v25 =	vadd.s32 $0xCDAA, v56;
	v28 =	vadd.s32 $0xE484, v56;
	[tilespmem:s29+$0x7200] =	vst v8;
	v5 =	vld.idx.msk [tilespmem:v5+s11+$0x0], $0xffff  }
0x37b: {  	v30 =	vadd.s32 $0xB6D0, v56;
	v18 =	vadd.s32 $0xEC22, v56;
	[tilespmem:s31+$0x6380] =	vst v60;
	v23 =	vadd.s32 $0xD548, v56;
	v56 =	vld.idx.msk [tilespmem:v57+s11+$0x0], $0xffff  }
0x37c: {  	s23 =	sadd.s32 $0x640, s23;
	s21 =	simm.s32 $0x8;
	v6 =	vadd.s32 $0x817E, v3;
	v8 =	vadd.s32 $0x3552, v4;
	v0 =	vadd.s32 $0xC60C, v1;
	[tilespmem:s5+$0x4300] =	vst v61;
	v57 =	vld.idx.msk [tilespmem:v59+s11+$0x0], $0xffff  }
.LBB2_5:
0x37d: {  	[tilespmem:$0x1FCE0] =	vst v35  }
0x37e: {  	[tilespmem:$0x1FD80] =	vst v21  }
0x37f: {  	[tilespmem:$0x1FD10] =	vst v33  }
0x380: {  	[tilespmem:$0x1FD70] =	vst v14  }
0x381: {  	[tilespmem:$0x1FDA0] =	vst v30  }
0x382: {  	[tilespmem:$0x1FD90] =	vst v11  }
0x383: {  	v8 =	vld.idx.msk [tilespmem:v8+s11+$0x0], $0xffff;
	[tilespmem:s1+$0x7080] =	vst v58  }
0x384: {  	[tilespmem:s10+$0x4300] =	vst v7  }
0x385: {  	s13 =	sadd.s32 $0xFFFFFCE0, s23;
	v55 =	vld.idx.msk [tilespmem:v55+s11+$0x0], $0xffff;
	[tilespmem:s4+$0x5380] =	vst v2;
	v59 =	vadd.s32 s23, v62  }
0x386: {  	v9 =	vmov v54;
	v0 =	vld.idx.msk [tilespmem:v0+s11+$0x0], $0xffff;
	[tilespmem:s0+$0x6000] =	vst v5;
	v63 =	vadd.s32 s13, v62  }
0x387: {  	v7 =	vadd.s32 $0x3CF0, v4;
	v14 =	vmov v40;
	[tilespmem:$0x1FD00] =	vst v9;
	v6 =	vld.idx.msk [tilespmem:v6+s11+$0x0], $0xffff  }
0x388: {  	[tilespmem:$0x1FCC0] =	vst v14;
	v2 =	vld.idx.msk [tilespmem:v39+s11+$0x0], $0xffff  }
0x389: {  	[tilespmem:s29+$0x7280] =	vst v56;
	v56 =	vld [tilespmem:$0x1FE10]  }
0x38a: {  	v5 =	vadd.s32 $0xCDAA, v1;
	v33 =	vld.idx.msk [tilespmem:v59+s3+$0x0], $0xffff;
	[tilespmem:s31+$0x7000] =	vst v57  }
0x38b: {  	v35 =	vld.idx.msk [tilespmem:v63+s3+$0x0], $0xffff;
	[tilespmem:s5+$0x4380] =	vst v8  }
0x38c: {  	[tilespmem:s10+$0x4380] =	vst v55;
	v36 =	vld.idx.msk [tilespmem:v7+s11+$0x0], $0xffff;
	v7 =	vmov v52  }
0x38d: {  	[tilespmem:$0x1FCD0] =	vst v7;
	v7 =	vld [tilespmem:$0x1FDC0]  }
0x38e: {  	v8 =	vadd.s32 $0x891C, v3;
	[tilespmem:s1+$0x7100] =	vst v0;
	v39 =	vld.idx.msk [tilespmem:v53+s11+$0x0], $0xffff  }
0x38f: {  	[tilespmem:s4+$0x6000] =	vst v2;
	v0 =	vld.idx.msk [tilespmem:v5+s11+$0x0], $0xffff  }
0x390: {  	v5 =	vadd.s32 $0x448E, v4;
	v2 =	vld.idx.msk [tilespmem:v37+s11+$0x0], $0xffff;
	[tilespmem:s30+$0x7380] =	vst v46  }
0x391: {  	v58 =	vmovc v34;
	v34 =	vmov v13;
	v13 =	vmov v12;
	[tilespmem:s0+$0x6080] =	vst v6;
	v6 =	vadd.s32 $0xD548, v1;
	v62 =	vld.idx.msk [tilespmem:v29+s11+$0x0], $0xffff  }
0x392: {  	[tilespmem:$0x1FD40] =	vst v13;
	s30 =	smov.u32 s29;
	v63 =	vld.idx.msk [tilespmem:v27+s11+$0x0], $0xffff;
	v9 =	vadd.s32 v7, v33  }
0x393: {  	s29 =	smov.u32 s31;
	s31 =	smov.u32 s4;
	s4 =	smov.u32 s10;
	v8 =	vld.idx.msk [tilespmem:v8+s11+$0x0], $0xffff;
	[tilespmem:s5+$0x5000] =	vst v36;
	v10 =	vadd.s32 v7, v35  }
0x394: {  	v43 =	vadd.s32 $0x90BA, v3;
	v27 =	vld [tilespmem:$0x1FE20];
	[tilespmem:s4+$0x5000] =	vst v39  }
0x395: {  	v5 =	vld.idx.msk [tilespmem:v5+s11+$0x0], $0xffff;
	[tilespmem:s1+$0x7180] =	vst v0;
	v12 =	vadd.s32 $0x2616, v9  }
0x396: {  	v13 =	vld.idx.msk [tilespmem:v6+s11+$0x0], $0xffff;
	[tilespmem:$0x1FCF0] =	vst v12  }
0x397: {  	v14 =	vld.idx.msk [tilespmem:v9+s11+$0x0], $0xffff;
	[tilespmem:s31+$0x6080] =	vst v2  }
0x398: {  	v59 =	vmov v16;
	v16 =	vadd.s32 $0x4C2C, v4;
	v2 =	vld.idx.msk [tilespmem:v10+s11+$0x0], $0xffff;
	[tilespmem:s0+$0x6100] =	vst v8  }
0x399: {  	v36 =	vmov v18;
	v30 =	vadd.s32 $0x448E, v9;
	[tilespmem:s29+$0x7080] =	vst v62;
	v18 =	vld.idx.msk [tilespmem:v43+s11+$0x0], $0xffff  }
0x39a: {  	v0 =	vmovc v28;
	v28 =	vmov v17;
	v17 =	vadd.s32 $0xDCE6, v1;
	v27 =	vmov v27;
	[tilespmem:s5+$0x5080] =	vst v5;
	v5 =	vld [tilespmem:$0x1FDE0]  }
0x39b: {  	s12 =	sadd.s32 $0x20, s12;
	s22 =	sadd.s32 $0x100, s22;
	v33 =	vmovc v32;
	v32 =	vmovc v19;
	v19 =	vadd.s32 $0x79E, v10;
	[tilespmem:$0x1FDE0] =	vst v27;
	v27 =	vld [tilespmem:$0x1FDD0];
	v43 =	vmov v38;
	v38 =	vmov v56  }
0x39c: {  	s13 =	sadd.s32 $0xFFFFFFF0, s12;
	s10 =	sand.u32 $0xC00, s22;
	v21 =	vld.idx.msk [tilespmem:v51+s11+$0x0], $0xffff;
	[tilespmem:s30+$0x7300] =	vst v63;
	v51 =	vmov v30;
	v30 =	vmov v24;
	v24 =	vadd.s32 $0x9858, v3  }
0x39d: {  	s13 =	sand.u32 $0x60, s13;
	s10 =	sadd.s32 $0x157C0, s10;
	v16 =	vld.idx.msk [tilespmem:v16+s11+$0x0], $0xffff;
	[tilespmem:s1+$0x7200] =	vst v13  }
0x39e: {  	s13 =	sadd.s32 s13, s10;
	[tilespmem:$0x1FDD0] =	vst v38;
	v38 =	vmov v43  }
0x39f: {  	v11 =	vadd.s32 $0x79E, v9;
	v17 =	vld.idx.msk [tilespmem:v17+s11+$0x0], $0xffff;
	[tilespmem:s13+$0x4000] =	vst v2  }
0x3a0: {  	v13 =	vadd.s32 $0xC60C, v9;
	v19 =	vld.idx.msk [tilespmem:v19+s11+$0x0], $0xffff;
	[tilespmem:s0+$0x6180] =	vst v18  }
0x3a1: {  	s14 =	sand.u32 $0x70, s12;
	v35 =	vmovc v31;
	v31 =	vmovc v26;
	v26 =	vadd.s32 $0x53CA, v4;
	v12 =	vadd.s32 $0x2DB4, v9;
	[tilespmem:$0x1FE10] =	vst v38;
	v38 =	vmov v13;
	v13 =	vld.idx.msk [tilespmem:v24+s11+$0x0], $0xffff  }
0x3a2: {  	v57 =	vmov v41;
	v41 =	vmov v25;
	s10 =	sadd.s32 s14, s10;
	[tilespmem:$0x1FD30] =	vst v12;
	v18 =	vadd.s32 $0xE484, v1;
	v25 =	vld.idx.msk [tilespmem:v5+s11+$0x0], $0xffff  }
0x3a3: {  	v27 =	vld.idx.msk [tilespmem:v27+s11+$0x0], $0xffff;
	[tilespmem:s10+$0x4000] =	vst v14  }
0x3a4: {  	v11 =	vld.idx.msk [tilespmem:v11+s11+$0x0], $0xffff;
	[tilespmem:s4+$0x5080] =	vst v21  }
0x3a5: {  	v12 =	vadd.s32 $0x4C2C, v9;
	[tilespmem:s5+$0x5100] =	vst v16;
	v16 =	vld.idx.msk [tilespmem:v50+s11+$0x0], $0xffff  }
0x3a6: {  	v50 =	vmov v12;
	v12 =	vld.idx.msk [tilespmem:v26+s11+$0x0], $0xffff;
	[tilespmem:s1+$0x7280] =	vst v17  }
0x3a7: {  	v17 =	vld.idx.msk [tilespmem:v18+s11+$0x0], $0xffff  }
0x3a8: {  	[tilespmem:s13+$0x4080] =	vst v19;
	v19 =	vld [tilespmem:$0x1FDF0]  }
0x3a9: {  	v14 =	vadd.s32 $0xF3C, v10  }
0x3aa: {  	v21 =	vadd.s32 $0x9FF6, v3;
	_ =	sdelay $0x1  }
0x3ab: {  	v7 =	vadd.s32 $0xF3C, v9  }
0x3ac: {  	[tilespmem:$0x1FD60] =	vst v15  }
0x3ad: {  	v18 =	vadd.s32 $0x5B68, v4;
	v14 =	vld.idx.msk [tilespmem:v14+s11+$0x0], $0xffff;
	[tilespmem:s0+$0x6200] =	vst v13  }
0x3ae: {  	[tilespmem:s31+$0x6100] =	vst v25;
	v13 =	vadd.s32 $0xEC22, v1;
	v1 =	vmovc v3;
	v3 =	vmov v4;
	v4 =	vmov v10;
	v10 =	vld.idx.msk [tilespmem:v21+s11+$0x0], $0xffff  }
0x3af: {  	v19 =	vld.idx.msk [tilespmem:v19+s11+$0x0], $0xffff;
	[tilespmem:s10+$0x4080] =	vst v11  }
0x3b0: {  	v7 =	vld.idx.msk [tilespmem:v7+s11+$0x0], $0xffff;
	[tilespmem:s4+$0x5100] =	vst v16  }
0x3b1: {  	v15 =	vadd.s32 $0x53CA, v9;
	[tilespmem:s5+$0x5180] =	vst v12;
	v12 =	vld.idx.msk [tilespmem:v49+s11+$0x0], $0xffff  }
0x3b2: {  	v49 =	vmov v15;
	v15 =	vld.idx.msk [tilespmem:v18+s11+$0x0], $0xffff  }
0x3b3: {  	v8 =	vadd.s32 $0x7242, v9;
	[tilespmem:s1+$0x7300] =	vst v17;
	v17 =	vld [tilespmem:$0x1FE00]  }
0x3b4: {  	[tilespmem:$0x1FD50] =	vst v8;
	v8 =	vadd.s32 $0x891C, v9  }
0x3b5: {  	[tilespmem:$0x1FD20] =	vst v0;
	v5 =	vmov v8;
	v11 =	vadd.s32 $0x16DA, v4  }
0x3b6: {  	[tilespmem:$0x1FE20] =	vst v5  }
0x3b7: {  	v8 =	vadd.s32 $0xB6D0, v9;
	v16 =	vadd.s32 $0xA794, v1;
	[tilespmem:s31+$0x6180] =	vst v19;
	v19 =	vld [tilespmem:$0x1FE40]  }
0x3b8: {  	v46 =	vadd.s32 $0x16DA, v9;
	[tilespmem:$0x1FDB0] =	vst v8  }
0x3b9: {  	v13 =	vld.idx.msk [tilespmem:v13+s11+$0x0], $0xffff;
	[tilespmem:s13+$0x4100] =	vst v14  }
0x3ba: {  	v14 =	vadd.s32 $0x6306, v3;
	v11 =	vld.idx.msk [tilespmem:v11+s11+$0x0], $0xffff;
	[tilespmem:s0+$0x6280] =	vst v10  }
0x3bb: {  	v61 =	vadd.s32 $0x1E78, v9;
	v55 =	vadd.s32 $0x3552, v9;
	v53 =	vadd.s32 $0x3CF0, v9;
	v17 =	vld.idx.msk [tilespmem:v17+s11+$0x0], $0xffff;
	[tilespmem:s10+$0x4100] =	vst v7  }
0x3bc: {  	v6 =	vadd.s32 $0x5B68, v9;
	v0 =	vadd.s32 $0x6306, v9;
	v10 =	vadd.s32 $0x1E78, v4;
	v18 =	vmovc v19;
	v7 =	vld.idx.msk [tilespmem:v16+s11+$0x0], $0xffff;
	[tilespmem:s5+$0x5200] =	vst v15  }
0x3bd: {  	v37 =	vmovc v22;
	v60 =	vadd.s32 $0x6AA4, v9;
	v54 =	vadd.s32 $0x79E0, v9;
	v52 =	vadd.s32 $0x817E, v9;
	v16 =	vld.idx.msk [tilespmem:v46+s11+$0x0], $0xffff;
	[tilespmem:s4+$0x5180] =	vst v12  }
0x3be: {  	v29 =	vmovc v20;
	v39 =	vmovc v23;
	v20 =	vadd.s32 $0x90BA, v9;
	v22 =	vadd.s32 $0x9858, v9;
	v23 =	vadd.s32 $0x9FF6, v9;
	[tilespmem:$0x1FE00] =	vst v18;
	v12 =	vld.idx.msk [tilespmem:v48+s11+$0x0], $0xffff  }
0x3bf: {  	v40 =	vadd.s32 $0xBE6E, v9;
	v62 =	vadd.s32 $0xDCE6, v9;
	v15 =	vadd.s32 $0xAF32, v1;
	v48 =	vmovc v6;
	v6 =	vld.idx.msk [tilespmem:v14+s11+$0x0], $0xffff;
	[tilespmem:s1+$0x7380] =	vst v13;
	s1 =	smov.u32 s0;
	s0 =	smov.u32 s5;
	s5 =	smov.u32 s13;
	v18 =	vmovc v22  }
0x3c0: {  	v63 =	vadd.s32 $0xAF32, v9;
	v56 =	vadd.s32 $0xE484, v9;
	v2 =	vadd.s32 $0xD548, v9;
	v25 =	vld [tilespmem:$0x1FE30];
	[tilespmem:s5+$0x4180] =	vst v11  }
0x3c1: {  	v5 =	vadd.s32 $0xA794, v9;
	v8 =	vadd.s32 $0xCDAA, v9;
	v9 =	vadd.s32 $0xEC22, v9;
	v10 =	vld.idx.msk [tilespmem:v10+s11+$0x0], $0xffff;
	[tilespmem:s31+$0x6200] =	vst v17  }
0x3c2: {  	[tilespmem:$0x1FE40] =	vst v18;
	v18 =	vmov v9;
	v9 =	vadd.s32 $0x6AA4, v3;
	v11 =	vld.idx.msk [tilespmem:v44+s11+$0x0], $0xffff  }
0x3c3: {  	[tilespmem:s1+$0x6300] =	vst v7;
	v46 =	vld.idx.msk [tilespmem:v28+s11+$0x0], $0xffff  }
0x3c4: {  	v13 =	vadd.s32 $0x2616, v4;
	[tilespmem:s10+$0x4180] =	vst v16;
	v7 =	vld.idx.msk [tilespmem:v15+s11+$0x0], $0xffff  }
0x3c5: {  	v14 =	vld.idx.msk [tilespmem:v61+s11+$0x0], $0xffff;
	[tilespmem:s4+$0x5200] =	vst v12;
	v12 =	vadd.s32 $0xB6D0, v1  }
0x3c6: {  	[tilespmem:s0+$0x5280] =	vst v6;
	v6 =	vld.idx.msk [tilespmem:v47+s11+$0x0], $0xffff  }
0x3c7: {  	v47 =	vmov v0;
	v0 =	vld.idx.msk [tilespmem:v9+s11+$0x0], $0xffff;
	[tilespmem:s31+$0x6280] =	vst v11  }
0x3c8: {  	[tilespmem:s5+$0x4200] =	vst v10;
	v11 =	vld [tilespmem:$0x1FCE0]  }
0x3c9: {  	v17 =	vmov v29;
	v29 =	vmov v35;
	v35 =	vmov v5;
	v5 =	vld.idx.msk [tilespmem:v13+s11+$0x0], $0xffff;
	[tilespmem:s1+$0x6380] =	vst v7  }
0x3ca: {  	v7 =	vld.idx.msk [tilespmem:v12+s11+$0x0], $0xffff  }
0x3cb: {  	v12 =	vld [tilespmem:$0x1FCF0]  }
0x3cc: {  	v44 =	vmov v42;
	v42 =	vmov v23;
	v23 =	vmov v2;
	v2 =	vld [tilespmem:$0x1FD10]  }
0x3cd: {  	v24 =	vmov v25;
	v25 =	vmov v8;
	v8 =	vadd.s32 $0x7242, v3  }
0x3ce: {  	[tilespmem:s29+$0x7100] =	vst v27  }
0x3cf: {  	[tilespmem:$0x1FDF0] =	vst v24;
	v9 =	vld.idx.msk [tilespmem:v31+s11+$0x0], $0xffff  }
0x3d0: {  	v27 =	vmov v34;
	v10 =	vld.idx.msk [tilespmem:v58+s11+$0x0], $0xffff;
	[tilespmem:s10+$0x4200] =	vst v14;
	v34 =	vmov v11;
	v11 =	vadd.s32 $0x2DB4, v4  }
0x3d1: {  	v24 =	vmov v20;
	v20 =	vmov v32;
	v32 =	vmov v2;
	v2 =	vld [tilespmem:$0x1FD30];
	[tilespmem:s0+$0x5300] =	vst v0  }
0x3d2: {  	v13 =	vld.idx.msk [tilespmem:v8+s11+$0x0], $0xffff;
	[tilespmem:s5+$0x4280] =	vst v5  }
0x3d3: {  	v12 =	vld.idx.msk [tilespmem:v12+s11+$0x0], $0xffff;
	[tilespmem:s4+$0x5280] =	vst v6;
	v6 =	vadd.s32 $0xBE6E, v1  }
0x3d4: {  	v0 =	vld.idx.msk [tilespmem:v45+s11+$0x0], $0xffff;
	[tilespmem:s29+$0x7180] =	vst v9  }
0x3d5: {  	v11 =	vld.idx.msk [tilespmem:v11+s11+$0x0], $0xffff;
	[tilespmem:s31+$0x6300] =	vst v10  }
0x3d6: {  	v9 =	vld.idx.msk [tilespmem:v30+s11+$0x0], $0xffff  }
0x3d7: {  	[tilespmem:s1+$0x7000] =	vst v7;
	v10 =	vld.idx.msk [tilespmem:v33+s11+$0x0], $0xffff  }
0x3d8: {  	v58 =	vld.idx.msk [tilespmem:v6+s11+$0x0], $0xffff  }
0x3d9: {  	[tilespmem:s10+$0x4280] =	vst v12;
	v6 =	vld [tilespmem:$0x1FD50]  }
0x3da: {  	v7 =	vld.idx.msk [tilespmem:v2+s11+$0x0], $0xffff;
	[tilespmem:s4+$0x5300] =	vst v0  }
0x3db: {  	v2 =	vld.idx.msk [tilespmem:v57+s11+$0x0], $0xffff  }
0x3dc: {  	[tilespmem:s29+$0x7200] =	vst v9;
	v9 =	vld [tilespmem:$0x1FD90];
	_ =	sdelay $0x1  }
0x3dd: {  	v22 =	vmov v41;
	v41 =	vmov v6;
	v6 =	vld [tilespmem:$0x1FD60];
	_ =	sdelay $0x4  }
0x3de: {  	[tilespmem:s31+$0x6380] =	vst v10  }
0x3df: {  	v57 =	vld.idx.msk [tilespmem:v9+s11+$0x0], $0xffff  }
0x3e0: {  	v5 =	vadd.s32 $0x79E0, v3;
	v9 =	vld [tilespmem:$0x1FDA0]  }
0x3e1: {  	v28 =	vmov v56;
	v56 =	vld.idx.msk [tilespmem:v6+s11+$0x0], $0xffff  }
0x3e2: {  	v6 =	vld [tilespmem:$0x1FD70];
	_ =	sdelay $0x1  }
0x3e3: {  	v26 =	vmov v37;
	v37 =	vld [tilespmem:$0x1FCD0];
	[tilespmem:s0+$0x5380] =	vst v13  }
0x3e4: {  	v5 =	vld.idx.msk [tilespmem:v5+s11+$0x0], $0xffff  }
0x3e5: {  	s21 =	sadd.s32 $0x2, s21;
	[tilespmem:s5+$0x4300] =	vst v11;
	v11 =	vmov v9;
	v9 =	vld [tilespmem:$0x1FDB0]  }
0x3e6: {  	p0 =	slt.u32 s21, $0x1E;
	v15 =	vmov v6;
	v6 =	vld [tilespmem:$0x1FD80]  }
.Ltmp1:
0x3e7: {  	v21 =	vmov v62;
	v62 =	vld [tilespmem:$0x1FFF0];
	(pc) =	sbr.rel @p0 .LBB2_5-.Ltmp1, $4  }
0x3e8: {  	v16 =	vmov v39;
	v39 =	vld [tilespmem:$0x1FD00]  }
0x3e9: {  	v31 =	vld [tilespmem:$0x1FCC0]  }
0x3ea: {  	[tilespmem:$0x1FE30] =	vst v24;
	v24 =	vmovc v59;
	v19 =	vmov v36;
	v8 =	vadd.s32 $0x3552, v4;
	v45 =	vmov v60;
	v12 =	vld [tilespmem:$0x1FD20]  }
0x3eb: {  	s23 =	sadd.s32 $0x640, s23;
	v33 =	vmovc v63;
	v13 =	vld [tilespmem:$0x1FD40];
	v0 =	vadd.s32 $0xC60C, v1;
	v30 =	vmovc v9;
	v14 =	vmov v6;
	v6 =	vadd.s32 $0x817E, v3  }
0x3ec: {  	_ =	sdelay $0x3  }
0x3ed: {  	v8 =	vld.idx.msk [tilespmem:v8+s11+$0x0], $0xffff  }
0x3ee: {  	v63 =	vadd.s32 $0x3CF0, v4;
	_ =	sdelay $0x1  }
0x3ef: {  	[tilespmem:s10+$0x4300] =	vst v7  }
0x3f0: {  	v9 =	vld.idx.msk [tilespmem:v55+s11+$0x0], $0xffff  }
0x3f1: {  	[tilespmem:s5+$0x4380] =	vst v8  }
0x3f2: {  	v7 =	vld.idx.msk [tilespmem:v63+s11+$0x0], $0xffff  }
0x3f3: {  	v36 =	vadd.s32 $0x448E, v4;
	_ =	sdelay $0x1  }
0x3f4: {  	[tilespmem:s10+$0x4380] =	vst v9  }
0x3f5: {  	v9 =	vld.idx.msk [tilespmem:v53+s11+$0x0], $0xffff  }
0x3f6: {  	[tilespmem:s5+$0x5000] =	vst v7  }
0x3f7: {  	v7 =	vld.idx.msk [tilespmem:v36+s11+$0x0], $0xffff  }
0x3f8: {  	v43 =	vadd.s32 $0x4C2C, v4;
	_ =	sdelay $0x1  }
0x3f9: {  	[tilespmem:s10+$0x5000] =	vst v9  }
0x3fa: {  	v9 =	vld.idx.msk [tilespmem:v51+s11+$0x0], $0xffff  }
0x3fb: {  	[tilespmem:s5+$0x5080] =	vst v7  }
0x3fc: {  	v7 =	vld.idx.msk [tilespmem:v43+s11+$0x0], $0xffff  }
0x3fd: {  	v53 =	vadd.s32 $0x53CA, v4;
	_ =	sdelay $0x1  }
0x3fe: {  	[tilespmem:s10+$0x5080] =	vst v9  }
0x3ff: {  	v9 =	vld.idx.msk [tilespmem:v50+s11+$0x0], $0xffff  }
0x400: {  	[tilespmem:s5+$0x5100] =	vst v7  }
0x401: {  	v7 =	vld.idx.msk [tilespmem:v53+s11+$0x0], $0xffff  }
0x402: {  	v55 =	vadd.s32 $0x5B68, v4;
	_ =	sdelay $0x1  }
0x403: {  	[tilespmem:s10+$0x5100] =	vst v9  }
0x404: {  	v9 =	vld.idx.msk [tilespmem:v49+s11+$0x0], $0xffff  }
0x405: {  	[tilespmem:s5+$0x5180] =	vst v7  }
0x406: {  	v7 =	vld.idx.msk [tilespmem:v55+s11+$0x0], $0xffff  }
0x407: {  	v59 =	vadd.s32 $0x6306, v4;
	_ =	sdelay $0x1  }
0x408: {  	[tilespmem:s10+$0x5180] =	vst v9  }
0x409: {  	v9 =	vld.idx.msk [tilespmem:v48+s11+$0x0], $0xffff  }
0x40a: {  	[tilespmem:s5+$0x5200] =	vst v7  }
0x40b: {  	v7 =	vld.idx.msk [tilespmem:v59+s11+$0x0], $0xffff  }
0x40c: {  	v60 =	vadd.s32 $0x6AA4, v4;
	_ =	sdelay $0x1  }
0x40d: {  	[tilespmem:s10+$0x5200] =	vst v9  }
0x40e: {  	v9 =	vld.idx.msk [tilespmem:v47+s11+$0x0], $0xffff  }
0x40f: {  	[tilespmem:s5+$0x5280] =	vst v7  }
0x410: {  	v7 =	vld.idx.msk [tilespmem:v60+s11+$0x0], $0xffff  }
0x411: {  	v61 =	vadd.s32 $0x7242, v4;
	_ =	sdelay $0x1  }
0x412: {  	[tilespmem:s10+$0x5280] =	vst v9  }
0x413: {  	v9 =	vld.idx.msk [tilespmem:v45+s11+$0x0], $0xffff  }
0x414: {  	[tilespmem:s5+$0x5300] =	vst v7  }
0x415: {  	v7 =	vld.idx.msk [tilespmem:v61+s11+$0x0], $0xffff  }
0x416: {  	v63 =	vadd.s32 $0x79E0, v4;
	_ =	sdelay $0x1  }
0x417: {  	[tilespmem:s10+$0x5300] =	vst v9  }
0x418: {  	[tilespmem:s4+$0x5380] =	vst v2;
	v9 =	vld.idx.msk [tilespmem:v41+s11+$0x0], $0xffff  }
0x419: {  	v39 =	vld.idx.msk [tilespmem:v39+s11+$0x0], $0xffff;
	[tilespmem:s5+$0x5380] =	vst v7  }
0x41a: {  	v36 =	vld.idx.msk [tilespmem:v63+s11+$0x0], $0xffff  }
0x41b: {  	v41 =	vadd.s32 $0x817E, v4  }
0x41c: {  	[tilespmem:s0+$0x6000] =	vst v5  }
0x41d: {  	v5 =	vld.idx.msk [tilespmem:v6+s11+$0x0], $0xffff;
	[tilespmem:s10+$0x5380] =	vst v9  }
0x41e: {  	[tilespmem:s4+$0x6000] =	vst v39;
	v9 =	vld.idx.msk [tilespmem:v54+s11+$0x0], $0xffff  }
0x41f: {  	v7 =	vld.idx.msk [tilespmem:v37+s11+$0x0], $0xffff;
	[tilespmem:s5+$0x6000] =	vst v36  }
0x420: {  	v2 =	vld.idx.msk [tilespmem:v41+s11+$0x0], $0xffff;
	_ =	sdelay $0x1  }
0x421: {  	[tilespmem:s0+$0x6080] =	vst v5  }
0x422: {  	[tilespmem:s10+$0x6000] =	vst v9  }
0x423: {  	[tilespmem:s4+$0x6080] =	vst v7;
	v9 =	vld.idx.msk [tilespmem:v52+s11+$0x0], $0xffff  }
0x424: {  	[tilespmem:s5+$0x6080] =	vst v2  }
0x425: {  	v7 =	vld [tilespmem:$0x1FDE0]  }
0x426: {  	v43 =	vadd.s32 $0x891C, v3  }
0x427: {  	v45 =	vadd.s32 $0x891C, v4  }
0x428: {  	[tilespmem:s10+$0x6080] =	vst v9  }
0x429: {  	v9 =	vld [tilespmem:$0x1FE20];
	_ =	sdelay $0x1  }
0x42a: {  	v5 =	vld.idx.msk [tilespmem:v43+s11+$0x0], $0xffff  }
0x42b: {  	v2 =	vld.idx.msk [tilespmem:v45+s11+$0x0], $0xffff  }
0x42c: {  	v7 =	vld.idx.msk [tilespmem:v7+s11+$0x0], $0xffff;
	_ =	sdelay $0x2  }
0x42d: {  	[tilespmem:s0+$0x6100] =	vst v5  }
0x42e: {  	[tilespmem:s5+$0x6100] =	vst v2;
	v9 =	vld.idx.msk [tilespmem:v9+s11+$0x0], $0xffff  }
0x42f: {  	[tilespmem:s4+$0x6100] =	vst v7  }
0x430: {  	v7 =	vld [tilespmem:$0x1FDF0]  }
0x431: {  	v47 =	vadd.s32 $0x90BA, v3  }
0x432: {  	v48 =	vadd.s32 $0x90BA, v4  }
0x433: {  	[tilespmem:s10+$0x6100] =	vst v9  }
0x434: {  	v9 =	vld [tilespmem:$0x1FE30];
	_ =	sdelay $0x1  }
0x435: {  	v5 =	vld.idx.msk [tilespmem:v47+s11+$0x0], $0xffff  }
0x436: {  	v2 =	vld.idx.msk [tilespmem:v48+s11+$0x0], $0xffff  }
0x437: {  	v7 =	vld.idx.msk [tilespmem:v7+s11+$0x0], $0xffff;
	_ =	sdelay $0x2  }
0x438: {  	[tilespmem:s0+$0x6180] =	vst v5  }
0x439: {  	[tilespmem:s5+$0x6180] =	vst v2;
	v9 =	vld.idx.msk [tilespmem:v9+s11+$0x0], $0xffff  }
0x43a: {  	[tilespmem:s4+$0x6180] =	vst v7  }
0x43b: {  	v49 =	vadd.s32 $0x9858, v3;
	v7 =	vld [tilespmem:$0x1FE00];
	_ =	sdelay $0x1  }
0x43c: {  	v50 =	vadd.s32 $0x9858, v4  }
0x43d: {  	[tilespmem:s10+$0x6180] =	vst v9  }
0x43e: {  	v9 =	vld [tilespmem:$0x1FE40]  }
0x43f: {  	v5 =	vld.idx.msk [tilespmem:v49+s11+$0x0], $0xffff  }
0x440: {  	v51 =	vadd.s32 $0x9FF6, v3  }
0x441: {  	v2 =	vld.idx.msk [tilespmem:v50+s11+$0x0], $0xffff  }
0x442: {  	v52 =	vadd.s32 $0x9FF6, v4;
	v7 =	vld.idx.msk [tilespmem:v7+s11+$0x0], $0xffff;
	_ =	sdelay $0x1  }
0x443: {  	[tilespmem:s0+$0x6200] =	vst v5  }
0x444: {  	v5 =	vld.idx.msk [tilespmem:v51+s11+$0x0], $0xffff  }
0x445: {  	v53 =	vadd.s32 $0xA794, v3;
	[tilespmem:s5+$0x6200] =	vst v2;
	v9 =	vld.idx.msk [tilespmem:v9+s11+$0x0], $0xffff  }
0x446: {  	v2 =	vld.idx.msk [tilespmem:v52+s11+$0x0], $0xffff;
	[tilespmem:s4+$0x6200] =	vst v7  }
0x447: {  	v54 =	vadd.s32 $0xA794, v4;
	v7 =	vld.idx.msk [tilespmem:v44+s11+$0x0], $0xffff;
	_ =	sdelay $0x1  }
0x448: {  	[tilespmem:s0+$0x6280] =	vst v5  }
0x449: {  	v5 =	vld.idx.msk [tilespmem:v53+s11+$0x0], $0xffff;
	[tilespmem:s10+$0x6200] =	vst v9  }
0x44a: {  	v55 =	vadd.s32 $0xAF32, v3;
	[tilespmem:s5+$0x6280] =	vst v2;
	v9 =	vld.idx.msk [tilespmem:v42+s11+$0x0], $0xffff  }
0x44b: {  	v2 =	vld.idx.msk [tilespmem:v54+s11+$0x0], $0xffff;
	[tilespmem:s4+$0x6280] =	vst v7  }
0x44c: {  	v59 =	vadd.s32 $0xAF32, v4;
	v7 =	vld.idx.msk [tilespmem:v34+s11+$0x0], $0xffff  }
0x44d: {  	[tilespmem:s1+$0x7080] =	vst v58  }
0x44e: {  	[tilespmem:s0+$0x6300] =	vst v5  }
0x44f: {  	v5 =	vld.idx.msk [tilespmem:v55+s11+$0x0], $0xffff;
	[tilespmem:s10+$0x6280] =	vst v9  }
0x450: {  	v60 =	vadd.s32 $0xB6D0, v3;
	[tilespmem:s5+$0x6300] =	vst v2;
	v9 =	vld.idx.msk [tilespmem:v35+s11+$0x0], $0xffff  }
0x451: {  	v2 =	vld.idx.msk [tilespmem:v59+s11+$0x0], $0xffff;
	[tilespmem:s4+$0x6300] =	vst v7  }
0x452: {  	v61 =	vadd.s32 $0xB6D0, v4;
	[tilespmem:s29+$0x7280] =	vst v56;
	v7 =	vld.idx.msk [tilespmem:v32+s11+$0x0], $0xffff  }
0x453: {  	[tilespmem:s31+$0x7000] =	vst v57;
	v0 =	vld.idx.msk [tilespmem:v0+s11+$0x0], $0xffff  }
0x454: {  	v63 =	vadd.s32 $0xCDAA, v1;
	[tilespmem:s0+$0x6380] =	vst v5  }
0x455: {  	v6 =	vld.idx.msk [tilespmem:v60+s11+$0x0], $0xffff;
	[tilespmem:s10+$0x6300] =	vst v9  }
0x456: {  	v10 =	vadd.s32 $0xBE6E, v3;
	[tilespmem:s5+$0x6380] =	vst v2;
	v9 =	vld.idx.msk [tilespmem:v33+s11+$0x0], $0xffff  }
0x457: {  	v2 =	vld.idx.msk [tilespmem:v61+s11+$0x0], $0xffff;
	[tilespmem:s4+$0x6380] =	vst v7  }
0x458: {  	[tilespmem:s1+$0x7100] =	vst v0;
	v32 =	vadd.s32 $0xBE6E, v4;
	v7 =	vld.idx.msk [tilespmem:v11+s11+$0x0], $0xffff  }
0x459: {  	[tilespmem:s30+$0x7380] =	vst v46;
	v5 =	vld.idx.msk [tilespmem:v63+s11+$0x0], $0xffff  }
0x45a: {  	v34 =	vld.idx.msk [tilespmem:v29+s11+$0x0], $0xffff;
	[tilespmem:s0+$0x7000] =	vst v6  }
0x45b: {  	v6 =	vld.idx.msk [tilespmem:v10+s11+$0x0], $0xffff;
	[tilespmem:s10+$0x6380] =	vst v9  }
0x45c: {  	[tilespmem:s5+$0x7000] =	vst v2;
	v33 =	vld.idx.msk [tilespmem:v30+s11+$0x0], $0xffff  }
0x45d: {  	v2 =	vld.idx.msk [tilespmem:v32+s11+$0x0], $0xffff;
	[tilespmem:s4+$0x7000] =	vst v7  }
0x45e: {  	[tilespmem:s1+$0x7180] =	vst v5;
	v7 =	vld.idx.msk [tilespmem:v31+s11+$0x0], $0xffff  }
0x45f: {  	[tilespmem:s31+$0x7080] =	vst v34  }
0x460: {  	[tilespmem:s0+$0x7080] =	vst v6  }
0x461: {  	[tilespmem:s10+$0x7000] =	vst v33  }
0x462: {  	v41 =	vld [tilespmem:$0x1FDD0];
	[tilespmem:s5+$0x7080] =	vst v2  }
0x463: {  	v35 =	vadd.s32 $0xC60C, v3;
	v0 =	vld.idx.msk [tilespmem:v40+s11+$0x0], $0xffff;
	[tilespmem:s4+$0x7080] =	vst v7  }
0x464: {  	v36 =	vadd.s32 $0xC60C, v4;
	v7 =	vld [tilespmem:$0x1FE10];
	_ =	sdelay $0x2  }
0x465: {  	v37 =	vld.idx.msk [tilespmem:v27+s11+$0x0], $0xffff  }
0x466: {  	v39 =	vadd.s32 $0xD548, v1;
	v40 =	vld.idx.msk [tilespmem:v35+s11+$0x0], $0xffff  }
0x467: {  	v42 =	vadd.s32 $0xCDAA, v3;
	v2 =	vld.idx.msk [tilespmem:v36+s11+$0x0], $0xffff;
	[tilespmem:s10+$0x7080] =	vst v0  }
0x468: {  	v43 =	vadd.s32 $0xCDAA, v4;
	v0 =	vld.idx.msk [tilespmem:v38+s11+$0x0], $0xffff  }
0x469: {  	v10 =	vld.idx.msk [tilespmem:v41+s11+$0x0], $0xffff  }
0x46a: {  	[tilespmem:s29+$0x7300] =	vst v37;
	v7 =	vld.idx.msk [tilespmem:v7+s11+$0x0], $0xffff  }
0x46b: {  	v44 =	vld.idx.msk [tilespmem:v39+s11+$0x0], $0xffff;
	[tilespmem:s0+$0x7100] =	vst v40  }
0x46c: {  	v45 =	vadd.s32 $0xDCE6, v1;
	v9 =	vld.idx.msk [tilespmem:v42+s11+$0x0], $0xffff;
	[tilespmem:s5+$0x7100] =	vst v2  }
0x46d: {  	v46 =	vadd.s32 $0xD548, v3;
	v2 =	vld.idx.msk [tilespmem:v43+s11+$0x0], $0xffff;
	[tilespmem:s10+$0x7100] =	vst v0  }
0x46e: {  	v47 =	vadd.s32 $0xD548, v4;
	v0 =	vld.idx.msk [tilespmem:v25+s11+$0x0], $0xffff;
	[tilespmem:s31+$0x7100] =	vst v10  }
0x46f: {  	v10 =	vld.idx.msk [tilespmem:v26+s11+$0x0], $0xffff;
	[tilespmem:s4+$0x7100] =	vst v7  }
0x470: {  	[tilespmem:s1+$0x7200] =	vst v44;
	v7 =	vld.idx.msk [tilespmem:v22+s11+$0x0], $0xffff  }
0x471: {  	v5 =	vld.idx.msk [tilespmem:v45+s11+$0x0], $0xffff;
	[tilespmem:s0+$0x7180] =	vst v9  }
0x472: {  	v9 =	vld.idx.msk [tilespmem:v46+s11+$0x0], $0xffff;
	[tilespmem:s5+$0x7180] =	vst v2  }
0x473: {  	v49 =	vadd.s32 $0xDCE6, v3;
	v2 =	vld.idx.msk [tilespmem:v47+s11+$0x0], $0xffff;
	[tilespmem:s10+$0x7180] =	vst v0  }
0x474: {  	v50 =	vadd.s32 $0xDCE6, v4;
	v0 =	vld.idx.msk [tilespmem:v23+s11+$0x0], $0xffff;
	[tilespmem:s31+$0x7180] =	vst v10  }
0x475: {  	v10 =	vld.idx.msk [tilespmem:v24+s11+$0x0], $0xffff;
	[tilespmem:s4+$0x7180] =	vst v7  }
0x476: {  	[tilespmem:s1+$0x7280] =	vst v5;
	v7 =	vld.idx.msk [tilespmem:v16+s11+$0x0], $0xffff  }
0x477: {  	v60 =	vld.idx.msk [tilespmem:v17+s11+$0x0], $0xffff;
	[tilespmem:s0+$0x7200] =	vst v9  }
0x478: {  	v48 =	vadd.s32 $0xE484, v1;
	v52 =	vld.idx.msk [tilespmem:v49+s11+$0x0], $0xffff;
	[tilespmem:s5+$0x7200] =	vst v2  }
0x479: {  	v54 =	vadd.s32 $0xE484, v3;
	v2 =	vld.idx.msk [tilespmem:v50+s11+$0x0], $0xffff;
	[tilespmem:s10+$0x7200] =	vst v0  }
0x47a: {  	v55 =	vadd.s32 $0xE484, v4;
	v0 =	vld.idx.msk [tilespmem:v21+s11+$0x0], $0xffff;
	[tilespmem:s31+$0x7200] =	vst v10  }
0x47b: {  	v53 =	vld.idx.msk [tilespmem:v15+s11+$0x0], $0xffff;
	[tilespmem:s4+$0x7200] =	vst v7  }
0x47c: {  	[tilespmem:s29+$0x7380] =	vst v60;
	v7 =	vld.idx.msk [tilespmem:v14+s11+$0x0], $0xffff  }
0x47d: {  	v5 =	vld.idx.msk [tilespmem:v48+s11+$0x0], $0xffff;
	[tilespmem:s0+$0x7280] =	vst v52  }
0x47e: {  	v51 =	vadd.s32 $0xEC22, v1;
	v56 =	vld.idx.msk [tilespmem:v54+s11+$0x0], $0xffff;
	[tilespmem:s5+$0x7280] =	vst v2  }
0x47f: {  	v58 =	vadd.s32 $0xEC22, v3;
	v2 =	vld.idx.msk [tilespmem:v55+s11+$0x0], $0xffff;
	[tilespmem:s10+$0x7280] =	vst v0  }
0x480: {  	v59 =	vadd.s32 $0xEC22, v4;
	v0 =	vld.idx.msk [tilespmem:v28+s11+$0x0], $0xffff;
	[tilespmem:s31+$0x7280] =	vst v53  }
0x481: {  	v57 =	vld.idx.msk [tilespmem:v13+s11+$0x0], $0xffff;
	[tilespmem:s4+$0x7280] =	vst v7  }
0x482: {  	[tilespmem:s1+$0x7300] =	vst v5;
	v7 =	vld.idx.msk [tilespmem:v12+s11+$0x0], $0xffff  }
0x483: {  	v1 =	vld.idx.msk [tilespmem:v51+s11+$0x0], $0xffff;
	[tilespmem:s0+$0x7300] =	vst v56  }
0x484: {  	v3 =	vld.idx.msk [tilespmem:v58+s11+$0x0], $0xffff;
	[tilespmem:s5+$0x7300] =	vst v2  }
0x485: {  	v2 =	vld.idx.msk [tilespmem:v59+s11+$0x0], $0xffff;
	[tilespmem:s10+$0x7300] =	vst v0  }
0x486: {  	v0 =	vld.idx.msk [tilespmem:v18+s11+$0x0], $0xffff;
	[tilespmem:s31+$0x7300] =	vst v57  }
0x487: {  	v61 =	vld.idx.msk [tilespmem:v20+s11+$0x0], $0xffff;
	[tilespmem:s4+$0x7300] =	vst v7  }
0x488: {  	[tilespmem:s1+$0x7380] =	vst v1;
	v63 =	vld.idx.msk [tilespmem:v19+s11+$0x0], $0xffff  }
0x489: {  	[tilespmem:s0+$0x7380] =	vst v3  }
0x48a: {  	[tilespmem:s5+$0x7380] =	vst v2  }
0x48b: {  	s28 =	sshll.u32 s28, $0x10;
	[tilespmem:s10+$0x7380] =	vst v0  }
0x48c: {  	s0 =	sor.u32 s6, s28;
	[tilespmem:s31+$0x7380] =	vst v61  }
0x48d: {  	s26 =	sadd.s32 $0x1, s26;
	s29 =	sadd.s32 s2, s0;
	[tilespmem:s4+$0x7380] =	vst v63  }
0x48e: {  	[hbm4b:s29+s3] =	stream.linear.scatter [tilespmem:s17], [sflag:$0x2], $0x1000, $0x38;
	[tilespmem:$0x1D7C0] =	vst v63  }
0x48f: {  	p0 =	sne.s32 s26, $0x19;
	s30 =	sadd.s32 s0, s7  }
0x490: {  	[hbm4b:s30+s3] =	stream.linear.scatter [tilespmem:s18], [sflag:$0x2], $0x1000, $0x38;
	[tilespmem:$0x1D7C0] =	vst v63  }
.Ltmp2:
0x491: {  	_ = 	snop;
	(pc) =	sbr.rel @p0 .LBB2_2-.Ltmp2, $4  }
0x492: {  	s31 =	sadd.s32 s0, s8  }
0x493: {  	[hbm4b:s31+s3] =	stream.linear.scatter [tilespmem:s19], [sflag:$0x2], $0x1000, $0x38;
	[tilespmem:$0x1D7C0] =	vst v63  }
0x494: {  	s24 =	sadd.s32 $0x2, s24;
	s25 =	sadd.s32 $0x2, s25;
	s0 =	sadd.s32 s0, s9  }
0x495: {  	[hbm4b:s0+s3] =	stream.linear.scatter [tilespmem:s20], [sflag:$0x2], $0x1000, $0x38;
	[tilespmem:$0x1D7C0] =	vst v63  }
0x496: {  	s0 =	simm.s32 $0x1  }
0x497: {  	_ =	swait.ge [sflag:s0], $0x4000  }
0x498: {  	[sflag:s0] =	ssyncset.done $0x0  }
0x499: {  	s1 =	simm.s32 $0x2;
	[sflag:s0] =	ssyncadd.s32 $0xFFFFC000  }
0x49a: {  	_ =	swait.ge [sflag:s1], $0x4000  }
0x49b: {  	s4 =	rddreg [dreg:$0x6]  }
0x49c: {  	s31 =	rddreg [dreg:$0x5];
	s4 =	sadd.s32 $0x1, s4  }
0x49d: {  	p0 =	sne.s32 s4, s31  }
.Ltmp3:
0x49e: {  	_ = 	snop;
	(pc) =	sbr.rel @p0 .LBB2_1-.Ltmp3, $3  }
0x49f: {  	_ =	sdelay $0x1  }
0x4a0: {  	[sflag:s1] =	ssyncset.done $0x0  }
0x4a1: {  	[sflag:s1] =	ssyncadd.s32 $0xFFFFC000  }
0x4a2: {  	_ =	sfence.sel $0x180000  }
0x4a3: {  	[bflag:$0x0] =	sbarrier.arrive $0xFFFF  }
0x4a4: {  	_ =	strace $0x90000047  }
0x4a5: {  	s0 =	stileid.u32;
	[bflag:$0x2] =	sbarrier.arrive $0xFFFF  }
0x4a6: {  	p0 =	sne.s32 s0, $0x0;
	s0 =	rddreg [dreg:$0x2]  }
0x4a7: {  	s0 =	sadd.s32 @!p0 $0x100000, s0  }
0x4a8: {  	[sflag:s0] =	ssyncadd.tile.s32 @!p0 $0x1;
	_ =	shalt  }
.Lfunc_end2:
_tile_overlayer_lowered:
.L_overlay_start_2:
0x4a9: {  	(tag) =	ssettag $0x2  }
0x4aa: {  	s0 =	rddreg [dreg:$0x0];
	s2 =	stileid.u32  }
0x4ab: {  	s1 =	rddreg [dreg:$0x1];
	p0 =	sne.s32 s2, $0x0  }
0x4ac: {  	s3 =	rddreg [dreg:$0x2];
	[bflag:$0x3] =	sbarrier.arrive $0xFFFF;
	s2 =	simm.s32 @!p0 $0x1C03  }
0x4ad: {  	[timem:s3], [sflag:s2] =	dma.local @!p0 [hbm:s0], s1  }
0x4ae: {  	s0 =	simm.s32 @!p0 $0x3  }
0x4af: {  	_ =	swait.ge @!p0 [sflag:s0], s1  }
0x4b0: {  	s1 =	ssub.s32 @!p0 $0x0, s1;
	[sflag:s0] =	ssyncset.done @!p0 $0x0  }
0x4b1: {  	[sflag:s0] =	ssyncadd.s32 @!p0 s1  }
0x4b2: {  	[bflag:$0x3] =	sbarrier.arrive $0xFFFF  }
0x4b3: {  	_ =	shalt  }

</sc_bundles>
